<compile_context>
chip_gen: v7x
topology: tpu7x:2x2x1
jax: 0.10.2.dev20260603
libtpu: 0.0.44.dev20260713+nightly
codegen_flags: <defaults>
</compile_context>

<pallas_src>
import functools

import jax
import jax.numpy as jnp
from jax import lax
from jax.experimental import pallas as pl
from jax.experimental.pallas import tpu as pltpu
from jax.experimental.pallas import tpu_sc as plsc

_CHUNK = 128


def _sc_gather(table, idx_all, NW, T, n_chunks):
    V2, W = table.shape
    b_per_w = n_chunks * _CHUNK
    B = NW * b_per_w
    mesh = plsc.VectorSubcoreMesh(core_axis_name="c", subcore_axis_name="s")
    info = plsc.get_sparse_core_info()
    NC = info.num_cores

    @functools.partial(
        pl.kernel,
        mesh=mesh,
        compiler_params=pltpu.CompilerParams(use_tc_tiling_on_sc=True),
        out_type=jax.ShapeDtypeStruct((T, B, W), jnp.float32),
        scratch_types=[
            pltpu.VMEM((T * n_chunks, _CHUNK), jnp.int32),
            pltpu.VMEM((2, _CHUNK, W), jnp.float32),
            pltpu.SemaphoreType.DMA,
            pltpu.SemaphoreType.DMA,
        ],
    )
    def k(table_hbm, idx_hbm, out_hbm, idx_v, rows_v, gsem, osem):
        wid = lax.axis_index("s") * NC + lax.axis_index("c")
        pltpu.sync_copy(idx_hbm.at[wid], idx_v)
        nj = T * n_chunks

        def out_slice(j):
            t, c = divmod(j, n_chunks)
            base = wid * b_per_w + c * _CHUNK
            return out_hbm.at[t, pl.ds(base, _CHUNK), :]

        g_cp = [None, None]
        out_cp = [None, None]
        for j in range(nj):
            buf = j % 2
            if out_cp[buf] is not None:
                out_cp[buf].wait()
            g_cp[buf] = pltpu.async_copy(
                table_hbm.at[idx_v.at[j]], rows_v.at[buf], gsem)
            if j > 0:
                ob = 1 - buf
                g_cp[ob].wait()
                out_cp[ob] = pltpu.async_copy(
                    rows_v.at[ob], out_slice(j - 1), osem)
        last = (nj - 1) % 2
        g_cp[last].wait()
        out_cp[last] = pltpu.async_copy(
            rows_v.at[last], out_slice(nj - 1), osem)
        out_cp[1 - last].wait()
        out_cp[last].wait()

    return k(table, idx_all)


def _tc_loss(gathered, center, parity, T, B, EMB, bb):
    nblk = B // bb

    def body(g_ref, c_ref, p_ref, o_ref):
        i = pl.program_id(0)

        @pl.when(i == 0)
        def _():
            o_ref[0, 0] = 0.0

        c = c_ref[...]
        total = jnp.float32(0.0)
        for t in range(T):
            s_lo = jnp.sum(g_ref[t, :, :EMB] * c, axis=1, keepdims=True)
            s_hi = jnp.sum(g_ref[t, :, EMB:] * c, axis=1, keepdims=True)
            par = p_ref[t, :].reshape(bb, 1)
            s = jnp.where(par == 1, s_hi, s_lo)
            x = -s if t == 0 else s
            sp = jnp.maximum(x, 0.0) + jnp.log1p(jnp.exp(-jnp.abs(x)))
            total = total + jnp.sum(sp)
        o_ref[0, 0] += total * (1.0 / B)

    out = pl.pallas_call(
        body,
        grid=(nblk,),
        in_specs=[
            pl.BlockSpec((T, bb, 2 * EMB), lambda i: (0, i, 0)),
            pl.BlockSpec((bb, EMB), lambda i: (i, 0)),
            pl.BlockSpec((T, bb), lambda i: (0, i)),
        ],
        out_specs=pl.BlockSpec(
            (1, 1), lambda i: (0, 0), memory_space=pltpu.SMEM),
        out_shape=jax.ShapeDtypeStruct((1, 1), jnp.float32),
    )(gathered, center, parity)
    return out[0, 0]


def kernel(center_vecs, pos_idx, neg_idx, output_emb):
    B, EMB = center_vecs.shape
    K = neg_idx.shape[1]
    T = K + 1
    NW = 32
    b_per_w = B // NW
    n_chunks = b_per_w // _CHUNK
    V = output_emb.shape[0]

    idx_all = jnp.concatenate(
        [pos_idx.astype(jnp.int32)[:, None], neg_idx.astype(jnp.int32)],
        axis=1)
    idxh = idx_all >> 1
    parity = (idx_all & 1).T
    idx_r = idxh.reshape(NW, n_chunks, _CHUNK, T).transpose(0, 3, 1, 2)
    idx_r = idx_r.reshape(NW, T * n_chunks, _CHUNK)

    emb128 = jax.lax.optimization_barrier(output_emb.reshape(V // 2, 2 * EMB))
    gathered = _sc_gather(emb128, idx_r, NW, T, n_chunks)
    return _tc_loss(gathered, center_vecs, parity, T, B, EMB, bb=2048)

# --- scband reference (transcript-rebuilt; emitter-appended) ---
"""Pipeline reference for scband-word2-vec-ns-58385785422058 (READ-ONLY COPY).

The authoritative reference and input builder live on the scoring server;
editing this copy changes nothing except your own understanding.
"""

import jax, jax.numpy as jnp
import numpy as np

VOCAB = 1000000
EMB = 64
B = 16384
K = 5

def setup_inputs(seed: int = 0) -> dict:
    key = jax.random.key(seed)
    k1, k2, k3, k4 = jax.random.split(key, 4)
    center_vecs = jax.random.normal(k1, (B, EMB), dtype=jnp.float32)
    pos_idx = jax.random.randint(k2, (B,), 0, VOCAB, dtype=jnp.int64)
    neg_idx = jax.random.randint(k3, (B, K), 0, VOCAB, dtype=jnp.int64)
    # output_emb is initialized to zeros in the torch module; we use small
    # random values instead so the benchmark computation is non-degenerate.
    output_emb = jax.random.normal(k4, (VOCAB, EMB), dtype=jnp.float32) * 0.01
    return {"center_vecs": center_vecs, "pos_idx": pos_idx, "neg_idx": neg_idx, "output_emb": output_emb}

def reference(center_vecs, pos_idx, neg_idx, output_emb):
    # pos_vecs = self.output_emb(pos_idx)
    pos_vecs = jnp.take(output_emb, pos_idx, axis=0)            # [B, EMB]
    pos_score = jnp.sum(center_vecs * pos_vecs, axis=1)        # [B]
    pos_loss = jax.nn.log_sigmoid(pos_score)                   # [B]
    # neg_vecs = self.output_emb(neg_idx)
    neg_vecs = jnp.take(output_emb, neg_idx, axis=0)            # [B, K, EMB]
    # bmm(neg_vecs, center_vecs.unsqueeze(2)).squeeze(2)
    neg_score = jnp.einsum('bkd,bd->bk', neg_vecs, center_vecs)  # [B, K]
    neg_loss = jnp.sum(jax.nn.log_sigmoid(-neg_score), axis=1)   # [B]
    loss = -(pos_loss + neg_loss)
    return jnp.mean(loss)

if __name__ == "__main__":
    import jax
    _d = setup_inputs()
    print(jax.jit(kernel)(*tuple(_d.values())))

</pallas_src>

<mosaic_0001>
#map = affine_map<(d0, d1) -> (0, 0)>
#map1 = affine_map<(d0, d1) -> (0, 0, 0)>
module attributes {stable_mosaic.version = 14 : i64} {
  func.func @k(%arg0: i32, %arg1: i32, %arg2: memref<500000x128xf32, #tpu.memory_space<hbm>>, %arg3: memref<32x24x128xi32, #tpu.memory_space<hbm>>, %arg4: memref<6x16384x128xf32, #tpu.memory_space<hbm>>, %arg5: memref<24x128xi32, #tpu.memory_space<vmem>>, %arg6: memref<2x128x128xf32, #tpu.memory_space<vmem>>, %arg7: memref<!tpu.dma_semaphore, #tpu.memory_space<semaphore_mem>>, %arg8: memref<!tpu.dma_semaphore, #tpu.memory_space<semaphore_mem>>) attributes {dimension_semantics = [#tpu.dimension_semantics<core_parallel>, #tpu.dimension_semantics<subcore_parallel>], iteration_bounds = array<i64: 2, 16>, scalar_prefetch = 0 : i64, scratch_operands = 4 : i64, tpu.core_type = #tpu.core_type<sc_vector_subcore>, window_params = [{transform_indices = #map}, {transform_indices = #map1}, {transform_indices = #map1}]} {
    %mul3A = arith.constant 2 : i32
    %mul3A_0 = arith.muli %arg1, %mul3A : i32
    %add3A = arith.addi %mul3A_0, %arg0 : i32
    "tpu.region"() ({
      %run_scoped3A = tpu.sem_alloc : memref<!tpu.dma_semaphore, #tpu.memory_space<semaphore_mem>>
      %dma_start3A_1439 = arith.constant 0 : i32
      %dma_start3A_1440 = arith.constant 0 : i32
      %dma_start3A_1441 = tpu.memref_slice %arg3[%add3A, %dma_start3A_1439, %dma_start3A_1440] : memref<32x24x128xi32, #tpu.memory_space<hbm>> -> memref<1x24x128xi32, #tpu.memory_space<hbm>>
      %dma_start3A_1442 = tpu.memref_squeeze %dma_start3A_1441 : memref<1x24x128xi32, #tpu.memory_space<hbm>> -> memref<24x128xi32, #tpu.memory_space<hbm>>
      %dma_start3A_1443 = arith.constant 0 : i32
      %dma_start3A_1444 = arith.constant 0 : i32
      %dma_start3A_1445 = tpu.memref_slice %arg3[%add3A, %dma_start3A_1443, %dma_start3A_1444] : memref<32x24x128xi32, #tpu.memory_space<hbm>> -> memref<1x24x128xi32, #tpu.memory_space<hbm>>
      %dma_start3A_1446 = tpu.memref_squeeze %dma_start3A_1445 : memref<1x24x128xi32, #tpu.memory_space<hbm>> -> memref<24x128xi32, #tpu.memory_space<hbm>>
      tpu.enqueue_dma source(%dma_start3A_1446 : memref<24x128xi32, #tpu.memory_space<hbm>>) target(%arg5 : memref<24x128xi32, #tpu.memory_space<vmem>>) target_semaphore(%run_scoped3A : memref<!tpu.dma_semaphore, #tpu.memory_space<semaphore_mem>>)
      %dma_wait3A_1447 = arith.constant 0 : i32
      %dma_wait3A_1448 = arith.constant 0 : i32
      %dma_wait3A_1449 = tpu.memref_slice %arg3[%add3A, %dma_wait3A_1447, %dma_wait3A_1448] : memref<32x24x128xi32, #tpu.memory_space<hbm>> -> memref<1x24x128xi32, #tpu.memory_space<hbm>>
      %dma_wait3A_1450 = tpu.memref_squeeze %dma_wait3A_1449 : memref<1x24x128xi32, #tpu.memory_space<hbm>> -> memref<24x128xi32, #tpu.memory_space<hbm>>
      %dma_wait3A_1451 = arith.constant 0 : i32
      %dma_wait3A_1452 = arith.constant 0 : i32
      %dma_wait3A_1453 = tpu.memref_slice %arg3[%add3A, %dma_wait3A_1451, %dma_wait3A_1452] : memref<32x24x128xi32, #tpu.memory_space<hbm>> -> memref<1x24x128xi32, #tpu.memory_space<hbm>>
      %dma_wait3A_1454 = tpu.memref_squeeze %dma_wait3A_1453 : memref<1x24x128xi32, #tpu.memory_space<hbm>> -> memref<24x128xi32, #tpu.memory_space<hbm>>
      tpu.wait_dma2 semaphore(%run_scoped3A : memref<!tpu.dma_semaphore, #tpu.memory_space<semaphore_mem>>) src(%dma_wait3A_1454 : memref<24x128xi32, #tpu.memory_space<hbm>>) dst(%arg5 : memref<24x128xi32, #tpu.memory_space<vmem>>)
      tpu.yield
    }) : () -> ()
    %dma_start3A = arith.constant 0 : i32
    %dma_start3A_1 = arith.constant 0 : i32
    %dma_start3A_2 = arith.constant 0 : i32
    %dma_start3A_3 = arith.constant 0 : i32
    %dma_start3A_4 = tpu.memref_slice %arg6[%dma_start3A_1, %dma_start3A_2, %dma_start3A_3] : memref<2x128x128xf32, #tpu.memory_space<vmem>> -> memref<1x128x128xf32, #tpu.memory_space<vmem>>
    %dma_start3A_5 = tpu.memref_squeeze %dma_start3A_4 : memref<1x128x128xf32, #tpu.memory_space<vmem>> -> memref<128x128xf32, #tpu.memory_space<vmem>>
    %dma_start3A_6 = arith.constant 0 : i32
    %dma_start3A_7 = tpu.memref_slice %arg5[%dma_start3A, %dma_start3A_6] : memref<24x128xi32, #tpu.memory_space<vmem>> -> memref<1x128xi32, #tpu.memory_space<vmem>>
    %dma_start3A_8 = tpu.memref_squeeze %dma_start3A_7 : memref<1x128xi32, #tpu.memory_space<vmem>> -> memref<128xi32, #tpu.memory_space<vmem>>
    %dma_start3A_9 = arith.constant 0 : i32
    %dma_start3A_10 = arith.constant 0 : i32
    %dma_start3A_11 = tpu.memref_slice %arg2[%dma_start3A_9, %dma_start3A_10] : memref<500000x128xf32, #tpu.memory_space<hbm>> -> memref<500000x128xf32, #tpu.memory_space<hbm>>
    tpu.enqueue_indirect_dma source(%dma_start3A_11 : memref<500000x128xf32, #tpu.memory_space<hbm>>) target(%dma_start3A_5 : memref<128x128xf32, #tpu.memory_space<vmem>>) offsets(%dma_start3A_8 : memref<128xi32, #tpu.memory_space<vmem>>) semaphore(%arg7 : memref<!tpu.dma_semaphore, #tpu.memory_space<semaphore_mem>>)
    %dma_start3A_12 = arith.constant 1 : i32
    %dma_start3A_13 = arith.constant 1 : i32
    %dma_start3A_14 = arith.constant 0 : i32
    %dma_start3A_15 = arith.constant 0 : i32
    %dma_start3A_16 = tpu.memref_slice %arg6[%dma_start3A_13, %dma_start3A_14, %dma_start3A_15] : memref<2x128x128xf32, #tpu.memory_space<vmem>> -> memref<1x128x128xf32, #tpu.memory_space<vmem>>
    %dma_start3A_17 = tpu.memref_squeeze %dma_start3A_16 : memref<1x128x128xf32, #tpu.memory_space<vmem>> -> memref<128x128xf32, #tpu.memory_space<vmem>>
    %dma_start3A_18 = arith.constant 0 : i32
    %dma_start3A_19 = tpu.memref_slice %arg5[%dma_start3A_12, %dma_start3A_18] : memref<24x128xi32, #tpu.memory_space<vmem>> -> memref<1x128xi32, #tpu.memory_space<vmem>>
    %dma_start3A_20 = tpu.memref_squeeze %dma_start3A_19 : memref<1x128xi32, #tpu.memory_space<vmem>> -> memref<128xi32, #tpu.memory_space<vmem>>
    %dma_start3A_21 = arith.constant 0 : i32
    %dma_start3A_22 = arith.constant 0 : i32
    %dma_start3A_23 = tpu.memref_slice %arg2[%dma_start3A_21, %dma_start3A_22] : memref<500000x128xf32, #tpu.memory_space<hbm>> -> memref<500000x128xf32, #tpu.memory_space<hbm>>
    tpu.enqueue_indirect_dma source(%dma_start3A_23 : memref<500000x128xf32, #tpu.memory_space<hbm>>) target(%dma_start3A_17 : memref<128x128xf32, #tpu.memory_space<vmem>>) offsets(%dma_start3A_20 : memref<128xi32, #tpu.memory_space<vmem>>) semaphore(%arg7 : memref<!tpu.dma_semaphore, #tpu.memory_space<semaphore_mem>>)
    %dma_wait3A = arith.constant 0 : i32
    %dma_wait3A_24 = arith.constant 0 : i32
    %dma_wait3A_25 = arith.constant 0 : i32
    %dma_wait3A_26 = arith.constant 0 : i32
    %dma_wait3A_27 = tpu.memref_slice %arg6[%dma_wait3A_24, %dma_wait3A_25, %dma_wait3A_26] : memref<2x128x128xf32, #tpu.memory_space<vmem>> -> memref<1x128x128xf32, #tpu.memory_space<vmem>>
    %dma_wait3A_28 = tpu.memref_squeeze %dma_wait3A_27 : memref<1x128x128xf32, #tpu.memory_space<vmem>> -> memref<128x128xf32, #tpu.memory_space<vmem>>
    %dma_wait3A_29 = arith.constant 0 : i32
    %dma_wait3A_30 = tpu.memref_slice %arg5[%dma_wait3A, %dma_wait3A_29] : memref<24x128xi32, #tpu.memory_space<vmem>> -> memref<1x128xi32, #tpu.memory_space<vmem>>
    %dma_wait3A_31 = tpu.memref_squeeze %dma_wait3A_30 : memref<1x128xi32, #tpu.memory_space<vmem>> -> memref<128xi32, #tpu.memory_space<vmem>>
    %dma_wait3A_32 = arith.constant 0 : i32
    %dma_wait3A_33 = arith.constant 0 : i32
    %dma_wait3A_34 = tpu.memref_slice %arg2[%dma_wait3A_32, %dma_wait3A_33] : memref<500000x128xf32, #tpu.memory_space<hbm>> -> memref<500000x128xf32, #tpu.memory_space<hbm>>
    tpu.wait_indirect_dma semaphore(%arg7 : memref<!tpu.dma_semaphore, #tpu.memory_space<semaphore_mem>>) src(%dma_wait3A_34 : memref<500000x128xf32, #tpu.memory_space<hbm>>) dst(%dma_wait3A_28 : memref<128x128xf32, #tpu.memory_space<vmem>>)
    %mul3A_35 = arith.constant 512 : i32
    %mul3A_36 = arith.muli %add3A, %mul3A_35 : i32
    %add3A_37 = arith.constant 0 : i32
    %add3A_38 = arith.addi %mul3A_36, %add3A_37 : i32
    %dma_start3A_39 = arith.constant 0 : i32
    %dma_start3A_40 = arith.constant 0 : i32
    %dma_start3A_41 = arith.constant 0 : i32
    %dma_start3A_42 = arith.constant 0 : i32
    %dma_start3A_43 = tpu.memref_slice %arg6[%dma_start3A_39, %dma_start3A_41, %dma_start3A_42] : memref<2x128x128xf32, #tpu.memory_space<vmem>> -> memref<1x128x128xf32, #tpu.memory_space<vmem>>
    %dma_start3A_44 = tpu.memref_squeeze %dma_start3A_43 : memref<1x128x128xf32, #tpu.memory_space<vmem>> -> memref<128x128xf32, #tpu.memory_space<vmem>>
    %dma_start3A_45 = arith.constant 0 : i32
    %dma_start3A_46 = tpu.memref_slice %arg4[%dma_start3A_40, %add3A_38, %dma_start3A_45] : memref<6x16384x128xf32, #tpu.memory_space<hbm>> -> memref<1x128x128xf32, #tpu.memory_space<hbm>>
    %dma_start3A_47 = tpu.memref_squeeze %dma_start3A_46 : memref<1x128x128xf32, #tpu.memory_space<hbm>> -> memref<128x128xf32, #tpu.memory_space<hbm>>
    %dma_start3A_48 = arith.constant 0 : i32
    %dma_start3A_49 = tpu.memref_slice %arg4[%dma_start3A_40, %add3A_38, %dma_start3A_48] : memref<6x16384x128xf32, #tpu.memory_space<hbm>> -> memref<1x128x128xf32, #tpu.memory_space<hbm>>
    %dma_start3A_50 = tpu.memref_squeeze %dma_start3A_49 : memref<1x128x128xf32, #tpu.memory_space<hbm>> -> memref<128x128xf32, #tpu.memory_space<hbm>>
    %dma_start3A_51 = arith.constant 0 : i32
    %dma_start3A_52 = arith.constant 0 : i32
    %dma_start3A_53 = tpu.memref_slice %arg6[%dma_start3A_39, %dma_start3A_51, %dma_start3A_52] : memref<2x128x128xf32, #tpu.memory_space<vmem>> -> memref<1x128x128xf32, #tpu.memory_space<vmem>>
    %dma_start3A_54 = tpu.memref_squeeze %dma_start3A_53 : memref<1x128x128xf32, #tpu.memory_space<vmem>> -> memref<128x128xf32, #tpu.memory_space<vmem>>
    tpu.enqueue_dma source(%dma_start3A_54 : memref<128x128xf32, #tpu.memory_space<vmem>>) target(%dma_start3A_50 : memref<128x128xf32, #tpu.memory_space<hbm>>) target_semaphore(%arg8 : memref<!tpu.dma_semaphore, #tpu.memory_space<semaphore_mem>>)
    %dma_wait3A_55 = arith.constant 0 : i32
    %dma_wait3A_56 = arith.constant 0 : i32
    %dma_wait3A_57 = arith.constant 0 : i32
    %dma_wait3A_58 = arith.constant 0 : i32
    %dma_wait3A_59 = tpu.memref_slice %arg6[%dma_wait3A_55, %dma_wait3A_57, %dma_wait3A_58] : memref<2x128x128xf32, #tpu.memory_space<vmem>> -> memref<1x128x128xf32, #tpu.memory_space<vmem>>
    %dma_wait3A_60 = tpu.memref_squeeze %dma_wait3A_59 : memref<1x128x128xf32, #tpu.memory_space<vmem>> -> memref<128x128xf32, #tpu.memory_space<vmem>>
    %dma_wait3A_61 = arith.constant 0 : i32
    %dma_wait3A_62 = tpu.memref_slice %arg4[%dma_wait3A_56, %add3A_38, %dma_wait3A_61] : memref<6x16384x128xf32, #tpu.memory_space<hbm>> -> memref<1x128x128xf32, #tpu.memory_space<hbm>>
    %dma_wait3A_63 = tpu.memref_squeeze %dma_wait3A_62 : memref<1x128x128xf32, #tpu.memory_space<hbm>> -> memref<128x128xf32, #tpu.memory_space<hbm>>
    %dma_wait3A_64 = arith.constant 0 : i32
    %dma_wait3A_65 = tpu.memref_slice %arg4[%dma_wait3A_56, %add3A_38, %dma_wait3A_64] : memref<6x16384x128xf32, #tpu.memory_space<hbm>> -> memref<1x128x128xf32, #tpu.memory_space<hbm>>
    %dma_wait3A_66 = tpu.memref_squeeze %dma_wait3A_65 : memref<1x128x128xf32, #tpu.memory_space<hbm>> -> memref<128x128xf32, #tpu.memory_space<hbm>>
    %dma_wait3A_67 = arith.constant 0 : i32
    %dma_wait3A_68 = arith.constant 0 : i32
    %dma_wait3A_69 = tpu.memref_slice %arg6[%dma_wait3A_55, %dma_wait3A_67, %dma_wait3A_68] : memref<2x128x128xf32, #tpu.memory_space<vmem>> -> memref<1x128x128xf32, #tpu.memory_space<vmem>>
    %dma_wait3A_70 = tpu.memref_squeeze %dma_wait3A_69 : memref<1x128x128xf32, #tpu.memory_space<vmem>> -> memref<128x128xf32, #tpu.memory_space<vmem>>
    tpu.wait_dma2 semaphore(%arg8 : memref<!tpu.dma_semaphore, #tpu.memory_space<semaphore_mem>>) src(%dma_wait3A_70 : memref<128x128xf32, #tpu.memory_space<vmem>>) dst(%dma_wait3A_66 : memref<128x128xf32, #tpu.memory_space<hbm>>)
    %dma_start3A_71 = arith.constant 2 : i32
    %dma_start3A_72 = arith.constant 0 : i32
    %dma_start3A_73 = arith.constant 0 : i32
    %dma_start3A_74 = arith.constant 0 : i32
    %dma_start3A_75 = tpu.memref_slice %arg6[%dma_start3A_72, %dma_start3A_73, %dma_start3A_74] : memref<2x128x128xf32, #tpu.memory_space<vmem>> -> memref<1x128x128xf32, #tpu.memory_space<vmem>>
    %dma_start3A_76 = tpu.memref_squeeze %dma_start3A_75 : memref<1x128x128xf32, #tpu.memory_space<vmem>> -> memref<128x128xf32, #tpu.memory_space<vmem>>
    %dma_start3A_77 = arith.constant 0 : i32
    %dma_start3A_78 = tpu.memref_slice %arg5[%dma_start3A_71, %dma_start3A_77] : memref<24x128xi32, #tpu.memory_space<vmem>> -> memref<1x128xi32, #tpu.memory_space<vmem>>
    %dma_start3A_79 = tpu.memref_squeeze %dma_start3A_78 : memref<1x128xi32, #tpu.memory_space<vmem>> -> memref<128xi32, #tpu.memory_space<vmem>>
    %dma_start3A_80 = arith.constant 0 : i32
    %dma_start3A_81 = arith.constant 0 : i32
    %dma_start3A_82 = tpu.memref_slice %arg2[%dma_start3A_80, %dma_start3A_81] : memref<500000x128xf32, #tpu.memory_space<hbm>> -> memref<500000x128xf32, #tpu.memory_space<hbm>>
    tpu.enqueue_indirect_dma source(%dma_start3A_82 : memref<500000x128xf32, #tpu.memory_space<hbm>>) target(%dma_start3A_76 : memref<128x128xf32, #tpu.memory_space<vmem>>) offsets(%dma_start3A_79 : memref<128xi32, #tpu.memory_space<vmem>>) semaphore(%arg7 : memref<!tpu.dma_semaphore, #tpu.memory_space<semaphore_mem>>)
    %dma_wait3A_83 = arith.constant 1 : i32
    %dma_wait3A_84 = arith.constant 1 : i32
    %dma_wait3A_85 = arith.constant 0 : i32
    %dma_wait3A_86 = arith.constant 0 : i32
    %dma_wait3A_87 = tpu.memref_slice %arg6[%dma_wait3A_84, %dma_wait3A_85, %dma_wait3A_86] : memref<2x128x128xf32, #tpu.memory_space<vmem>> -> memref<1x128x128xf32, #tpu.memory_space<vmem>>
    %dma_wait3A_88 = tpu.memref_squeeze %dma_wait3A_87 : memref<1x128x128xf32, #tpu.memory_space<vmem>> -> memref<128x128xf32, #tpu.memory_space<vmem>>
    %dma_wait3A_89 = arith.constant 0 : i32
    %dma_wait3A_90 = tpu.memref_slice %arg5[%dma_wait3A_83, %dma_wait3A_89] : memref<24x128xi32, #tpu.memory_space<vmem>> -> memref<1x128xi32, #tpu.memory_space<vmem>>
    %dma_wait3A_91 = tpu.memref_squeeze %dma_wait3A_90 : memref<1x128xi32, #tpu.memory_space<vmem>> -> memref<128xi32, #tpu.memory_space<vmem>>
    %dma_wait3A_92 = arith.constant 0 : i32
    %dma_wait3A_93 = arith.constant 0 : i32
    %dma_wait3A_94 = tpu.memref_slice %arg2[%dma_wait3A_92, %dma_wait3A_93] : memref<500000x128xf32, #tpu.memory_space<hbm>> -> memref<500000x128xf32, #tpu.memory_space<hbm>>
    tpu.wait_indirect_dma semaphore(%arg7 : memref<!tpu.dma_semaphore, #tpu.memory_space<semaphore_mem>>) src(%dma_wait3A_94 : memref<500000x128xf32, #tpu.memory_space<hbm>>) dst(%dma_wait3A_88 : memref<128x128xf32, #tpu.memory_space<vmem>>)
    %mul3A_95 = arith.constant 512 : i32
    %mul3A_96 = arith.muli %add3A, %mul3A_95 : i32
    %add3A_97 = arith.constant 128 : i32
    %add3A_98 = arith.addi %mul3A_96, %add3A_97 : i32
    %dma_start3A_99 = arith.constant 1 : i32
    %dma_start3A_100 = arith.constant 0 : i32
    %dma_start3A_101 = arith.constant 0 : i32
    %dma_start3A_102 = arith.constant 0 : i32
    %dma_start3A_103 = tpu.memref_slice %arg6[%dma_start3A_99, %dma_start3A_101, %dma_start3A_102] : memref<2x128x128xf32, #tpu.memory_space<vmem>> -> memref<1x128x128xf32, #tpu.memory_space<vmem>>
    %dma_start3A_104 = tpu.memref_squeeze %dma_start3A_103 : memref<1x128x128xf32, #tpu.memory_space<vmem>> -> memref<128x128xf32, #tpu.memory_space<vmem>>
    %dma_start3A_105 = arith.constant 0 : i32
    %dma_start3A_106 = tpu.memref_slice %arg4[%dma_start3A_100, %add3A_98, %dma_start3A_105] : memref<6x16384x128xf32, #tpu.memory_space<hbm>> -> memref<1x128x128xf32, #tpu.memory_space<hbm>>
    %dma_start3A_107 = tpu.memref_squeeze %dma_start3A_106 : memref<1x128x128xf32, #tpu.memory_space<hbm>> -> memref<128x128xf32, #tpu.memory_space<hbm>>
    %dma_start3A_108 = arith.constant 0 : i32
    %dma_start3A_109 = tpu.memref_slice %arg4[%dma_start3A_100, %add3A_98, %dma_start3A_108] : memref<6x16384x128xf32, #tpu.memory_space<hbm>> -> memref<1x128x128xf32, #tpu.memory_space<hbm>>
    %dma_start3A_110 = tpu.memref_squeeze %dma_start3A_109 : memref<1x128x128xf32, #tpu.memory_space<hbm>> -> memref<128x128xf32, #tpu.memory_space<hbm>>
    %dma_start3A_111 = arith.constant 0 : i32
    %dma_start3A_112 = arith.constant 0 : i32
    %dma_start3A_113 = tpu.memref_slice %arg6[%dma_start3A_99, %dma_start3A_111, %dma_start3A_112] : memref<2x128x128xf32, #tpu.memory_space<vmem>> -> memref<1x128x128xf32, #tpu.memory_space<vmem>>
    %dma_start3A_114 = tpu.memref_squeeze %dma_start3A_113 : memref<1x128x128xf32, #tpu.memory_space<vmem>> -> memref<128x128xf32, #tpu.memory_space<vmem>>
    tpu.enqueue_dma source(%dma_start3A_114 : memref<128x128xf32, #tpu.memory_space<vmem>>) target(%dma_start3A_110 : memref<128x128xf32, #tpu.memory_space<hbm>>) target_semaphore(%arg8 : memref<!tpu.dma_semaphore, #tpu.memory_space<semaphore_mem>>)
    %dma_wait3A_115 = arith.constant 1 : i32
    %dma_wait3A_116 = arith.constant 0 : i32
    %dma_wait3A_117 = arith.constant 0 : i32
    %dma_wait3A_118 = arith.constant 0 : i32
    %dma_wait3A_119 = tpu.memref_slice %arg6[%dma_wait3A_115, %dma_wait3A_117, %dma_wait3A_118] : memref<2x128x128xf32, #tpu.memory_space<vmem>> -> memref<1x128x128xf32, #tpu.memory_space<vmem>>
    %dma_wait3A_120 = tpu.memref_squeeze %dma_wait3A_119 : memref<1x128x128xf32, #tpu.memory_space<vmem>> -> memref<128x128xf32, #tpu.memory_space<vmem>>
    %dma_wait3A_121 = arith.constant 0 : i32
    %dma_wait3A_122 = tpu.memref_slice %arg4[%dma_wait3A_116, %add3A_98, %dma_wait3A_121] : memref<6x16384x128xf32, #tpu.memory_space<hbm>> -> memref<1x128x128xf32, #tpu.memory_space<hbm>>
    %dma_wait3A_123 = tpu.memref_squeeze %dma_wait3A_122 : memref<1x128x128xf32, #tpu.memory_space<hbm>> -> memref<128x128xf32, #tpu.memory_space<hbm>>
    %dma_wait3A_124 = arith.constant 0 : i32
    %dma_wait3A_125 = tpu.memref_slice %arg4[%dma_wait3A_116, %add3A_98, %dma_wait3A_124] : memref<6x16384x128xf32, #tpu.memory_space<hbm>> -> memref<1x128x128xf32, #tpu.memory_space<hbm>>
    %dma_wait3A_126 = tpu.memref_squeeze %dma_wait3A_125 : memref<1x128x128xf32, #tpu.memory_space<hbm>> -> memref<128x128xf32, #tpu.memory_space<hbm>>
    %dma_wait3A_127 = arith.constant 0 : i32
    %dma_wait3A_128 = arith.constant 0 : i32
    %dma_wait3A_129 = tpu.memref_slice %arg6[%dma_wait3A_115, %dma_wait3A_127, %dma_wait3A_128] : memref<2x128x128xf32, #tpu.memory_space<vmem>> -> memref<1x128x128xf32, #tpu.memory_space<vmem>>
    %dma_wait3A_130 = tpu.memref_squeeze %dma_wait3A_129 : memref<1x128x128xf32, #tpu.memory_space<vmem>> -> memref<128x128xf32, #tpu.memory_space<vmem>>
    tpu.wait_dma2 semaphore(%arg8 : memref<!tpu.dma_semaphore, #tpu.memory_space<semaphore_mem>>) src(%dma_wait3A_130 : memref<128x128xf32, #tpu.memory_space<vmem>>) dst(%dma_wait3A_126 : memref<128x128xf32, #tpu.memory_space<hbm>>)
    %dma_start3A_131 = arith.constant 3 : i32
    %dma_start3A_132 = arith.constant 1 : i32
    %dma_start3A_133 = arith.constant 0 : i32
    %dma_start3A_134 = arith.constant 0 : i32
    %dma_start3A_135 = tpu.memref_slice %arg6[%dma_start3A_132, %dma_start3A_133, %dma_start3A_134] : memref<2x128x128xf32, #tpu.memory_space<vmem>> -> memref<1x128x128xf32, #tpu.memory_space<vmem>>
    %dma_start3A_136 = tpu.memref_squeeze %dma_start3A_135 : memref<1x128x128xf32, #tpu.memory_space<vmem>> -> memref<128x128xf32, #tpu.memory_space<vmem>>
    %dma_start3A_137 = arith.constant 0 : i32
    %dma_start3A_138 = tpu.memref_slice %arg5[%dma_start3A_131, %dma_start3A_137] : memref<24x128xi32, #tpu.memory_space<vmem>> -> memref<1x128xi32, #tpu.memory_space<vmem>>
    %dma_start3A_139 = tpu.memref_squeeze %dma_start3A_138 : memref<1x128xi32, #tpu.memory_space<vmem>> -> memref<128xi32, #tpu.memory_space<vmem>>
    %dma_start3A_140 = arith.constant 0 : i32
    %dma_start3A_141 = arith.constant 0 : i32
    %dma_start3A_142 = tpu.memref_slice %arg2[%dma_start3A_140, %dma_start3A_141] : memref<500000x128xf32, #tpu.memory_space<hbm>> -> memref<500000x128xf32, #tpu.memory_space<hbm>>
    tpu.enqueue_indirect_dma source(%dma_start3A_142 : memref<500000x128xf32, #tpu.memory_space<hbm>>) target(%dma_start3A_136 : memref<128x128xf32, #tpu.memory_space<vmem>>) offsets(%dma_start3A_139 : memref<128xi32, #tpu.memory_space<vmem>>) semaphore(%arg7 : memref<!tpu.dma_semaphore, #tpu.memory_space<semaphore_mem>>)
    %dma_wait3A_143 = arith.constant 2 : i32
    %dma_wait3A_144 = arith.constant 0 : i32
    %dma_wait3A_145 = arith.constant 0 : i32
    %dma_wait3A_146 = arith.constant 0 : i32
    %dma_wait3A_147 = tpu.memref_slice %arg6[%dma_wait3A_144, %dma_wait3A_145, %dma_wait3A_146] : memref<2x128x128xf32, #tpu.memory_space<vmem>> -> memref<1x128x128xf32, #tpu.memory_space<vmem>>
    %dma_wait3A_148 = tpu.memref_squeeze %dma_wait3A_147 : memref<1x128x128xf32, #tpu.memory_space<vmem>> -> memref<128x128xf32, #tpu.memory_space<vmem>>
    %dma_wait3A_149 = arith.constant 0 : i32
    %dma_wait3A_150 = tpu.memref_slice %arg5[%dma_wait3A_143, %dma_wait3A_149] : memref<24x128xi32, #tpu.memory_space<vmem>> -> memref<1x128xi32, #tpu.memory_space<vmem>>
    %dma_wait3A_151 = tpu.memref_squeeze %dma_wait3A_150 : memref<1x128xi32, #tpu.memory_space<vmem>> -> memref<128xi32, #tpu.memory_space<vmem>>
    %dma_wait3A_152 = arith.constant 0 : i32
    %dma_wait3A_153 = arith.constant 0 : i32
    %dma_wait3A_154 = tpu.memref_slice %arg2[%dma_wait3A_152, %dma_wait3A_153] : memref<500000x128xf32, #tpu.memory_space<hbm>> -> memref<500000x128xf32, #tpu.memory_space<hbm>>
    tpu.wait_indirect_dma semaphore(%arg7 : memref<!tpu.dma_semaphore, #tpu.memory_space<semaphore_mem>>) src(%dma_wait3A_154 : memref<500000x128xf32, #tpu.memory_space<hbm>>) dst(%dma_wait3A_148 : memref<128x128xf32, #tpu.memory_space<vmem>>)
    %mul3A_155 = arith.constant 512 : i32
    %mul3A_156 = arith.muli %add3A, %mul3A_155 : i32
    %add3A_157 = arith.constant 256 : i32
    %add3A_158 = arith.addi %mul3A_156, %add3A_157 : i32
    %dma_start3A_159 = arith.constant 0 : i32
    %dma_start3A_160 = arith.constant 0 : i32
    %dma_start3A_161 = arith.constant 0 : i32
    %dma_start3A_162 = arith.constant 0 : i32
    %dma_start3A_163 = tpu.memref_slice %arg6[%dma_start3A_159, %dma_start3A_161, %dma_start3A_162] : memref<2x128x128xf32, #tpu.memory_space<vmem>> -> memref<1x128x128xf32, #tpu.memory_space<vmem>>
    %dma_start3A_164 = tpu.memref_squeeze %dma_start3A_163 : memref<1x128x128xf32, #tpu.memory_space<vmem>> -> memref<128x128xf32, #tpu.memory_space<vmem>>
    %dma_start3A_165 = arith.constant 0 : i32
    %dma_start3A_166 = tpu.memref_slice %arg4[%dma_start3A_160, %add3A_158, %dma_start3A_165] : memref<6x16384x128xf32, #tpu.memory_space<hbm>> -> memref<1x128x128xf32, #tpu.memory_space<hbm>>
    %dma_start3A_167 = tpu.memref_squeeze %dma_start3A_166 : memref<1x128x128xf32, #tpu.memory_space<hbm>> -> memref<128x128xf32, #tpu.memory_space<hbm>>
    %dma_start3A_168 = arith.constant 0 : i32
    %dma_start3A_169 = tpu.memref_slice %arg4[%dma_start3A_160, %add3A_158, %dma_start3A_168] : memref<6x16384x128xf32, #tpu.memory_space<hbm>> -> memref<1x128x128xf32, #tpu.memory_space<hbm>>
    %dma_start3A_170 = tpu.memref_squeeze %dma_start3A_169 : memref<1x128x128xf32, #tpu.memory_space<hbm>> -> memref<128x128xf32, #tpu.memory_space<hbm>>
    %dma_start3A_171 = arith.constant 0 : i32
    %dma_start3A_172 = arith.constant 0 : i32
    %dma_start3A_173 = tpu.memref_slice %arg6[%dma_start3A_159, %dma_start3A_171, %dma_start3A_172] : memref<2x128x128xf32, #tpu.memory_space<vmem>> -> memref<1x128x128xf32, #tpu.memory_space<vmem>>
    %dma_start3A_174 = tpu.memref_squeeze %dma_start3A_173 : memref<1x128x128xf32, #tpu.memory_space<vmem>> -> memref<128x128xf32, #tpu.memory_space<vmem>>
    tpu.enqueue_dma source(%dma_start3A_174 : memref<128x128xf32, #tpu.memory_space<vmem>>) target(%dma_start3A_170 : memref<128x128xf32, #tpu.memory_space<hbm>>) target_semaphore(%arg8 : memref<!tpu.dma_semaphore, #tpu.memory_space<semaphore_mem>>)
    %dma_wait3A_175 = arith.constant 0 : i32
    %dma_wait3A_176 = arith.constant 0 : i32
    %dma_wait3A_177 = arith.constant 0 : i32
    %dma_wait3A_178 = arith.constant 0 : i32
    %dma_wait3A_179 = tpu.memref_slice %arg6[%dma_wait3A_175, %dma_wait3A_177, %dma_wait3A_178] : memref<2x128x128xf32, #tpu.memory_space<vmem>> -> memref<1x128x128xf32, #tpu.memory_space<vmem>>
    %dma_wait3A_180 = tpu.memref_squeeze %dma_wait3A_179 : memref<1x128x128xf32, #tpu.memory_space<vmem>> -> memref<128x128xf32, #tpu.memory_space<vmem>>
    %dma_wait3A_181 = arith.constant 0 : i32
    %dma_wait3A_182 = tpu.memref_slice %arg4[%dma_wait3A_176, %add3A_158, %dma_wait3A_181] : memref<6x16384x128xf32, #tpu.memory_space<hbm>> -> memref<1x128x128xf32, #tpu.memory_space<hbm>>
    %dma_wait3A_183 = tpu.memref_squeeze %dma_wait3A_182 : memref<1x128x128xf32, #tpu.memory_space<hbm>> -> memref<128x128xf32, #tpu.memory_space<hbm>>
    %dma_wait3A_184 = arith.constant 0 : i32
    %dma_wait3A_185 = tpu.memref_slice %arg4[%dma_wait3A_176, %add3A_158, %dma_wait3A_184] : memref<6x16384x128xf32, #tpu.memory_space<hbm>> -> memref<1x128x128xf32, #tpu.memory_space<hbm>>
    %dma_wait3A_186 = tpu.memref_squeeze %dma_wait3A_185 : memref<1x128x128xf32, #tpu.memory_space<hbm>> -> memref<128x128xf32, #tpu.memory_space<hbm>>
    %dma_wait3A_187 = arith.constant 0 : i32
    %dma_wait3A_188 = arith.constant 0 : i32
    %dma_wait3A_189 = tpu.memref_slice %arg6[%dma_wait3A_175, %dma_wait3A_187, %dma_wait3A_188] : memref<2x128x128xf32, #tpu.memory_space<vmem>> -> memref<1x128x128xf32, #tpu.memory_space<vmem>>
    %dma_wait3A_190 = tpu.memref_squeeze %dma_wait3A_189 : memref<1x128x128xf32, #tpu.memory_space<vmem>> -> memref<128x128xf32, #tpu.memory_space<vmem>>
    tpu.wait_dma2 semaphore(%arg8 : memref<!tpu.dma_semaphore, #tpu.memory_space<semaphore_mem>>) src(%dma_wait3A_190 : memref<128x128xf32, #tpu.memory_space<vmem>>) dst(%dma_wait3A_186 : memref<128x128xf32, #tpu.memory_space<hbm>>)
    %dma_start3A_191 = arith.constant 4 : i32
    %dma_start3A_192 = arith.constant 0 : i32
    %dma_start3A_193 = arith.constant 0 : i32
    %dma_start3A_194 = arith.constant 0 : i32
    %dma_start3A_195 = tpu.memref_slice %arg6[%dma_start3A_192, %dma_start3A_193, %dma_start3A_194] : memref<2x128x128xf32, #tpu.memory_space<vmem>> -> memref<1x128x128xf32, #tpu.memory_space<vmem>>
    %dma_start3A_196 = tpu.memref_squeeze %dma_start3A_195 : memref<1x128x128xf32, #tpu.memory_space<vmem>> -> memref<128x128xf32, #tpu.memory_space<vmem>>
    %dma_start3A_197 = arith.constant 0 : i32
    %dma_start3A_198 = tpu.memref_slice %arg5[%dma_start3A_191, %dma_start3A_197] : memref<24x128xi32, #tpu.memory_space<vmem>> -> memref<1x128xi32, #tpu.memory_space<vmem>>
    %dma_start3A_199 = tpu.memref_squeeze %dma_start3A_198 : memref<1x128xi32, #tpu.memory_space<vmem>> -> memref<128xi32, #tpu.memory_space<vmem>>
    %dma_start3A_200 = arith.constant 0 : i32
    %dma_start3A_201 = arith.constant 0 : i32
    %dma_start3A_202 = tpu.memref_slice %arg2[%dma_start3A_200, %dma_start3A_201] : memref<500000x128xf32, #tpu.memory_space<hbm>> -> memref<500000x128xf32, #tpu.memory_space<hbm>>
    tpu.enqueue_indirect_dma source(%dma_start3A_202 : memref<500000x128xf32, #tpu.memory_space<hbm>>) target(%dma_start3A_196 : memref<128x128xf32, #tpu.memory_space<vmem>>) offsets(%dma_start3A_199 : memref<128xi32, #tpu.memory_space<vmem>>) semaphore(%arg7 : memref<!tpu.dma_semaphore, #tpu.memory_space<semaphore_mem>>)
    %dma_wait3A_203 = arith.constant 3 : i32
    %dma_wait3A_204 = arith.constant 1 : i32
    %dma_wait3A_205 = arith.constant 0 : i32
    %dma_wait3A_206 = arith.constant 0 : i32
    %dma_wait3A_207 = tpu.memref_slice %arg6[%dma_wait3A_204, %dma_wait3A_205, %dma_wait3A_206] : memref<2x128x128xf32, #tpu.memory_space<vmem>> -> memref<1x128x128xf32, #tpu.memory_space<vmem>>
    %dma_wait3A_208 = tpu.memref_squeeze %dma_wait3A_207 : memref<1x128x128xf32, #tpu.memory_space<vmem>> -> memref<128x128xf32, #tpu.memory_space<vmem>>
    %dma_wait3A_209 = arith.constant 0 : i32
    %dma_wait3A_210 = tpu.memref_slice %arg5[%dma_wait3A_203, %dma_wait3A_209] : memref<24x128xi32, #tpu.memory_space<vmem>> -> memref<1x128xi32, #tpu.memory_space<vmem>>
    %dma_wait3A_211 = tpu.memref_squeeze %dma_wait3A_210 : memref<1x128xi32, #tpu.memory_space<vmem>> -> memref<128xi32, #tpu.memory_space<vmem>>
    %dma_wait3A_212 = arith.constant 0 : i32
    %dma_wait3A_213 = arith.constant 0 : i32
    %dma_wait3A_214 = tpu.memref_slice %arg2[%dma_wait3A_212, %dma_wait3A_213] : memref<500000x128xf32, #tpu.memory_space<hbm>> -> memref<500000x128xf32, #tpu.memory_space<hbm>>
    tpu.wait_indirect_dma semaphore(%arg7 : memref<!tpu.dma_semaphore, #tpu.memory_space<semaphore_mem>>) src(%dma_wait3A_214 : memref<500000x128xf32, #tpu.memory_space<hbm>>) dst(%dma_wait3A_208 : memref<128x128xf32, #tpu.memory_space<vmem>>)
    %mul3A_215 = arith.constant 512 : i32
    %mul3A_216 = arith.muli %add3A, %mul3A_215 : i32
    %add3A_217 = arith.constant 384 : i32
    %add3A_218 = arith.addi %mul3A_216, %add3A_217 : i32
    %dma_start3A_219 = arith.constant 1 : i32
    %dma_start3A_220 = arith.constant 0 : i32
    %dma_start3A_221 = arith.constant 0 : i32
    %dma_start3A_222 = arith.constant 0 : i32
    %dma_start3A_223 = tpu.memref_slice %arg6[%dma_start3A_219, %dma_start3A_221, %dma_start3A_222] : memref<2x128x128xf32, #tpu.memory_space<vmem>> -> memref<1x128x128xf32, #tpu.memory_space<vmem>>
    %dma_start3A_224 = tpu.memref_squeeze %dma_start3A_223 : memref<1x128x128xf32, #tpu.memory_space<vmem>> -> memref<128x128xf32, #tpu.memory_space<vmem>>
    %dma_start3A_225 = arith.constant 0 : i32
    %dma_start3A_226 = tpu.memref_slice %arg4[%dma_start3A_220, %add3A_218, %dma_start3A_225] : memref<6x16384x128xf32, #tpu.memory_space<hbm>> -> memref<1x128x128xf32, #tpu.memory_space<hbm>>
    %dma_start3A_227 = tpu.memref_squeeze %dma_start3A_226 : memref<1x128x128xf32, #tpu.memory_space<hbm>> -> memref<128x128xf32, #tpu.memory_space<hbm>>
    %dma_start3A_228 = arith.constant 0 : i32
    %dma_start3A_229 = tpu.memref_slice %arg4[%dma_start3A_220, %add3A_218, %dma_start3A_228] : memref<6x16384x128xf32, #tpu.memory_space<hbm>> -> memref<1x128x128xf32, #tpu.memory_space<hbm>>
    %dma_start3A_230 = tpu.memref_squeeze %dma_start3A_229 : memref<1x128x128xf32, #tpu.memory_space<hbm>> -> memref<128x128xf32, #tpu.memory_space<hbm>>
    %dma_start3A_231 = arith.constant 0 : i32
    %dma_start3A_232 = arith.constant 0 : i32
    %dma_start3A_233 = tpu.memref_slice %arg6[%dma_start3A_219, %dma_start3A_231, %dma_start3A_232] : memref<2x128x128xf32, #tpu.memory_space<vmem>> -> memref<1x128x128xf32, #tpu.memory_space<vmem>>
    %dma_start3A_234 = tpu.memref_squeeze %dma_start3A_233 : memref<1x128x128xf32, #tpu.memory_space<vmem>> -> memref<128x128xf32, #tpu.memory_space<vmem>>
    tpu.enqueue_dma source(%dma_start3A_234 : memref<128x128xf32, #tpu.memory_space<vmem>>) target(%dma_start3A_230 : memref<128x128xf32, #tpu.memory_space<hbm>>) target_semaphore(%arg8 : memref<!tpu.dma_semaphore, #tpu.memory_space<semaphore_mem>>)
    %dma_wait3A_235 = arith.constant 1 : i32
    %dma_wait3A_236 = arith.constant 0 : i32
    %dma_wait3A_237 = arith.constant 0 : i32
    %dma_wait3A_238 = arith.constant 0 : i32
    %dma_wait3A_239 = tpu.memref_slice %arg6[%dma_wait3A_235, %dma_wait3A_237, %dma_wait3A_238] : memref<2x128x128xf32, #tpu.memory_space<vmem>> -> memref<1x128x128xf32, #tpu.memory_space<vmem>>
    %dma_wait3A_240 = tpu.memref_squeeze %dma_wait3A_239 : memref<1x128x128xf32, #tpu.memory_space<vmem>> -> memref<128x128xf32, #tpu.memory_space<vmem>>
    %dma_wait3A_241 = arith.constant 0 : i32
    %dma_wait3A_242 = tpu.memref_slice %arg4[%dma_wait3A_236, %add3A_218, %dma_wait3A_241] : memref<6x16384x128xf32, #tpu.memory_space<hbm>> -> memref<1x128x128xf32, #tpu.memory_space<hbm>>
    %dma_wait3A_243 = tpu.memref_squeeze %dma_wait3A_242 : memref<1x128x128xf32, #tpu.memory_space<hbm>> -> memref<128x128xf32, #tpu.memory_space<hbm>>
    %dma_wait3A_244 = arith.constant 0 : i32
    %dma_wait3A_245 = tpu.memref_slice %arg4[%dma_wait3A_236, %add3A_218, %dma_wait3A_244] : memref<6x16384x128xf32, #tpu.memory_space<hbm>> -> memref<1x128x128xf32, #tpu.memory_space<hbm>>
    %dma_wait3A_246 = tpu.memref_squeeze %dma_wait3A_245 : memref<1x128x128xf32, #tpu.memory_space<hbm>> -> memref<128x128xf32, #tpu.memory_space<hbm>>
    %dma_wait3A_247 = arith.constant 0 : i32
    %dma_wait3A_248 = arith.constant 0 : i32
    %dma_wait3A_249 = tpu.memref_slice %arg6[%dma_wait3A_235, %dma_wait3A_247, %dma_wait3A_248] : memref<2x128x128xf32, #tpu.memory_space<vmem>> -> memref<1x128x128xf32, #tpu.memory_space<vmem>>
    %dma_wait3A_250 = tpu.memref_squeeze %dma_wait3A_249 : memref<1x128x128xf32, #tpu.memory_space<vmem>> -> memref<128x128xf32, #tpu.memory_space<vmem>>
    tpu.wait_dma2 semaphore(%arg8 : memref<!tpu.dma_semaphore, #tpu.memory_space<semaphore_mem>>) src(%dma_wait3A_250 : memref<128x128xf32, #tpu.memory_space<vmem>>) dst(%dma_wait3A_246 : memref<128x128xf32, #tpu.memory_space<hbm>>)
    %dma_start3A_251 = arith.constant 5 : i32
    %dma_start3A_252 = arith.constant 1 : i32
    %dma_start3A_253 = arith.constant 0 : i32
    %dma_start3A_254 = arith.constant 0 : i32
    %dma_start3A_255 = tpu.memref_slice %arg6[%dma_start3A_252, %dma_start3A_253, %dma_start3A_254] : memref<2x128x128xf32, #tpu.memory_space<vmem>> -> memref<1x128x128xf32, #tpu.memory_space<vmem>>
    %dma_start3A_256 = tpu.memref_squeeze %dma_start3A_255 : memref<1x128x128xf32, #tpu.memory_space<vmem>> -> memref<128x128xf32, #tpu.memory_space<vmem>>
    %dma_start3A_257 = arith.constant 0 : i32
    %dma_start3A_258 = tpu.memref_slice %arg5[%dma_start3A_251, %dma_start3A_257] : memref<24x128xi32, #tpu.memory_space<vmem>> -> memref<1x128xi32, #tpu.memory_space<vmem>>
    %dma_start3A_259 = tpu.memref_squeeze %dma_start3A_258 : memref<1x128xi32, #tpu.memory_space<vmem>> -> memref<128xi32, #tpu.memory_space<vmem>>
    %dma_start3A_260 = arith.constant 0 : i32
    %dma_start3A_261 = arith.constant 0 : i32
    %dma_start3A_262 = tpu.memref_slice %arg2[%dma_start3A_260, %dma_start3A_261] : memref<500000x128xf32, #tpu.memory_space<hbm>> -> memref<500000x128xf32, #tpu.memory_space<hbm>>
    tpu.enqueue_indirect_dma source(%dma_start3A_262 : memref<500000x128xf32, #tpu.memory_space<hbm>>) target(%dma_start3A_256 : memref<128x128xf32, #tpu.memory_space<vmem>>) offsets(%dma_start3A_259 : memref<128xi32, #tpu.memory_space<vmem>>) semaphore(%arg7 : memref<!tpu.dma_semaphore, #tpu.memory_space<semaphore_mem>>)
    %dma_wait3A_263 = arith.constant 4 : i32
    %dma_wait3A_264 = arith.constant 0 : i32
    %dma_wait3A_265 = arith.constant 0 : i32
    %dma_wait3A_266 = arith.constant 0 : i32
    %dma_wait3A_267 = tpu.memref_slice %arg6[%dma_wait3A_264, %dma_wait3A_265, %dma_wait3A_266] : memref<2x128x128xf32, #tpu.memory_space<vmem>> -> memref<1x128x128xf32, #tpu.memory_space<vmem>>
    %dma_wait3A_268 = tpu.memref_squeeze %dma_wait3A_267 : memref<1x128x128xf32, #tpu.memory_space<vmem>> -> memref<128x128xf32, #tpu.memory_space<vmem>>
    %dma_wait3A_269 = arith.constant 0 : i32
    %dma_wait3A_270 = tpu.memref_slice %arg5[%dma_wait3A_263, %dma_wait3A_269] : memref<24x128xi32, #tpu.memory_space<vmem>> -> memref<1x128xi32, #tpu.memory_space<vmem>>
    %dma_wait3A_271 = tpu.memref_squeeze %dma_wait3A_270 : memref<1x128xi32, #tpu.memory_space<vmem>> -> memref<128xi32, #tpu.memory_space<vmem>>
    %dma_wait3A_272 = arith.constant 0 : i32
    %dma_wait3A_273 = arith.constant 0 : i32
    %dma_wait3A_274 = tpu.memref_slice %arg2[%dma_wait3A_272, %dma_wait3A_273] : memref<500000x128xf32, #tpu.memory_space<hbm>> -> memref<500000x128xf32, #tpu.memory_space<hbm>>
    tpu.wait_indirect_dma semaphore(%arg7 : memref<!tpu.dma_semaphore, #tpu.memory_space<semaphore_mem>>) src(%dma_wait3A_274 : memref<500000x128xf32, #tpu.memory_space<hbm>>) dst(%dma_wait3A_268 : memref<128x128xf32, #tpu.memory_space<vmem>>)
    %mul3A_275 = arith.constant 512 : i32
    %mul3A_276 = arith.muli %add3A, %mul3A_275 : i32
    %add3A_277 = arith.constant 0 : i32
    %add3A_278 = arith.addi %mul3A_276, %add3A_277 : i32
    %dma_start3A_279 = arith.constant 0 : i32
    %dma_start3A_280 = arith.constant 1 : i32
    %dma_start3A_281 = arith.constant 0 : i32
    %dma_start3A_282 = arith.constant 0 : i32
    %dma_start3A_283 = tpu.memref_slice %arg6[%dma_start3A_279, %dma_start3A_281, %dma_start3A_282] : memref<2x128x128xf32, #tpu.memory_space<vmem>> -> memref<1x128x128xf32, #tpu.memory_space<vmem>>
    %dma_start3A_284 = tpu.memref_squeeze %dma_start3A_283 : memref<1x128x128xf32, #tpu.memory_space<vmem>> -> memref<128x128xf32, #tpu.memory_space<vmem>>
    %dma_start3A_285 = arith.constant 0 : i32
    %dma_start3A_286 = tpu.memref_slice %arg4[%dma_start3A_280, %add3A_278, %dma_start3A_285] : memref<6x16384x128xf32, #tpu.memory_space<hbm>> -> memref<1x128x128xf32, #tpu.memory_space<hbm>>
    %dma_start3A_287 = tpu.memref_squeeze %dma_start3A_286 : memref<1x128x128xf32, #tpu.memory_space<hbm>> -> memref<128x128xf32, #tpu.memory_space<hbm>>
    %dma_start3A_288 = arith.constant 0 : i32
    %dma_start3A_289 = tpu.memref_slice %arg4[%dma_start3A_280, %add3A_278, %dma_start3A_288] : memref<6x16384x128xf32, #tpu.memory_space<hbm>> -> memref<1x128x128xf32, #tpu.memory_space<hbm>>
    %dma_start3A_290 = tpu.memref_squeeze %dma_start3A_289 : memref<1x128x128xf32, #tpu.memory_space<hbm>> -> memref<128x128xf32, #tpu.memory_space<hbm>>
    %dma_start3A_291 = arith.constant 0 : i32
    %dma_start3A_292 = arith.constant 0 : i32
    %dma_start3A_293 = tpu.memref_slice %arg6[%dma_start3A_279, %dma_start3A_291, %dma_start3A_292] : memref<2x128x128xf32, #tpu.memory_space<vmem>> -> memref<1x128x128xf32, #tpu.memory_space<vmem>>
    %dma_start3A_294 = tpu.memref_squeeze %dma_start3A_293 : memref<1x128x128xf32, #tpu.memory_space<vmem>> -> memref<128x128xf32, #tpu.memory_space<vmem>>
    tpu.enqueue_dma source(%dma_start3A_294 : memref<128x128xf32, #tpu.memory_space<vmem>>) target(%dma_start3A_290 : memref<128x128xf32, #tpu.memory_space<hbm>>) target_semaphore(%arg8 : memref<!tpu.dma_semaphore, #tpu.memory_space<semaphore_mem>>)
    %dma_wait3A_295 = arith.constant 0 : i32
    %dma_wait3A_296 = arith.constant 1 : i32
    %dma_wait3A_297 = arith.constant 0 : i32
    %dma_wait3A_298 = arith.constant 0 : i32
    %dma_wait3A_299 = tpu.memref_slice %arg6[%dma_wait3A_295, %dma_wait3A_297, %dma_wait3A_298] : memref<2x128x128xf32, #tpu.memory_space<vmem>> -> memref<1x128x128xf32, #tpu.memory_space<vmem>>
    %dma_wait3A_300 = tpu.memref_squeeze %dma_wait3A_299 : memref<1x128x128xf32, #tpu.memory_space<vmem>> -> memref<128x128xf32, #tpu.memory_space<vmem>>
    %dma_wait3A_301 = arith.constant 0 : i32
    %dma_wait3A_302 = tpu.memref_slice %arg4[%dma_wait3A_296, %add3A_278, %dma_wait3A_301] : memref<6x16384x128xf32, #tpu.memory_space<hbm>> -> memref<1x128x128xf32, #tpu.memory_space<hbm>>
    %dma_wait3A_303 = tpu.memref_squeeze %dma_wait3A_302 : memref<1x128x128xf32, #tpu.memory_space<hbm>> -> memref<128x128xf32, #tpu.memory_space<hbm>>
    %dma_wait3A_304 = arith.constant 0 : i32
    %dma_wait3A_305 = tpu.memref_slice %arg4[%dma_wait3A_296, %add3A_278, %dma_wait3A_304] : memref<6x16384x128xf32, #tpu.memory_space<hbm>> -> memref<1x128x128xf32, #tpu.memory_space<hbm>>
    %dma_wait3A_306 = tpu.memref_squeeze %dma_wait3A_305 : memref<1x128x128xf32, #tpu.memory_space<hbm>> -> memref<128x128xf32, #tpu.memory_space<hbm>>
    %dma_wait3A_307 = arith.constant 0 : i32
    %dma_wait3A_308 = arith.constant 0 : i32
    %dma_wait3A_309 = tpu.memref_slice %arg6[%dma_wait3A_295, %dma_wait3A_307, %dma_wait3A_308] : memref<2x128x128xf32, #tpu.memory_space<vmem>> -> memref<1x128x128xf32, #tpu.memory_space<vmem>>
    %dma_wait3A_310 = tpu.memref_squeeze %dma_wait3A_309 : memref<1x128x128xf32, #tpu.memory_space<vmem>> -> memref<128x128xf32, #tpu.memory_space<vmem>>
    tpu.wait_dma2 semaphore(%arg8 : memref<!tpu.dma_semaphore, #tpu.memory_space<semaphore_mem>>) src(%dma_wait3A_310 : memref<128x128xf32, #tpu.memory_space<vmem>>) dst(%dma_wait3A_306 : memref<128x128xf32, #tpu.memory_space<hbm>>)
    %dma_start3A_311 = arith.constant 6 : i32
    %dma_start3A_312 = arith.constant 0 : i32
    %dma_start3A_313 = arith.constant 0 : i32
    %dma_start3A_314 = arith.constant 0 : i32
    %dma_start3A_315 = tpu.memref_slice %arg6[%dma_start3A_312, %dma_start3A_313, %dma_start3A_314] : memref<2x128x128xf32, #tpu.memory_space<vmem>> -> memref<1x128x128xf32, #tpu.memory_space<vmem>>
    %dma_start3A_316 = tpu.memref_squeeze %dma_start3A_315 : memref<1x128x128xf32, #tpu.memory_space<vmem>> -> memref<128x128xf32, #tpu.memory_space<vmem>>
    %dma_start3A_317 = arith.constant 0 : i32
    %dma_start3A_318 = tpu.memref_slice %arg5[%dma_start3A_311, %dma_start3A_317] : memref<24x128xi32, #tpu.memory_space<vmem>> -> memref<1x128xi32, #tpu.memory_space<vmem>>
    %dma_start3A_319 = tpu.memref_squeeze %dma_start3A_318 : memref<1x128xi32, #tpu.memory_space<vmem>> -> memref<128xi32, #tpu.memory_space<vmem>>
    %dma_start3A_320 = arith.constant 0 : i32
    %dma_start3A_321 = arith.constant 0 : i32
    %dma_start3A_322 = tpu.memref_slice %arg2[%dma_start3A_320, %dma_start3A_321] : memref<500000x128xf32, #tpu.memory_space<hbm>> -> memref<500000x128xf32, #tpu.memory_space<hbm>>
    tpu.enqueue_indirect_dma source(%dma_start3A_322 : memref<500000x128xf32, #tpu.memory_space<hbm>>) target(%dma_start3A_316 : memref<128x128xf32, #tpu.memory_space<vmem>>) offsets(%dma_start3A_319 : memref<128xi32, #tpu.memory_space<vmem>>) semaphore(%arg7 : memref<!tpu.dma_semaphore, #tpu.memory_space<semaphore_mem>>)
    %dma_wait3A_323 = arith.constant 5 : i32
    %dma_wait3A_324 = arith.constant 1 : i32
    %dma_wait3A_325 = arith.constant 0 : i32
    %dma_wait3A_326 = arith.constant 0 : i32
    %dma_wait3A_327 = tpu.memref_slice %arg6[%dma_wait3A_324, %dma_wait3A_325, %dma_wait3A_326] : memref<2x128x128xf32, #tpu.memory_space<vmem>> -> memref<1x128x128xf32, #tpu.memory_space<vmem>>
    %dma_wait3A_328 = tpu.memref_squeeze %dma_wait3A_327 : memref<1x128x128xf32, #tpu.memory_space<vmem>> -> memref<128x128xf32, #tpu.memory_space<vmem>>
    %dma_wait3A_329 = arith.constant 0 : i32
    %dma_wait3A_330 = tpu.memref_slice %arg5[%dma_wait3A_323, %dma_wait3A_329] : memref<24x128xi32, #tpu.memory_space<vmem>> -> memref<1x128xi32, #tpu.memory_space<vmem>>
    %dma_wait3A_331 = tpu.memref_squeeze %dma_wait3A_330 : memref<1x128xi32, #tpu.memory_space<vmem>> -> memref<128xi32, #tpu.memory_space<vmem>>
    %dma_wait3A_332 = arith.constant 0 : i32
    %dma_wait3A_333 = arith.constant 0 : i32
    %dma_wait3A_334 = tpu.memref_slice %arg2[%dma_wait3A_332, %dma_wait3A_333] : memref<500000x128xf32, #tpu.memory_space<hbm>> -> memref<500000x128xf32, #tpu.memory_space<hbm>>
    tpu.wait_indirect_dma semaphore(%arg7 : memref<!tpu.dma_semaphore, #tpu.memory_space<semaphore_mem>>) src(%dma_wait3A_334 : memref<500000x128xf32, #tpu.memory_space<hbm>>) dst(%dma_wait3A_328 : memref<128x128xf32, #tpu.memory_space<vmem>>)
    %mul3A_335 = arith.constant 512 : i32
    %mul3A_336 = arith.muli %add3A, %mul3A_335 : i32
    %add3A_337 = arith.constant 128 : i32
    %add3A_338 = arith.addi %mul3A_336, %add3A_337 : i32
    %dma_start3A_339 = arith.constant 1 : i32
    %dma_start3A_340 = arith.constant 1 : i32
    %dma_start3A_341 = arith.constant 0 : i32
    %dma_start3A_342 = arith.constant 0 : i32
    %dma_start3A_343 = tpu.memref_slice %arg6[%dma_start3A_339, %dma_start3A_341, %dma_start3A_342] : memref<2x128x128xf32, #tpu.memory_space<vmem>> -> memref<1x128x128xf32, #tpu.memory_space<vmem>>
    %dma_start3A_344 = tpu.memref_squeeze %dma_start3A_343 : memref<1x128x128xf32, #tpu.memory_space<vmem>> -> memref<128x128xf32, #tpu.memory_space<vmem>>
    %dma_start3A_345 = arith.constant 0 : i32
    %dma_start3A_346 = tpu.memref_slice %arg4[%dma_start3A_340, %add3A_338, %dma_start3A_345] : memref<6x16384x128xf32, #tpu.memory_space<hbm>> -> memref<1x128x128xf32, #tpu.memory_space<hbm>>
    %dma_start3A_347 = tpu.memref_squeeze %dma_start3A_346 : memref<1x128x128xf32, #tpu.memory_space<hbm>> -> memref<128x128xf32, #tpu.memory_space<hbm>>
    %dma_start3A_348 = arith.constant 0 : i32
    %dma_start3A_349 = tpu.memref_slice %arg4[%dma_start3A_340, %add3A_338, %dma_start3A_348] : memref<6x16384x128xf32, #tpu.memory_space<hbm>> -> memref<1x128x128xf32, #tpu.memory_space<hbm>>
    %dma_start3A_350 = tpu.memref_squeeze %dma_start3A_349 : memref<1x128x128xf32, #tpu.memory_space<hbm>> -> memref<128x128xf32, #tpu.memory_space<hbm>>
    %dma_start3A_351 = arith.constant 0 : i32
    %dma_start3A_352 = arith.constant 0 : i32
    %dma_start3A_353 = tpu.memref_slice %arg6[%dma_start3A_339, %dma_start3A_351, %dma_start3A_352] : memref<2x128x128xf32, #tpu.memory_space<vmem>> -> memref<1x128x128xf32, #tpu.memory_space<vmem>>
    %dma_start3A_354 = tpu.memref_squeeze %dma_start3A_353 : memref<1x128x128xf32, #tpu.memory_space<vmem>> -> memref<128x128xf32, #tpu.memory_space<vmem>>
    tpu.enqueue_dma source(%dma_start3A_354 : memref<128x128xf32, #tpu.memory_space<vmem>>) target(%dma_start3A_350 : memref<128x128xf32, #tpu.memory_space<hbm>>) target_semaphore(%arg8 : memref<!tpu.dma_semaphore, #tpu.memory_space<semaphore_mem>>)
    %dma_wait3A_355 = arith.constant 1 : i32
    %dma_wait3A_356 = arith.constant 1 : i32
    %dma_wait3A_357 = arith.constant 0 : i32
    %dma_wait3A_358 = arith.constant 0 : i32
    %dma_wait3A_359 = tpu.memref_slice %arg6[%dma_wait3A_355, %dma_wait3A_357, %dma_wait3A_358] : memref<2x128x128xf32, #tpu.memory_space<vmem>> -> memref<1x128x128xf32, #tpu.memory_space<vmem>>
    %dma_wait3A_360 = tpu.memref_squeeze %dma_wait3A_359 : memref<1x128x128xf32, #tpu.memory_space<vmem>> -> memref<128x128xf32, #tpu.memory_space<vmem>>
    %dma_wait3A_361 = arith.constant 0 : i32
    %dma_wait3A_362 = tpu.memref_slice %arg4[%dma_wait3A_356, %add3A_338, %dma_wait3A_361] : memref<6x16384x128xf32, #tpu.memory_space<hbm>> -> memref<1x128x128xf32, #tpu.memory_space<hbm>>
    %dma_wait3A_363 = tpu.memref_squeeze %dma_wait3A_362 : memref<1x128x128xf32, #tpu.memory_space<hbm>> -> memref<128x128xf32, #tpu.memory_space<hbm>>
    %dma_wait3A_364 = arith.constant 0 : i32
    %dma_wait3A_365 = tpu.memref_slice %arg4[%dma_wait3A_356, %add3A_338, %dma_wait3A_364] : memref<6x16384x128xf32, #tpu.memory_space<hbm>> -> memref<1x128x128xf32, #tpu.memory_space<hbm>>
    %dma_wait3A_366 = tpu.memref_squeeze %dma_wait3A_365 : memref<1x128x128xf32, #tpu.memory_space<hbm>> -> memref<128x128xf32, #tpu.memory_space<hbm>>
    %dma_wait3A_367 = arith.constant 0 : i32
    %dma_wait3A_368 = arith.constant 0 : i32
    %dma_wait3A_369 = tpu.memref_slice %arg6[%dma_wait3A_355, %dma_wait3A_367, %dma_wait3A_368] : memref<2x128x128xf32, #tpu.memory_space<vmem>> -> memref<1x128x128xf32, #tpu.memory_space<vmem>>
    %dma_wait3A_370 = tpu.memref_squeeze %dma_wait3A_369 : memref<1x128x128xf32, #tpu.memory_space<vmem>> -> memref<128x128xf32, #tpu.memory_space<vmem>>
    tpu.wait_dma2 semaphore(%arg8 : memref<!tpu.dma_semaphore, #tpu.memory_space<semaphore_mem>>) src(%dma_wait3A_370 : memref<128x128xf32, #tpu.memory_space<vmem>>) dst(%dma_wait3A_366 : memref<128x128xf32, #tpu.memory_space<hbm>>)
    %dma_start3A_371 = arith.constant 7 : i32
    %dma_start3A_372 = arith.constant 1 : i32
    %dma_start3A_373 = arith.constant 0 : i32
    %dma_start3A_374 = arith.constant 0 : i32
    %dma_start3A_375 = tpu.memref_slice %arg6[%dma_start3A_372, %dma_start3A_373, %dma_start3A_374] : memref<2x128x128xf32, #tpu.memory_space<vmem>> -> memref<1x128x128xf32, #tpu.memory_space<vmem>>
    %dma_start3A_376 = tpu.memref_squeeze %dma_start3A_375 : memref<1x128x128xf32, #tpu.memory_space<vmem>> -> memref<128x128xf32, #tpu.memory_space<vmem>>
    %dma_start3A_377 = arith.constant 0 : i32
    %dma_start3A_378 = tpu.memref_slice %arg5[%dma_start3A_371, %dma_start3A_377] : memref<24x128xi32, #tpu.memory_space<vmem>> -> memref<1x128xi32, #tpu.memory_space<vmem>>
    %dma_start3A_379 = tpu.memref_squeeze %dma_start3A_378 : memref<1x128xi32, #tpu.memory_space<vmem>> -> memref<128xi32, #tpu.memory_space<vmem>>
    %dma_start3A_380 = arith.constant 0 : i32
    %dma_start3A_381 = arith.constant 0 : i32
    %dma_start3A_382 = tpu.memref_slice %arg2[%dma_start3A_380, %dma_start3A_381] : memref<500000x128xf32, #tpu.memory_space<hbm>> -> memref<500000x128xf32, #tpu.memory_space<hbm>>
    tpu.enqueue_indirect_dma source(%dma_start3A_382 : memref<500000x128xf32, #tpu.memory_space<hbm>>) target(%dma_start3A_376 : memref<128x128xf32, #tpu.memory_space<vmem>>) offsets(%dma_start3A_379 : memref<128xi32, #tpu.memory_space<vmem>>) semaphore(%arg7 : memref<!tpu.dma_semaphore, #tpu.memory_space<semaphore_mem>>)
    %dma_wait3A_383 = arith.constant 6 : i32
    %dma_wait3A_384 = arith.constant 0 : i32
    %dma_wait3A_385 = arith.constant 0 : i32
    %dma_wait3A_386 = arith.constant 0 : i32
    %dma_wait3A_387 = tpu.memref_slice %arg6[%dma_wait3A_384, %dma_wait3A_385, %dma_wait3A_386] : memref<2x128x128xf32, #tpu.memory_space<vmem>> -> memref<1x128x128xf32, #tpu.memory_space<vmem>>
    %dma_wait3A_388 = tpu.memref_squeeze %dma_wait3A_387 : memref<1x128x128xf32, #tpu.memory_space<vmem>> -> memref<128x128xf32, #tpu.memory_space<vmem>>
    %dma_wait3A_389 = arith.constant 0 : i32
    %dma_wait3A_390 = tpu.memref_slice %arg5[%dma_wait3A_383, %dma_wait3A_389] : memref<24x128xi32, #tpu.memory_space<vmem>> -> memref<1x128xi32, #tpu.memory_space<vmem>>
    %dma_wait3A_391 = tpu.memref_squeeze %dma_wait3A_390 : memref<1x128xi32, #tpu.memory_space<vmem>> -> memref<128xi32, #tpu.memory_space<vmem>>
    %dma_wait3A_392 = arith.constant 0 : i32
    %dma_wait3A_393 = arith.constant 0 : i32
    %dma_wait3A_394 = tpu.memref_slice %arg2[%dma_wait3A_392, %dma_wait3A_393] : memref<500000x128xf32, #tpu.memory_space<hbm>> -> memref<500000x128xf32, #tpu.memory_space<hbm>>
    tpu.wait_indirect_dma semaphore(%arg7 : memref<!tpu.dma_semaphore, #tpu.memory_space<semaphore_mem>>) src(%dma_wait3A_394 : memref<500000x128xf32, #tpu.memory_space<hbm>>) dst(%dma_wait3A_388 : memref<128x128xf32, #tpu.memory_space<vmem>>)
    %mul3A_395 = arith.constant 512 : i32
    %mul3A_396 = arith.muli %add3A, %mul3A_395 : i32
    %add3A_397 = arith.constant 256 : i32
    %add3A_398 = arith.addi %mul3A_396, %add3A_397 : i32
    %dma_start3A_399 = arith.constant 0 : i32
    %dma_start3A_400 = arith.constant 1 : i32
    %dma_start3A_401 = arith.constant 0 : i32
    %dma_start3A_402 = arith.constant 0 : i32
    %dma_start3A_403 = tpu.memref_slice %arg6[%dma_start3A_399, %dma_start3A_401, %dma_start3A_402] : memref<2x128x128xf32, #tpu.memory_space<vmem>> -> memref<1x128x128xf32, #tpu.memory_space<vmem>>
    %dma_start3A_404 = tpu.memref_squeeze %dma_start3A_403 : memref<1x128x128xf32, #tpu.memory_space<vmem>> -> memref<128x128xf32, #tpu.memory_space<vmem>>
    %dma_start3A_405 = arith.constant 0 : i32
    %dma_start3A_406 = tpu.memref_slice %arg4[%dma_start3A_400, %add3A_398, %dma_start3A_405] : memref<6x16384x128xf32, #tpu.memory_space<hbm>> -> memref<1x128x128xf32, #tpu.memory_space<hbm>>
    %dma_start3A_407 = tpu.memref_squeeze %dma_start3A_406 : memref<1x128x128xf32, #tpu.memory_space<hbm>> -> memref<128x128xf32, #tpu.memory_space<hbm>>
    %dma_start3A_408 = arith.constant 0 : i32
    %dma_start3A_409 = tpu.memref_slice %arg4[%dma_start3A_400, %add3A_398, %dma_start3A_408] : memref<6x16384x128xf32, #tpu.memory_space<hbm>> -> memref<1x128x128xf32, #tpu.memory_space<hbm>>
    %dma_start3A_410 = tpu.memref_squeeze %dma_start3A_409 : memref<1x128x128xf32, #tpu.memory_space<hbm>> -> memref<128x128xf32, #tpu.memory_space<hbm>>
    %dma_start3A_411 = arith.constant 0 : i32
    %dma_start3A_412 = arith.constant 0 : i32
    %dma_start3A_413 = tpu.memref_slice %arg6[%dma_start3A_399, %dma_start3A_411, %dma_start3A_412] : memref<2x128x128xf32, #tpu.memory_space<vmem>> -> memref<1x128x128xf32, #tpu.memory_space<vmem>>
    %dma_start3A_414 = tpu.memref_squeeze %dma_start3A_413 : memref<1x128x128xf32, #tpu.memory_space<vmem>> -> memref<128x128xf32, #tpu.memory_space<vmem>>
    tpu.enqueue_dma source(%dma_start3A_414 : memref<128x128xf32, #tpu.memory_space<vmem>>) target(%dma_start3A_410 : memref<128x128xf32, #tpu.memory_space<hbm>>) target_semaphore(%arg8 : memref<!tpu.dma_semaphore, #tpu.memory_space<semaphore_mem>>)
    %dma_wait3A_415 = arith.constant 0 : i32
    %dma_wait3A_416 = arith.constant 1 : i32
    %dma_wait3A_417 = arith.constant 0 : i32
    %dma_wait3A_418 = arith.constant 0 : i32
    %dma_wait3A_419 = tpu.memref_slice %arg6[%dma_wait3A_415, %dma_wait3A_417, %dma_wait3A_418] : memref<2x128x128xf32, #tpu.memory_space<vmem>> -> memref<1x128x128xf32, #tpu.memory_space<vmem>>
    %dma_wait3A_420 = tpu.memref_squeeze %dma_wait3A_419 : memref<1x128x128xf32, #tpu.memory_space<vmem>> -> memref<128x128xf32, #tpu.memory_space<vmem>>
    %dma_wait3A_421 = arith.constant 0 : i32
    %dma_wait3A_422 = tpu.memref_slice %arg4[%dma_wait3A_416, %add3A_398, %dma_wait3A_421] : memref<6x16384x128xf32, #tpu.memory_space<hbm>> -> memref<1x128x128xf32, #tpu.memory_space<hbm>>
    %dma_wait3A_423 = tpu.memref_squeeze %dma_wait3A_422 : memref<1x128x128xf32, #tpu.memory_space<hbm>> -> memref<128x128xf32, #tpu.memory_space<hbm>>
    %dma_wait3A_424 = arith.constant 0 : i32
    %dma_wait3A_425 = tpu.memref_slice %arg4[%dma_wait3A_416, %add3A_398, %dma_wait3A_424] : memref<6x16384x128xf32, #tpu.memory_space<hbm>> -> memref<1x128x128xf32, #tpu.memory_space<hbm>>
    %dma_wait3A_426 = tpu.memref_squeeze %dma_wait3A_425 : memref<1x128x128xf32, #tpu.memory_space<hbm>> -> memref<128x128xf32, #tpu.memory_space<hbm>>
    %dma_wait3A_427 = arith.constant 0 : i32
    %dma_wait3A_428 = arith.constant 0 : i32
    %dma_wait3A_429 = tpu.memref_slice %arg6[%dma_wait3A_415, %dma_wait3A_427, %dma_wait3A_428] : memref<2x128x128xf32, #tpu.memory_space<vmem>> -> memref<1x128x128xf32, #tpu.memory_space<vmem>>
    %dma_wait3A_430 = tpu.memref_squeeze %dma_wait3A_429 : memref<1x128x128xf32, #tpu.memory_space<vmem>> -> memref<128x128xf32, #tpu.memory_space<vmem>>
    tpu.wait_dma2 semaphore(%arg8 : memref<!tpu.dma_semaphore, #tpu.memory_space<semaphore_mem>>) src(%dma_wait3A_430 : memref<128x128xf32, #tpu.memory_space<vmem>>) dst(%dma_wait3A_426 : memref<128x128xf32, #tpu.memory_space<hbm>>)
    %dma_start3A_431 = arith.constant 8 : i32
    %dma_start3A_432 = arith.constant 0 : i32
    %dma_start3A_433 = arith.constant 0 : i32
    %dma_start3A_434 = arith.constant 0 : i32
    %dma_start3A_435 = tpu.memref_slice %arg6[%dma_start3A_432, %dma_start3A_433, %dma_start3A_434] : memref<2x128x128xf32, #tpu.memory_space<vmem>> -> memref<1x128x128xf32, #tpu.memory_space<vmem>>
    %dma_start3A_436 = tpu.memref_squeeze %dma_start3A_435 : memref<1x128x128xf32, #tpu.memory_space<vmem>> -> memref<128x128xf32, #tpu.memory_space<vmem>>
    %dma_start3A_437 = arith.constant 0 : i32
    %dma_start3A_438 = tpu.memref_slice %arg5[%dma_start3A_431, %dma_start3A_437] : memref<24x128xi32, #tpu.memory_space<vmem>> -> memref<1x128xi32, #tpu.memory_space<vmem>>
    %dma_start3A_439 = tpu.memref_squeeze %dma_start3A_438 : memref<1x128xi32, #tpu.memory_space<vmem>> -> memref<128xi32, #tpu.memory_space<vmem>>
    %dma_start3A_440 = arith.constant 0 : i32
    %dma_start3A_441 = arith.constant 0 : i32
    %dma_start3A_442 = tpu.memref_slice %arg2[%dma_start3A_440, %dma_start3A_441] : memref<500000x128xf32, #tpu.memory_space<hbm>> -> memref<500000x128xf32, #tpu.memory_space<hbm>>
    tpu.enqueue_indirect_dma source(%dma_start3A_442 : memref<500000x128xf32, #tpu.memory_space<hbm>>) target(%dma_start3A_436 : memref<128x128xf32, #tpu.memory_space<vmem>>) offsets(%dma_start3A_439 : memref<128xi32, #tpu.memory_space<vmem>>) semaphore(%arg7 : memref<!tpu.dma_semaphore, #tpu.memory_space<semaphore_mem>>)
    %dma_wait3A_443 = arith.constant 7 : i32
    %dma_wait3A_444 = arith.constant 1 : i32
    %dma_wait3A_445 = arith.constant 0 : i32
    %dma_wait3A_446 = arith.constant 0 : i32
    %dma_wait3A_447 = tpu.memref_slice %arg6[%dma_wait3A_444, %dma_wait3A_445, %dma_wait3A_446] : memref<2x128x128xf32, #tpu.memory_space<vmem>> -> memref<1x128x128xf32, #tpu.memory_space<vmem>>
    %dma_wait3A_448 = tpu.memref_squeeze %dma_wait3A_447 : memref<1x128x128xf32, #tpu.memory_space<vmem>> -> memref<128x128xf32, #tpu.memory_space<vmem>>
    %dma_wait3A_449 = arith.constant 0 : i32
    %dma_wait3A_450 = tpu.memref_slice %arg5[%dma_wait3A_443, %dma_wait3A_449] : memref<24x128xi32, #tpu.memory_space<vmem>> -> memref<1x128xi32, #tpu.memory_space<vmem>>
    %dma_wait3A_451 = tpu.memref_squeeze %dma_wait3A_450 : memref<1x128xi32, #tpu.memory_space<vmem>> -> memref<128xi32, #tpu.memory_space<vmem>>
    %dma_wait3A_452 = arith.constant 0 : i32
    %dma_wait3A_453 = arith.constant 0 : i32
    %dma_wait3A_454 = tpu.memref_slice %arg2[%dma_wait3A_452, %dma_wait3A_453] : memref<500000x128xf32, #tpu.memory_space<hbm>> -> memref<500000x128xf32, #tpu.memory_space<hbm>>
    tpu.wait_indirect_dma semaphore(%arg7 : memref<!tpu.dma_semaphore, #tpu.memory_space<semaphore_mem>>) src(%dma_wait3A_454 : memref<500000x128xf32, #tpu.memory_space<hbm>>) dst(%dma_wait3A_448 : memref<128x128xf32, #tpu.memory_space<vmem>>)
    %mul3A_455 = arith.constant 512 : i32
    %mul3A_456 = arith.muli %add3A, %mul3A_455 : i32
    %add3A_457 = arith.constant 384 : i32
    %add3A_458 = arith.addi %mul3A_456, %add3A_457 : i32
    %dma_start3A_459 = arith.constant 1 : i32
    %dma_start3A_460 = arith.constant 1 : i32
    %dma_start3A_461 = arith.constant 0 : i32
    %dma_start3A_462 = arith.constant 0 : i32
    %dma_start3A_463 = tpu.memref_slice %arg6[%dma_start3A_459, %dma_start3A_461, %dma_start3A_462] : memref<2x128x128xf32, #tpu.memory_space<vmem>> -> memref<1x128x128xf32, #tpu.memory_space<vmem>>
    %dma_start3A_464 = tpu.memref_squeeze %dma_start3A_463 : memref<1x128x128xf32, #tpu.memory_space<vmem>> -> memref<128x128xf32, #tpu.memory_space<vmem>>
    %dma_start3A_465 = arith.constant 0 : i32
    %dma_start3A_466 = tpu.memref_slice %arg4[%dma_start3A_460, %add3A_458, %dma_start3A_465] : memref<6x16384x128xf32, #tpu.memory_space<hbm>> -> memref<1x128x128xf32, #tpu.memory_space<hbm>>
    %dma_start3A_467 = tpu.memref_squeeze %dma_start3A_466 : memref<1x128x128xf32, #tpu.memory_space<hbm>> -> memref<128x128xf32, #tpu.memory_space<hbm>>
    %dma_start3A_468 = arith.constant 0 : i32
    %dma_start3A_469 = tpu.memref_slice %arg4[%dma_start3A_460, %add3A_458, %dma_start3A_468] : memref<6x16384x128xf32, #tpu.memory_space<hbm>> -> memref<1x128x128xf32, #tpu.memory_space<hbm>>
    %dma_start3A_470 = tpu.memref_squeeze %dma_start3A_469 : memref<1x128x128xf32, #tpu.memory_space<hbm>> -> memref<128x128xf32, #tpu.memory_space<hbm>>
    %dma_start3A_471 = arith.constant 0 : i32
    %dma_start3A_472 = arith.constant 0 : i32
    %dma_start3A_473 = tpu.memref_slice %arg6[%dma_start3A_459, %dma_start3A_471, %dma_start3A_472] : memref<2x128x128xf32, #tpu.memory_space<vmem>> -> memref<1x128x128xf32, #tpu.memory_space<vmem>>
    %dma_start3A_474 = tpu.memref_squeeze %dma_start3A_473 : memref<1x128x128xf32, #tpu.memory_space<vmem>> -> memref<128x128xf32, #tpu.memory_space<vmem>>
    tpu.enqueue_dma source(%dma_start3A_474 : memref<128x128xf32, #tpu.memory_space<vmem>>) target(%dma_start3A_470 : memref<128x128xf32, #tpu.memory_space<hbm>>) target_semaphore(%arg8 : memref<!tpu.dma_semaphore, #tpu.memory_space<semaphore_mem>>)
    %dma_wait3A_475 = arith.constant 1 : i32
    %dma_wait3A_476 = arith.constant 1 : i32
    %dma_wait3A_477 = arith.constant 0 : i32
    %dma_wait3A_478 = arith.constant 0 : i32
    %dma_wait3A_479 = tpu.memref_slice %arg6[%dma_wait3A_475, %dma_wait3A_477, %dma_wait3A_478] : memref<2x128x128xf32, #tpu.memory_space<vmem>> -> memref<1x128x128xf32, #tpu.memory_space<vmem>>
    %dma_wait3A_480 = tpu.memref_squeeze %dma_wait3A_479 : memref<1x128x128xf32, #tpu.memory_space<vmem>> -> memref<128x128xf32, #tpu.memory_space<vmem>>
    %dma_wait3A_481 = arith.constant 0 : i32
    %dma_wait3A_482 = tpu.memref_slice %arg4[%dma_wait3A_476, %add3A_458, %dma_wait3A_481] : memref<6x16384x128xf32, #tpu.memory_space<hbm>> -> memref<1x128x128xf32, #tpu.memory_space<hbm>>
    %dma_wait3A_483 = tpu.memref_squeeze %dma_wait3A_482 : memref<1x128x128xf32, #tpu.memory_space<hbm>> -> memref<128x128xf32, #tpu.memory_space<hbm>>
    %dma_wait3A_484 = arith.constant 0 : i32
    %dma_wait3A_485 = tpu.memref_slice %arg4[%dma_wait3A_476, %add3A_458, %dma_wait3A_484] : memref<6x16384x128xf32, #tpu.memory_space<hbm>> -> memref<1x128x128xf32, #tpu.memory_space<hbm>>
    %dma_wait3A_486 = tpu.memref_squeeze %dma_wait3A_485 : memref<1x128x128xf32, #tpu.memory_space<hbm>> -> memref<128x128xf32, #tpu.memory_space<hbm>>
    %dma_wait3A_487 = arith.constant 0 : i32
    %dma_wait3A_488 = arith.constant 0 : i32
    %dma_wait3A_489 = tpu.memref_slice %arg6[%dma_wait3A_475, %dma_wait3A_487, %dma_wait3A_488] : memref<2x128x128xf32, #tpu.memory_space<vmem>> -> memref<1x128x128xf32, #tpu.memory_space<vmem>>
    %dma_wait3A_490 = tpu.memref_squeeze %dma_wait3A_489 : memref<1x128x128xf32, #tpu.memory_space<vmem>> -> memref<128x128xf32, #tpu.memory_space<vmem>>
    tpu.wait_dma2 semaphore(%arg8 : memref<!tpu.dma_semaphore, #tpu.memory_space<semaphore_mem>>) src(%dma_wait3A_490 : memref<128x128xf32, #tpu.memory_space<vmem>>) dst(%dma_wait3A_486 : memref<128x128xf32, #tpu.memory_space<hbm>>)
    %dma_start3A_491 = arith.constant 9 : i32
    %dma_start3A_492 = arith.constant 1 : i32
    %dma_start3A_493 = arith.constant 0 : i32
    %dma_start3A_494 = arith.constant 0 : i32
    %dma_start3A_495 = tpu.memref_slice %arg6[%dma_start3A_492, %dma_start3A_493, %dma_start3A_494] : memref<2x128x128xf32, #tpu.memory_space<vmem>> -> memref<1x128x128xf32, #tpu.memory_space<vmem>>
    %dma_start3A_496 = tpu.memref_squeeze %dma_start3A_495 : memref<1x128x128xf32, #tpu.memory_space<vmem>> -> memref<128x128xf32, #tpu.memory_space<vmem>>
    %dma_start3A_497 = arith.constant 0 : i32
    %dma_start3A_498 = tpu.memref_slice %arg5[%dma_start3A_491, %dma_start3A_497] : memref<24x128xi32, #tpu.memory_space<vmem>> -> memref<1x128xi32, #tpu.memory_space<vmem>>
    %dma_start3A_499 = tpu.memref_squeeze %dma_start3A_498 : memref<1x128xi32, #tpu.memory_space<vmem>> -> memref<128xi32, #tpu.memory_space<vmem>>
    %dma_start3A_500 = arith.constant 0 : i32
    %dma_start3A_501 = arith.constant 0 : i32
    %dma_start3A_502 = tpu.memref_slice %arg2[%dma_start3A_500, %dma_start3A_501] : memref<500000x128xf32, #tpu.memory_space<hbm>> -> memref<500000x128xf32, #tpu.memory_space<hbm>>
    tpu.enqueue_indirect_dma source(%dma_start3A_502 : memref<500000x128xf32, #tpu.memory_space<hbm>>) target(%dma_start3A_496 : memref<128x128xf32, #tpu.memory_space<vmem>>) offsets(%dma_start3A_499 : memref<128xi32, #tpu.memory_space<vmem>>) semaphore(%arg7 : memref<!tpu.dma_semaphore, #tpu.memory_space<semaphore_mem>>)
    %dma_wait3A_503 = arith.constant 8 : i32
    %dma_wait3A_504 = arith.constant 0 : i32
    %dma_wait3A_505 = arith.constant 0 : i32
    %dma_wait3A_506 = arith.constant 0 : i32
    %dma_wait3A_507 = tpu.memref_slice %arg6[%dma_wait3A_504, %dma_wait3A_505, %dma_wait3A_506] : memref<2x128x128xf32, #tpu.memory_space<vmem>> -> memref<1x128x128xf32, #tpu.memory_space<vmem>>
    %dma_wait3A_508 = tpu.memref_squeeze %dma_wait3A_507 : memref<1x128x128xf32, #tpu.memory_space<vmem>> -> memref<128x128xf32, #tpu.memory_space<vmem>>
    %dma_wait3A_509 = arith.constant 0 : i32
    %dma_wait3A_510 = tpu.memref_slice %arg5[%dma_wait3A_503, %dma_wait3A_509] : memref<24x128xi32, #tpu.memory_space<vmem>> -> memref<1x128xi32, #tpu.memory_space<vmem>>
    %dma_wait3A_511 = tpu.memref_squeeze %dma_wait3A_510 : memref<1x128xi32, #tpu.memory_space<vmem>> -> memref<128xi32, #tpu.memory_space<vmem>>
    %dma_wait3A_512 = arith.constant 0 : i32
    %dma_wait3A_513 = arith.constant 0 : i32
    %dma_wait3A_514 = tpu.memref_slice %arg2[%dma_wait3A_512, %dma_wait3A_513] : memref<500000x128xf32, #tpu.memory_space<hbm>> -> memref<500000x128xf32, #tpu.memory_space<hbm>>
    tpu.wait_indirect_dma semaphore(%arg7 : memref<!tpu.dma_semaphore, #tpu.memory_space<semaphore_mem>>) src(%dma_wait3A_514 : memref<500000x128xf32, #tpu.memory_space<hbm>>) dst(%dma_wait3A_508 : memref<128x128xf32, #tpu.memory_space<vmem>>)
    %mul3A_515 = arith.constant 512 : i32
    %mul3A_516 = arith.muli %add3A, %mul3A_515 : i32
    %add3A_517 = arith.constant 0 : i32
    %add3A_518 = arith.addi %mul3A_516, %add3A_517 : i32
    %dma_start3A_519 = arith.constant 0 : i32
    %dma_start3A_520 = arith.constant 2 : i32
    %dma_start3A_521 = arith.constant 0 : i32
    %dma_start3A_522 = arith.constant 0 : i32
    %dma_start3A_523 = tpu.memref_slice %arg6[%dma_start3A_519, %dma_start3A_521, %dma_start3A_522] : memref<2x128x128xf32, #tpu.memory_space<vmem>> -> memref<1x128x128xf32, #tpu.memory_space<vmem>>
    %dma_start3A_524 = tpu.memref_squeeze %dma_start3A_523 : memref<1x128x128xf32, #tpu.memory_space<vmem>> -> memref<128x128xf32, #tpu.memory_space<vmem>>
    %dma_start3A_525 = arith.constant 0 : i32
    %dma_start3A_526 = tpu.memref_slice %arg4[%dma_start3A_520, %add3A_518, %dma_start3A_525] : memref<6x16384x128xf32, #tpu.memory_space<hbm>> -> memref<1x128x128xf32, #tpu.memory_space<hbm>>
    %dma_start3A_527 = tpu.memref_squeeze %dma_start3A_526 : memref<1x128x128xf32, #tpu.memory_space<hbm>> -> memref<128x128xf32, #tpu.memory_space<hbm>>
    %dma_start3A_528 = arith.constant 0 : i32
    %dma_start3A_529 = tpu.memref_slice %arg4[%dma_start3A_520, %add3A_518, %dma_start3A_528] : memref<6x16384x128xf32, #tpu.memory_space<hbm>> -> memref<1x128x128xf32, #tpu.memory_space<hbm>>
    %dma_start3A_530 = tpu.memref_squeeze %dma_start3A_529 : memref<1x128x128xf32, #tpu.memory_space<hbm>> -> memref<128x128xf32, #tpu.memory_space<hbm>>
    %dma_start3A_531 = arith.constant 0 : i32
    %dma_start3A_532 = arith.constant 0 : i32
    %dma_start3A_533 = tpu.memref_slice %arg6[%dma_start3A_519, %dma_start3A_531, %dma_start3A_532] : memref<2x128x128xf32, #tpu.memory_space<vmem>> -> memref<1x128x128xf32, #tpu.memory_space<vmem>>
    %dma_start3A_534 = tpu.memref_squeeze %dma_start3A_533 : memref<1x128x128xf32, #tpu.memory_space<vmem>> -> memref<128x128xf32, #tpu.memory_space<vmem>>
    tpu.enqueue_dma source(%dma_start3A_534 : memref<128x128xf32, #tpu.memory_space<vmem>>) target(%dma_start3A_530 : memref<128x128xf32, #tpu.memory_space<hbm>>) target_semaphore(%arg8 : memref<!tpu.dma_semaphore, #tpu.memory_space<semaphore_mem>>)
    %dma_wait3A_535 = arith.constant 0 : i32
    %dma_wait3A_536 = arith.constant 2 : i32
    %dma_wait3A_537 = arith.constant 0 : i32
    %dma_wait3A_538 = arith.constant 0 : i32
    %dma_wait3A_539 = tpu.memref_slice %arg6[%dma_wait3A_535, %dma_wait3A_537, %dma_wait3A_538] : memref<2x128x128xf32, #tpu.memory_space<vmem>> -> memref<1x128x128xf32, #tpu.memory_space<vmem>>
    %dma_wait3A_540 = tpu.memref_squeeze %dma_wait3A_539 : memref<1x128x128xf32, #tpu.memory_space<vmem>> -> memref<128x128xf32, #tpu.memory_space<vmem>>
    %dma_wait3A_541 = arith.constant 0 : i32
    %dma_wait3A_542 = tpu.memref_slice %arg4[%dma_wait3A_536, %add3A_518, %dma_wait3A_541] : memref<6x16384x128xf32, #tpu.memory_space<hbm>> -> memref<1x128x128xf32, #tpu.memory_space<hbm>>
    %dma_wait3A_543 = tpu.memref_squeeze %dma_wait3A_542 : memref<1x128x128xf32, #tpu.memory_space<hbm>> -> memref<128x128xf32, #tpu.memory_space<hbm>>
    %dma_wait3A_544 = arith.constant 0 : i32
    %dma_wait3A_545 = tpu.memref_slice %arg4[%dma_wait3A_536, %add3A_518, %dma_wait3A_544] : memref<6x16384x128xf32, #tpu.memory_space<hbm>> -> memref<1x128x128xf32, #tpu.memory_space<hbm>>
    %dma_wait3A_546 = tpu.memref_squeeze %dma_wait3A_545 : memref<1x128x128xf32, #tpu.memory_space<hbm>> -> memref<128x128xf32, #tpu.memory_space<hbm>>
    %dma_wait3A_547 = arith.constant 0 : i32
    %dma_wait3A_548 = arith.constant 0 : i32
    %dma_wait3A_549 = tpu.memref_slice %arg6[%dma_wait3A_535, %dma_wait3A_547, %dma_wait3A_548] : memref<2x128x128xf32, #tpu.memory_space<vmem>> -> memref<1x128x128xf32, #tpu.memory_space<vmem>>
    %dma_wait3A_550 = tpu.memref_squeeze %dma_wait3A_549 : memref<1x128x128xf32, #tpu.memory_space<vmem>> -> memref<128x128xf32, #tpu.memory_space<vmem>>
    tpu.wait_dma2 semaphore(%arg8 : memref<!tpu.dma_semaphore, #tpu.memory_space<semaphore_mem>>) src(%dma_wait3A_550 : memref<128x128xf32, #tpu.memory_space<vmem>>) dst(%dma_wait3A_546 : memref<128x128xf32, #tpu.memory_space<hbm>>)
    %dma_start3A_551 = arith.constant 10 : i32
    %dma_start3A_552 = arith.constant 0 : i32
    %dma_start3A_553 = arith.constant 0 : i32
    %dma_start3A_554 = arith.constant 0 : i32
    %dma_start3A_555 = tpu.memref_slice %arg6[%dma_start3A_552, %dma_start3A_553, %dma_start3A_554] : memref<2x128x128xf32, #tpu.memory_space<vmem>> -> memref<1x128x128xf32, #tpu.memory_space<vmem>>
    %dma_start3A_556 = tpu.memref_squeeze %dma_start3A_555 : memref<1x128x128xf32, #tpu.memory_space<vmem>> -> memref<128x128xf32, #tpu.memory_space<vmem>>
    %dma_start3A_557 = arith.constant 0 : i32
    %dma_start3A_558 = tpu.memref_slice %arg5[%dma_start3A_551, %dma_start3A_557] : memref<24x128xi32, #tpu.memory_space<vmem>> -> memref<1x128xi32, #tpu.memory_space<vmem>>
    %dma_start3A_559 = tpu.memref_squeeze %dma_start3A_558 : memref<1x128xi32, #tpu.memory_space<vmem>> -> memref<128xi32, #tpu.memory_space<vmem>>
    %dma_start3A_560 = arith.constant 0 : i32
    %dma_start3A_561 = arith.constant 0 : i32
    %dma_start3A_562 = tpu.memref_slice %arg2[%dma_start3A_560, %dma_start3A_561] : memref<500000x128xf32, #tpu.memory_space<hbm>> -> memref<500000x128xf32, #tpu.memory_space<hbm>>
    tpu.enqueue_indirect_dma source(%dma_start3A_562 : memref<500000x128xf32, #tpu.memory_space<hbm>>) target(%dma_start3A_556 : memref<128x128xf32, #tpu.memory_space<vmem>>) offsets(%dma_start3A_559 : memref<128xi32, #tpu.memory_space<vmem>>) semaphore(%arg7 : memref<!tpu.dma_semaphore, #tpu.memory_space<semaphore_mem>>)
    %dma_wait3A_563 = arith.constant 9 : i32
    %dma_wait3A_564 = arith.constant 1 : i32
    %dma_wait3A_565 = arith.constant 0 : i32
    %dma_wait3A_566 = arith.constant 0 : i32
    %dma_wait3A_567 = tpu.memref_slice %arg6[%dma_wait3A_564, %dma_wait3A_565, %dma_wait3A_566] : memref<2x128x128xf32, #tpu.memory_space<vmem>> -> memref<1x128x128xf32, #tpu.memory_space<vmem>>
    %dma_wait3A_568 = tpu.memref_squeeze %dma_wait3A_567 : memref<1x128x128xf32, #tpu.memory_space<vmem>> -> memref<128x128xf32, #tpu.memory_space<vmem>>
    %dma_wait3A_569 = arith.constant 0 : i32
    %dma_wait3A_570 = tpu.memref_slice %arg5[%dma_wait3A_563, %dma_wait3A_569] : memref<24x128xi32, #tpu.memory_space<vmem>> -> memref<1x128xi32, #tpu.memory_space<vmem>>
    %dma_wait3A_571 = tpu.memref_squeeze %dma_wait3A_570 : memref<1x128xi32, #tpu.memory_space<vmem>> -> memref<128xi32, #tpu.memory_space<vmem>>
    %dma_wait3A_572 = arith.constant 0 : i32
    %dma_wait3A_573 = arith.constant 0 : i32
    %dma_wait3A_574 = tpu.memref_slice %arg2[%dma_wait3A_572, %dma_wait3A_573] : memref<500000x128xf32, #tpu.memory_space<hbm>> -> memref<500000x128xf32, #tpu.memory_space<hbm>>
    tpu.wait_indirect_dma semaphore(%arg7 : memref<!tpu.dma_semaphore, #tpu.memory_space<semaphore_mem>>) src(%dma_wait3A_574 : memref<500000x128xf32, #tpu.memory_space<hbm>>) dst(%dma_wait3A_568 : memref<128x128xf32, #tpu.memory_space<vmem>>)
    %mul3A_575 = arith.constant 512 : i32
    %mul3A_576 = arith.muli %add3A, %mul3A_575 : i32
    %add3A_577 = arith.constant 128 : i32
    %add3A_578 = arith.addi %mul3A_576, %add3A_577 : i32
    %dma_start3A_579 = arith.constant 1 : i32
    %dma_start3A_580 = arith.constant 2 : i32
    %dma_start3A_581 = arith.constant 0 : i32
    %dma_start3A_582 = arith.constant 0 : i32
    %dma_start3A_583 = tpu.memref_slice %arg6[%dma_start3A_579, %dma_start3A_581, %dma_start3A_582] : memref<2x128x128xf32, #tpu.memory_space<vmem>> -> memref<1x128x128xf32, #tpu.memory_space<vmem>>
    %dma_start3A_584 = tpu.memref_squeeze %dma_start3A_583 : memref<1x128x128xf32, #tpu.memory_space<vmem>> -> memref<128x128xf32, #tpu.memory_space<vmem>>
    %dma_start3A_585 = arith.constant 0 : i32
    %dma_start3A_586 = tpu.memref_slice %arg4[%dma_start3A_580, %add3A_578, %dma_start3A_585] : memref<6x16384x128xf32, #tpu.memory_space<hbm>> -> memref<1x128x128xf32, #tpu.memory_space<hbm>>
    %dma_start3A_587 = tpu.memref_squeeze %dma_start3A_586 : memref<1x128x128xf32, #tpu.memory_space<hbm>> -> memref<128x128xf32, #tpu.memory_space<hbm>>
    %dma_start3A_588 = arith.constant 0 : i32
    %dma_start3A_589 = tpu.memref_slice %arg4[%dma_start3A_580, %add3A_578, %dma_start3A_588] : memref<6x16384x128xf32, #tpu.memory_space<hbm>> -> memref<1x128x128xf32, #tpu.memory_space<hbm>>
    %dma_start3A_590 = tpu.memref_squeeze %dma_start3A_589 : memref<1x128x128xf32, #tpu.memory_space<hbm>> -> memref<128x128xf32, #tpu.memory_space<hbm>>
    %dma_start3A_591 = arith.constant 0 : i32
    %dma_start3A_592 = arith.constant 0 : i32
    %dma_start3A_593 = tpu.memref_slice %arg6[%dma_start3A_579, %dma_start3A_591, %dma_start3A_592] : memref<2x128x128xf32, #tpu.memory_space<vmem>> -> memref<1x128x128xf32, #tpu.memory_space<vmem>>
    %dma_start3A_594 = tpu.memref_squeeze %dma_start3A_593 : memref<1x128x128xf32, #tpu.memory_space<vmem>> -> memref<128x128xf32, #tpu.memory_space<vmem>>
    tpu.enqueue_dma source(%dma_start3A_594 : memref<128x128xf32, #tpu.memory_space<vmem>>) target(%dma_start3A_590 : memref<128x128xf32, #tpu.memory_space<hbm>>) target_semaphore(%arg8 : memref<!tpu.dma_semaphore, #tpu.memory_space<semaphore_mem>>)
    %dma_wait3A_595 = arith.constant 1 : i32
    %dma_wait3A_596 = arith.constant 2 : i32
    %dma_wait3A_597 = arith.constant 0 : i32
    %dma_wait3A_598 = arith.constant 0 : i32
    %dma_wait3A_599 = tpu.memref_slice %arg6[%dma_wait3A_595, %dma_wait3A_597, %dma_wait3A_598] : memref<2x128x128xf32, #tpu.memory_space<vmem>> -> memref<1x128x128xf32, #tpu.memory_space<vmem>>
    %dma_wait3A_600 = tpu.memref_squeeze %dma_wait3A_599 : memref<1x128x128xf32, #tpu.memory_space<vmem>> -> memref<128x128xf32, #tpu.memory_space<vmem>>
    %dma_wait3A_601 = arith.constant 0 : i32
    %dma_wait3A_602 = tpu.memref_slice %arg4[%dma_wait3A_596, %add3A_578, %dma_wait3A_601] : memref<6x16384x128xf32, #tpu.memory_space<hbm>> -> memref<1x128x128xf32, #tpu.memory_space<hbm>>
    %dma_wait3A_603 = tpu.memref_squeeze %dma_wait3A_602 : memref<1x128x128xf32, #tpu.memory_space<hbm>> -> memref<128x128xf32, #tpu.memory_space<hbm>>
    %dma_wait3A_604 = arith.constant 0 : i32
    %dma_wait3A_605 = tpu.memref_slice %arg4[%dma_wait3A_596, %add3A_578, %dma_wait3A_604] : memref<6x16384x128xf32, #tpu.memory_space<hbm>> -> memref<1x128x128xf32, #tpu.memory_space<hbm>>
    %dma_wait3A_606 = tpu.memref_squeeze %dma_wait3A_605 : memref<1x128x128xf32, #tpu.memory_space<hbm>> -> memref<128x128xf32, #tpu.memory_space<hbm>>
    %dma_wait3A_607 = arith.constant 0 : i32
    %dma_wait3A_608 = arith.constant 0 : i32
    %dma_wait3A_609 = tpu.memref_slice %arg6[%dma_wait3A_595, %dma_wait3A_607, %dma_wait3A_608] : memref<2x128x128xf32, #tpu.memory_space<vmem>> -> memref<1x128x128xf32, #tpu.memory_space<vmem>>
    %dma_wait3A_610 = tpu.memref_squeeze %dma_wait3A_609 : memref<1x128x128xf32, #tpu.memory_space<vmem>> -> memref<128x128xf32, #tpu.memory_space<vmem>>
    tpu.wait_dma2 semaphore(%arg8 : memref<!tpu.dma_semaphore, #tpu.memory_space<semaphore_mem>>) src(%dma_wait3A_610 : memref<128x128xf32, #tpu.memory_space<vmem>>) dst(%dma_wait3A_606 : memref<128x128xf32, #tpu.memory_space<hbm>>)
    %dma_start3A_611 = arith.constant 11 : i32
    %dma_start3A_612 = arith.constant 1 : i32
    %dma_start3A_613 = arith.constant 0 : i32
    %dma_start3A_614 = arith.constant 0 : i32
    %dma_start3A_615 = tpu.memref_slice %arg6[%dma_start3A_612, %dma_start3A_613, %dma_start3A_614] : memref<2x128x128xf32, #tpu.memory_space<vmem>> -> memref<1x128x128xf32, #tpu.memory_space<vmem>>
    %dma_start3A_616 = tpu.memref_squeeze %dma_start3A_615 : memref<1x128x128xf32, #tpu.memory_space<vmem>> -> memref<128x128xf32, #tpu.memory_space<vmem>>
    %dma_start3A_617 = arith.constant 0 : i32
    %dma_start3A_618 = tpu.memref_slice %arg5[%dma_start3A_611, %dma_start3A_617] : memref<24x128xi32, #tpu.memory_space<vmem>> -> memref<1x128xi32, #tpu.memory_space<vmem>>
    %dma_start3A_619 = tpu.memref_squeeze %dma_start3A_618 : memref<1x128xi32, #tpu.memory_space<vmem>> -> memref<128xi32, #tpu.memory_space<vmem>>
    %dma_start3A_620 = arith.constant 0 : i32
    %dma_start3A_621 = arith.constant 0 : i32
    %dma_start3A_622 = tpu.memref_slice %arg2[%dma_start3A_620, %dma_start3A_621] : memref<500000x128xf32, #tpu.memory_space<hbm>> -> memref<500000x128xf32, #tpu.memory_space<hbm>>
    tpu.enqueue_indirect_dma source(%dma_start3A_622 : memref<500000x128xf32, #tpu.memory_space<hbm>>) target(%dma_start3A_616 : memref<128x128xf32, #tpu.memory_space<vmem>>) offsets(%dma_start3A_619 : memref<128xi32, #tpu.memory_space<vmem>>) semaphore(%arg7 : memref<!tpu.dma_semaphore, #tpu.memory_space<semaphore_mem>>)
    %dma_wait3A_623 = arith.constant 10 : i32
    %dma_wait3A_624 = arith.constant 0 : i32
    %dma_wait3A_625 = arith.constant 0 : i32
    %dma_wait3A_626 = arith.constant 0 : i32
    %dma_wait3A_627 = tpu.memref_slice %arg6[%dma_wait3A_624, %dma_wait3A_625, %dma_wait3A_626] : memref<2x128x128xf32, #tpu.memory_space<vmem>> -> memref<1x128x128xf32, #tpu.memory_space<vmem>>
    %dma_wait3A_628 = tpu.memref_squeeze %dma_wait3A_627 : memref<1x128x128xf32, #tpu.memory_space<vmem>> -> memref<128x128xf32, #tpu.memory_space<vmem>>
    %dma_wait3A_629 = arith.constant 0 : i32
    %dma_wait3A_630 = tpu.memref_slice %arg5[%dma_wait3A_623, %dma_wait3A_629] : memref<24x128xi32, #tpu.memory_space<vmem>> -> memref<1x128xi32, #tpu.memory_space<vmem>>
    %dma_wait3A_631 = tpu.memref_squeeze %dma_wait3A_630 : memref<1x128xi32, #tpu.memory_space<vmem>> -> memref<128xi32, #tpu.memory_space<vmem>>
    %dma_wait3A_632 = arith.constant 0 : i32
    %dma_wait3A_633 = arith.constant 0 : i32
    %dma_wait3A_634 = tpu.memref_slice %arg2[%dma_wait3A_632, %dma_wait3A_633] : memref<500000x128xf32, #tpu.memory_space<hbm>> -> memref<500000x128xf32, #tpu.memory_space<hbm>>
    tpu.wait_indirect_dma semaphore(%arg7 : memref<!tpu.dma_semaphore, #tpu.memory_space<semaphore_mem>>) src(%dma_wait3A_634 : memref<500000x128xf32, #tpu.memory_space<hbm>>) dst(%dma_wait3A_628 : memref<128x128xf32, #tpu.memory_space<vmem>>)
    %mul3A_635 = arith.constant 512 : i32
    %mul3A_636 = arith.muli %add3A, %mul3A_635 : i32
    %add3A_637 = arith.constant 256 : i32
    %add3A_638 = arith.addi %mul3A_636, %add3A_637 : i32
    %dma_start3A_639 = arith.constant 0 : i32
    %dma_start3A_640 = arith.constant 2 : i32
    %dma_start3A_641 = arith.constant 0 : i32
    %dma_start3A_642 = arith.constant 0 : i32
    %dma_start3A_643 = tpu.memref_slice %arg6[%dma_start3A_639, %dma_start3A_641, %dma_start3A_642] : memref<2x128x128xf32, #tpu.memory_space<vmem>> -> memref<1x128x128xf32, #tpu.memory_space<vmem>>
    %dma_start3A_644 = tpu.memref_squeeze %dma_start3A_643 : memref<1x128x128xf32, #tpu.memory_space<vmem>> -> memref<128x128xf32, #tpu.memory_space<vmem>>
    %dma_start3A_645 = arith.constant 0 : i32
    %dma_start3A_646 = tpu.memref_slice %arg4[%dma_start3A_640, %add3A_638, %dma_start3A_645] : memref<6x16384x128xf32, #tpu.memory_space<hbm>> -> memref<1x128x128xf32, #tpu.memory_space<hbm>>
    %dma_start3A_647 = tpu.memref_squeeze %dma_start3A_646 : memref<1x128x128xf32, #tpu.memory_space<hbm>> -> memref<128x128xf32, #tpu.memory_space<hbm>>
    %dma_start3A_648 = arith.constant 0 : i32
    %dma_start3A_649 = tpu.memref_slice %arg4[%dma_start3A_640, %add3A_638, %dma_start3A_648] : memref<6x16384x128xf32, #tpu.memory_space<hbm>> -> memref<1x128x128xf32, #tpu.memory_space<hbm>>
    %dma_start3A_650 = tpu.memref_squeeze %dma_start3A_649 : memref<1x128x128xf32, #tpu.memory_space<hbm>> -> memref<128x128xf32, #tpu.memory_space<hbm>>
    %dma_start3A_651 = arith.constant 0 : i32
    %dma_start3A_652 = arith.constant 0 : i32
    %dma_start3A_653 = tpu.memref_slice %arg6[%dma_start3A_639, %dma_start3A_651, %dma_start3A_652] : memref<2x128x128xf32, #tpu.memory_space<vmem>> -> memref<1x128x128xf32, #tpu.memory_space<vmem>>
    %dma_start3A_654 = tpu.memref_squeeze %dma_start3A_653 : memref<1x128x128xf32, #tpu.memory_space<vmem>> -> memref<128x128xf32, #tpu.memory_space<vmem>>
    tpu.enqueue_dma source(%dma_start3A_654 : memref<128x128xf32, #tpu.memory_space<vmem>>) target(%dma_start3A_650 : memref<128x128xf32, #tpu.memory_space<hbm>>) target_semaphore(%arg8 : memref<!tpu.dma_semaphore, #tpu.memory_space<semaphore_mem>>)
    %dma_wait3A_655 = arith.constant 0 : i32
    %dma_wait3A_656 = arith.constant 2 : i32
    %dma_wait3A_657 = arith.constant 0 : i32
    %dma_wait3A_658 = arith.constant 0 : i32
    %dma_wait3A_659 = tpu.memref_slice %arg6[%dma_wait3A_655, %dma_wait3A_657, %dma_wait3A_658] : memref<2x128x128xf32, #tpu.memory_space<vmem>> -> memref<1x128x128xf32, #tpu.memory_space<vmem>>
    %dma_wait3A_660 = tpu.memref_squeeze %dma_wait3A_659 : memref<1x128x128xf32, #tpu.memory_space<vmem>> -> memref<128x128xf32, #tpu.memory_space<vmem>>
    %dma_wait3A_661 = arith.constant 0 : i32
    %dma_wait3A_662 = tpu.memref_slice %arg4[%dma_wait3A_656, %add3A_638, %dma_wait3A_661] : memref<6x16384x128xf32, #tpu.memory_space<hbm>> -> memref<1x128x128xf32, #tpu.memory_space<hbm>>
    %dma_wait3A_663 = tpu.memref_squeeze %dma_wait3A_662 : memref<1x128x128xf32, #tpu.memory_space<hbm>> -> memref<128x128xf32, #tpu.memory_space<hbm>>
    %dma_wait3A_664 = arith.constant 0 : i32
    %dma_wait3A_665 = tpu.memref_slice %arg4[%dma_wait3A_656, %add3A_638, %dma_wait3A_664] : memref<6x16384x128xf32, #tpu.memory_space<hbm>> -> memref<1x128x128xf32, #tpu.memory_space<hbm>>
    %dma_wait3A_666 = tpu.memref_squeeze %dma_wait3A_665 : memref<1x128x128xf32, #tpu.memory_space<hbm>> -> memref<128x128xf32, #tpu.memory_space<hbm>>
    %dma_wait3A_667 = arith.constant 0 : i32
    %dma_wait3A_668 = arith.constant 0 : i32
    %dma_wait3A_669 = tpu.memref_slice %arg6[%dma_wait3A_655, %dma_wait3A_667, %dma_wait3A_668] : memref<2x128x128xf32, #tpu.memory_space<vmem>> -> memref<1x128x128xf32, #tpu.memory_space<vmem>>
    %dma_wait3A_670 = tpu.memref_squeeze %dma_wait3A_669 : memref<1x128x128xf32, #tpu.memory_space<vmem>> -> memref<128x128xf32, #tpu.memory_space<vmem>>
    tpu.wait_dma2 semaphore(%arg8 : memref<!tpu.dma_semaphore, #tpu.memory_space<semaphore_mem>>) src(%dma_wait3A_670 : memref<128x128xf32, #tpu.memory_space<vmem>>) dst(%dma_wait3A_666 : memref<128x128xf32, #tpu.memory_space<hbm>>)
    %dma_start3A_671 = arith.constant 12 : i32
    %dma_start3A_672 = arith.constant 0 : i32
    %dma_start3A_673 = arith.constant 0 : i32
    %dma_start3A_674 = arith.constant 0 : i32
    %dma_start3A_675 = tpu.memref_slice %arg6[%dma_start3A_672, %dma_start3A_673, %dma_start3A_674] : memref<2x128x128xf32, #tpu.memory_space<vmem>> -> memref<1x128x128xf32, #tpu.memory_space<vmem>>
    %dma_start3A_676 = tpu.memref_squeeze %dma_start3A_675 : memref<1x128x128xf32, #tpu.memory_space<vmem>> -> memref<128x128xf32, #tpu.memory_space<vmem>>
    %dma_start3A_677 = arith.constant 0 : i32
    %dma_start3A_678 = tpu.memref_slice %arg5[%dma_start3A_671, %dma_start3A_677] : memref<24x128xi32, #tpu.memory_space<vmem>> -> memref<1x128xi32, #tpu.memory_space<vmem>>
    %dma_start3A_679 = tpu.memref_squeeze %dma_start3A_678 : memref<1x128xi32, #tpu.memory_space<vmem>> -> memref<128xi32, #tpu.memory_space<vmem>>
    %dma_start3A_680 = arith.constant 0 : i32
    %dma_start3A_681 = arith.constant 0 : i32
    %dma_start3A_682 = tpu.memref_slice %arg2[%dma_start3A_680, %dma_start3A_681] : memref<500000x128xf32, #tpu.memory_space<hbm>> -> memref<500000x128xf32, #tpu.memory_space<hbm>>
    tpu.enqueue_indirect_dma source(%dma_start3A_682 : memref<500000x128xf32, #tpu.memory_space<hbm>>) target(%dma_start3A_676 : memref<128x128xf32, #tpu.memory_space<vmem>>) offsets(%dma_start3A_679 : memref<128xi32, #tpu.memory_space<vmem>>) semaphore(%arg7 : memref<!tpu.dma_semaphore, #tpu.memory_space<semaphore_mem>>)
    %dma_wait3A_683 = arith.constant 11 : i32
    %dma_wait3A_684 = arith.constant 1 : i32
    %dma_wait3A_685 = arith.constant 0 : i32
    %dma_wait3A_686 = arith.constant 0 : i32
    %dma_wait3A_687 = tpu.memref_slice %arg6[%dma_wait3A_684, %dma_wait3A_685, %dma_wait3A_686] : memref<2x128x128xf32, #tpu.memory_space<vmem>> -> memref<1x128x128xf32, #tpu.memory_space<vmem>>
    %dma_wait3A_688 = tpu.memref_squeeze %dma_wait3A_687 : memref<1x128x128xf32, #tpu.memory_space<vmem>> -> memref<128x128xf32, #tpu.memory_space<vmem>>
    %dma_wait3A_689 = arith.constant 0 : i32
    %dma_wait3A_690 = tpu.memref_slice %arg5[%dma_wait3A_683, %dma_wait3A_689] : memref<24x128xi32, #tpu.memory_space<vmem>> -> memref<1x128xi32, #tpu.memory_space<vmem>>
    %dma_wait3A_691 = tpu.memref_squeeze %dma_wait3A_690 : memref<1x128xi32, #tpu.memory_space<vmem>> -> memref<128xi32, #tpu.memory_space<vmem>>
    %dma_wait3A_692 = arith.constant 0 : i32
    %dma_wait3A_693 = arith.constant 0 : i32
    %dma_wait3A_694 = tpu.memref_slice %arg2[%dma_wait3A_692, %dma_wait3A_693] : memref<500000x128xf32, #tpu.memory_space<hbm>> -> memref<500000x128xf32, #tpu.memory_space<hbm>>
    tpu.wait_indirect_dma semaphore(%arg7 : memref<!tpu.dma_semaphore, #tpu.memory_space<semaphore_mem>>) src(%dma_wait3A_694 : memref<500000x128xf32, #tpu.memory_space<hbm>>) dst(%dma_wait3A_688 : memref<128x128xf32, #tpu.memory_space<vmem>>)
    %mul3A_695 = arith.constant 512 : i32
    %mul3A_696 = arith.muli %add3A, %mul3A_695 : i32
    %add3A_697 = arith.constant 384 : i32
    %add3A_698 = arith.addi %mul3A_696, %add3A_697 : i32
    %dma_start3A_699 = arith.constant 1 : i32
    %dma_start3A_700 = arith.constant 2 : i32
    %dma_start3A_701 = arith.constant 0 : i32
    %dma_start3A_702 = arith.constant 0 : i32
    %dma_start3A_703 = tpu.memref_slice %arg6[%dma_start3A_699, %dma_start3A_701, %dma_start3A_702] : memref<2x128x128xf32, #tpu.memory_space<vmem>> -> memref<1x128x128xf32, #tpu.memory_space<vmem>>
    %dma_start3A_704 = tpu.memref_squeeze %dma_start3A_703 : memref<1x128x128xf32, #tpu.memory_space<vmem>> -> memref<128x128xf32, #tpu.memory_space<vmem>>
    %dma_start3A_705 = arith.constant 0 : i32
    %dma_start3A_706 = tpu.memref_slice %arg4[%dma_start3A_700, %add3A_698, %dma_start3A_705] : memref<6x16384x128xf32, #tpu.memory_space<hbm>> -> memref<1x128x128xf32, #tpu.memory_space<hbm>>
    %dma_start3A_707 = tpu.memref_squeeze %dma_start3A_706 : memref<1x128x128xf32, #tpu.memory_space<hbm>> -> memref<128x128xf32, #tpu.memory_space<hbm>>
    %dma_start3A_708 = arith.constant 0 : i32
    %dma_start3A_709 = tpu.memref_slice %arg4[%dma_start3A_700, %add3A_698, %dma_start3A_708] : memref<6x16384x128xf32, #tpu.memory_space<hbm>> -> memref<1x128x128xf32, #tpu.memory_space<hbm>>
    %dma_start3A_710 = tpu.memref_squeeze %dma_start3A_709 : memref<1x128x128xf32, #tpu.memory_space<hbm>> -> memref<128x128xf32, #tpu.memory_space<hbm>>
    %dma_start3A_711 = arith.constant 0 : i32
    %dma_start3A_712 = arith.constant 0 : i32
    %dma_start3A_713 = tpu.memref_slice %arg6[%dma_start3A_699, %dma_start3A_711, %dma_start3A_712] : memref<2x128x128xf32, #tpu.memory_space<vmem>> -> memref<1x128x128xf32, #tpu.memory_space<vmem>>
    %dma_start3A_714 = tpu.memref_squeeze %dma_start3A_713 : memref<1x128x128xf32, #tpu.memory_space<vmem>> -> memref<128x128xf32, #tpu.memory_space<vmem>>
    tpu.enqueue_dma source(%dma_start3A_714 : memref<128x128xf32, #tpu.memory_space<vmem>>) target(%dma_start3A_710 : memref<128x128xf32, #tpu.memory_space<hbm>>) target_semaphore(%arg8 : memref<!tpu.dma_semaphore, #tpu.memory_space<semaphore_mem>>)
    %dma_wait3A_715 = arith.constant 1 : i32
    %dma_wait3A_716 = arith.constant 2 : i32
    %dma_wait3A_717 = arith.constant 0 : i32
    %dma_wait3A_718 = arith.constant 0 : i32
    %dma_wait3A_719 = tpu.memref_slice %arg6[%dma_wait3A_715, %dma_wait3A_717, %dma_wait3A_718] : memref<2x128x128xf32, #tpu.memory_space<vmem>> -> memref<1x128x128xf32, #tpu.memory_space<vmem>>
    %dma_wait3A_720 = tpu.memref_squeeze %dma_wait3A_719 : memref<1x128x128xf32, #tpu.memory_space<vmem>> -> memref<128x128xf32, #tpu.memory_space<vmem>>
    %dma_wait3A_721 = arith.constant 0 : i32
    %dma_wait3A_722 = tpu.memref_slice %arg4[%dma_wait3A_716, %add3A_698, %dma_wait3A_721] : memref<6x16384x128xf32, #tpu.memory_space<hbm>> -> memref<1x128x128xf32, #tpu.memory_space<hbm>>
    %dma_wait3A_723 = tpu.memref_squeeze %dma_wait3A_722 : memref<1x128x128xf32, #tpu.memory_space<hbm>> -> memref<128x128xf32, #tpu.memory_space<hbm>>
    %dma_wait3A_724 = arith.constant 0 : i32
    %dma_wait3A_725 = tpu.memref_slice %arg4[%dma_wait3A_716, %add3A_698, %dma_wait3A_724] : memref<6x16384x128xf32, #tpu.memory_space<hbm>> -> memref<1x128x128xf32, #tpu.memory_space<hbm>>
    %dma_wait3A_726 = tpu.memref_squeeze %dma_wait3A_725 : memref<1x128x128xf32, #tpu.memory_space<hbm>> -> memref<128x128xf32, #tpu.memory_space<hbm>>
    %dma_wait3A_727 = arith.constant 0 : i32
    %dma_wait3A_728 = arith.constant 0 : i32
    %dma_wait3A_729 = tpu.memref_slice %arg6[%dma_wait3A_715, %dma_wait3A_727, %dma_wait3A_728] : memref<2x128x128xf32, #tpu.memory_space<vmem>> -> memref<1x128x128xf32, #tpu.memory_space<vmem>>
    %dma_wait3A_730 = tpu.memref_squeeze %dma_wait3A_729 : memref<1x128x128xf32, #tpu.memory_space<vmem>> -> memref<128x128xf32, #tpu.memory_space<vmem>>
    tpu.wait_dma2 semaphore(%arg8 : memref<!tpu.dma_semaphore, #tpu.memory_space<semaphore_mem>>) src(%dma_wait3A_730 : memref<128x128xf32, #tpu.memory_space<vmem>>) dst(%dma_wait3A_726 : memref<128x128xf32, #tpu.memory_space<hbm>>)
    %dma_start3A_731 = arith.constant 13 : i32
    %dma_start3A_732 = arith.constant 1 : i32
    %dma_start3A_733 = arith.constant 0 : i32
    %dma_start3A_734 = arith.constant 0 : i32
    %dma_start3A_735 = tpu.memref_slice %arg6[%dma_start3A_732, %dma_start3A_733, %dma_start3A_734] : memref<2x128x128xf32, #tpu.memory_space<vmem>> -> memref<1x128x128xf32, #tpu.memory_space<vmem>>
    %dma_start3A_736 = tpu.memref_squeeze %dma_start3A_735 : memref<1x128x128xf32, #tpu.memory_space<vmem>> -> memref<128x128xf32, #tpu.memory_space<vmem>>
    %dma_start3A_737 = arith.constant 0 : i32
    %dma_start3A_738 = tpu.memref_slice %arg5[%dma_start3A_731, %dma_start3A_737] : memref<24x128xi32, #tpu.memory_space<vmem>> -> memref<1x128xi32, #tpu.memory_space<vmem>>
    %dma_start3A_739 = tpu.memref_squeeze %dma_start3A_738 : memref<1x128xi32, #tpu.memory_space<vmem>> -> memref<128xi32, #tpu.memory_space<vmem>>
    %dma_start3A_740 = arith.constant 0 : i32
    %dma_start3A_741 = arith.constant 0 : i32
    %dma_start3A_742 = tpu.memref_slice %arg2[%dma_start3A_740, %dma_start3A_741] : memref<500000x128xf32, #tpu.memory_space<hbm>> -> memref<500000x128xf32, #tpu.memory_space<hbm>>
    tpu.enqueue_indirect_dma source(%dma_start3A_742 : memref<500000x128xf32, #tpu.memory_space<hbm>>) target(%dma_start3A_736 : memref<128x128xf32, #tpu.memory_space<vmem>>) offsets(%dma_start3A_739 : memref<128xi32, #tpu.memory_space<vmem>>) semaphore(%arg7 : memref<!tpu.dma_semaphore, #tpu.memory_space<semaphore_mem>>)
    %dma_wait3A_743 = arith.constant 12 : i32
    %dma_wait3A_744 = arith.constant 0 : i32
    %dma_wait3A_745 = arith.constant 0 : i32
    %dma_wait3A_746 = arith.constant 0 : i32
    %dma_wait3A_747 = tpu.memref_slice %arg6[%dma_wait3A_744, %dma_wait3A_745, %dma_wait3A_746] : memref<2x128x128xf32, #tpu.memory_space<vmem>> -> memref<1x128x128xf32, #tpu.memory_space<vmem>>
    %dma_wait3A_748 = tpu.memref_squeeze %dma_wait3A_747 : memref<1x128x128xf32, #tpu.memory_space<vmem>> -> memref<128x128xf32, #tpu.memory_space<vmem>>
    %dma_wait3A_749 = arith.constant 0 : i32
    %dma_wait3A_750 = tpu.memref_slice %arg5[%dma_wait3A_743, %dma_wait3A_749] : memref<24x128xi32, #tpu.memory_space<vmem>> -> memref<1x128xi32, #tpu.memory_space<vmem>>
    %dma_wait3A_751 = tpu.memref_squeeze %dma_wait3A_750 : memref<1x128xi32, #tpu.memory_space<vmem>> -> memref<128xi32, #tpu.memory_space<vmem>>
    %dma_wait3A_752 = arith.constant 0 : i32
    %dma_wait3A_753 = arith.constant 0 : i32
    %dma_wait3A_754 = tpu.memref_slice %arg2[%dma_wait3A_752, %dma_wait3A_753] : memref<500000x128xf32, #tpu.memory_space<hbm>> -> memref<500000x128xf32, #tpu.memory_space<hbm>>
    tpu.wait_indirect_dma semaphore(%arg7 : memref<!tpu.dma_semaphore, #tpu.memory_space<semaphore_mem>>) src(%dma_wait3A_754 : memref<500000x128xf32, #tpu.memory_space<hbm>>) dst(%dma_wait3A_748 : memref<128x128xf32, #tpu.memory_space<vmem>>)
    %mul3A_755 = arith.constant 512 : i32
    %mul3A_756 = arith.muli %add3A, %mul3A_755 : i32
    %add3A_757 = arith.constant 0 : i32
    %add3A_758 = arith.addi %mul3A_756, %add3A_757 : i32
    %dma_start3A_759 = arith.constant 0 : i32
    %dma_start3A_760 = arith.constant 3 : i32
    %dma_start3A_761 = arith.constant 0 : i32
    %dma_start3A_762 = arith.constant 0 : i32
    %dma_start3A_763 = tpu.memref_slice %arg6[%dma_start3A_759, %dma_start3A_761, %dma_start3A_762] : memref<2x128x128xf32, #tpu.memory_space<vmem>> -> memref<1x128x128xf32, #tpu.memory_space<vmem>>
    %dma_start3A_764 = tpu.memref_squeeze %dma_start3A_763 : memref<1x128x128xf32, #tpu.memory_space<vmem>> -> memref<128x128xf32, #tpu.memory_space<vmem>>
    %dma_start3A_765 = arith.constant 0 : i32
    %dma_start3A_766 = tpu.memref_slice %arg4[%dma_start3A_760, %add3A_758, %dma_start3A_765] : memref<6x16384x128xf32, #tpu.memory_space<hbm>> -> memref<1x128x128xf32, #tpu.memory_space<hbm>>
    %dma_start3A_767 = tpu.memref_squeeze %dma_start3A_766 : memref<1x128x128xf32, #tpu.memory_space<hbm>> -> memref<128x128xf32, #tpu.memory_space<hbm>>
    %dma_start3A_768 = arith.constant 0 : i32
    %dma_start3A_769 = tpu.memref_slice %arg4[%dma_start3A_760, %add3A_758, %dma_start3A_768] : memref<6x16384x128xf32, #tpu.memory_space<hbm>> -> memref<1x128x128xf32, #tpu.memory_space<hbm>>
    %dma_start3A_770 = tpu.memref_squeeze %dma_start3A_769 : memref<1x128x128xf32, #tpu.memory_space<hbm>> -> memref<128x128xf32, #tpu.memory_space<hbm>>
    %dma_start3A_771 = arith.constant 0 : i32
    %dma_start3A_772 = arith.constant 0 : i32
    %dma_start3A_773 = tpu.memref_slice %arg6[%dma_start3A_759, %dma_start3A_771, %dma_start3A_772] : memref<2x128x128xf32, #tpu.memory_space<vmem>> -> memref<1x128x128xf32, #tpu.memory_space<vmem>>
    %dma_start3A_774 = tpu.memref_squeeze %dma_start3A_773 : memref<1x128x128xf32, #tpu.memory_space<vmem>> -> memref<128x128xf32, #tpu.memory_space<vmem>>
    tpu.enqueue_dma source(%dma_start3A_774 : memref<128x128xf32, #tpu.memory_space<vmem>>) target(%dma_start3A_770 : memref<128x128xf32, #tpu.memory_space<hbm>>) target_semaphore(%arg8 : memref<!tpu.dma_semaphore, #tpu.memory_space<semaphore_mem>>)
    %dma_wait3A_775 = arith.constant 0 : i32
    %dma_wait3A_776 = arith.constant 3 : i32
    %dma_wait3A_777 = arith.constant 0 : i32
    %dma_wait3A_778 = arith.constant 0 : i32
    %dma_wait3A_779 = tpu.memref_slice %arg6[%dma_wait3A_775, %dma_wait3A_777, %dma_wait3A_778] : memref<2x128x128xf32, #tpu.memory_space<vmem>> -> memref<1x128x128xf32, #tpu.memory_space<vmem>>
    %dma_wait3A_780 = tpu.memref_squeeze %dma_wait3A_779 : memref<1x128x128xf32, #tpu.memory_space<vmem>> -> memref<128x128xf32, #tpu.memory_space<vmem>>
    %dma_wait3A_781 = arith.constant 0 : i32
    %dma_wait3A_782 = tpu.memref_slice %arg4[%dma_wait3A_776, %add3A_758, %dma_wait3A_781] : memref<6x16384x128xf32, #tpu.memory_space<hbm>> -> memref<1x128x128xf32, #tpu.memory_space<hbm>>
    %dma_wait3A_783 = tpu.memref_squeeze %dma_wait3A_782 : memref<1x128x128xf32, #tpu.memory_space<hbm>> -> memref<128x128xf32, #tpu.memory_space<hbm>>
    %dma_wait3A_784 = arith.constant 0 : i32
    %dma_wait3A_785 = tpu.memref_slice %arg4[%dma_wait3A_776, %add3A_758, %dma_wait3A_784] : memref<6x16384x128xf32, #tpu.memory_space<hbm>> -> memref<1x128x128xf32, #tpu.memory_space<hbm>>
    %dma_wait3A_786 = tpu.memref_squeeze %dma_wait3A_785 : memref<1x128x128xf32, #tpu.memory_space<hbm>> -> memref<128x128xf32, #tpu.memory_space<hbm>>
    %dma_wait3A_787 = arith.constant 0 : i32
    %dma_wait3A_788 = arith.constant 0 : i32
    %dma_wait3A_789 = tpu.memref_slice %arg6[%dma_wait3A_775, %dma_wait3A_787, %dma_wait3A_788] : memref<2x128x128xf32, #tpu.memory_space<vmem>> -> memref<1x128x128xf32, #tpu.memory_space<vmem>>
    %dma_wait3A_790 = tpu.memref_squeeze %dma_wait3A_789 : memref<1x128x128xf32, #tpu.memory_space<vmem>> -> memref<128x128xf32, #tpu.memory_space<vmem>>
    tpu.wait_dma2 semaphore(%arg8 : memref<!tpu.dma_semaphore, #tpu.memory_space<semaphore_mem>>) src(%dma_wait3A_790 : memref<128x128xf32, #tpu.memory_space<vmem>>) dst(%dma_wait3A_786 : memref<128x128xf32, #tpu.memory_space<hbm>>)
    %dma_start3A_791 = arith.constant 14 : i32
    %dma_start3A_792 = arith.constant 0 : i32
    %dma_start3A_793 = arith.constant 0 : i32
    %dma_start3A_794 = arith.constant 0 : i32
    %dma_start3A_795 = tpu.memref_slice %arg6[%dma_start3A_792, %dma_start3A_793, %dma_start3A_794] : memref<2x128x128xf32, #tpu.memory_space<vmem>> -> memref<1x128x128xf32, #tpu.memory_space<vmem>>
    %dma_start3A_796 = tpu.memref_squeeze %dma_start3A_795 : memref<1x128x128xf32, #tpu.memory_space<vmem>> -> memref<128x128xf32, #tpu.memory_space<vmem>>
    %dma_start3A_797 = arith.constant 0 : i32
    %dma_start3A_798 = tpu.memref_slice %arg5[%dma_start3A_791, %dma_start3A_797] : memref<24x128xi32, #tpu.memory_space<vmem>> -> memref<1x128xi32, #tpu.memory_space<vmem>>
    %dma_start3A_799 = tpu.memref_squeeze %dma_start3A_798 : memref<1x128xi32, #tpu.memory_space<vmem>> -> memref<128xi32, #tpu.memory_space<vmem>>
    %dma_start3A_800 = arith.constant 0 : i32
    %dma_start3A_801 = arith.constant 0 : i32
    %dma_start3A_802 = tpu.memref_slice %arg2[%dma_start3A_800, %dma_start3A_801] : memref<500000x128xf32, #tpu.memory_space<hbm>> -> memref<500000x128xf32, #tpu.memory_space<hbm>>
    tpu.enqueue_indirect_dma source(%dma_start3A_802 : memref<500000x128xf32, #tpu.memory_space<hbm>>) target(%dma_start3A_796 : memref<128x128xf32, #tpu.memory_space<vmem>>) offsets(%dma_start3A_799 : memref<128xi32, #tpu.memory_space<vmem>>) semaphore(%arg7 : memref<!tpu.dma_semaphore, #tpu.memory_space<semaphore_mem>>)
    %dma_wait3A_803 = arith.constant 13 : i32
    %dma_wait3A_804 = arith.constant 1 : i32
    %dma_wait3A_805 = arith.constant 0 : i32
    %dma_wait3A_806 = arith.constant 0 : i32
    %dma_wait3A_807 = tpu.memref_slice %arg6[%dma_wait3A_804, %dma_wait3A_805, %dma_wait3A_806] : memref<2x128x128xf32, #tpu.memory_space<vmem>> -> memref<1x128x128xf32, #tpu.memory_space<vmem>>
    %dma_wait3A_808 = tpu.memref_squeeze %dma_wait3A_807 : memref<1x128x128xf32, #tpu.memory_space<vmem>> -> memref<128x128xf32, #tpu.memory_space<vmem>>
    %dma_wait3A_809 = arith.constant 0 : i32
    %dma_wait3A_810 = tpu.memref_slice %arg5[%dma_wait3A_803, %dma_wait3A_809] : memref<24x128xi32, #tpu.memory_space<vmem>> -> memref<1x128xi32, #tpu.memory_space<vmem>>
    %dma_wait3A_811 = tpu.memref_squeeze %dma_wait3A_810 : memref<1x128xi32, #tpu.memory_space<vmem>> -> memref<128xi32, #tpu.memory_space<vmem>>
    %dma_wait3A_812 = arith.constant 0 : i32
    %dma_wait3A_813 = arith.constant 0 : i32
    %dma_wait3A_814 = tpu.memref_slice %arg2[%dma_wait3A_812, %dma_wait3A_813] : memref<500000x128xf32, #tpu.memory_space<hbm>> -> memref<500000x128xf32, #tpu.memory_space<hbm>>
    tpu.wait_indirect_dma semaphore(%arg7 : memref<!tpu.dma_semaphore, #tpu.memory_space<semaphore_mem>>) src(%dma_wait3A_814 : memref<500000x128xf32, #tpu.memory_space<hbm>>) dst(%dma_wait3A_808 : memref<128x128xf32, #tpu.memory_space<vmem>>)
    %mul3A_815 = arith.constant 512 : i32
    %mul3A_816 = arith.muli %add3A, %mul3A_815 : i32
    %add3A_817 = arith.constant 128 : i32
    %add3A_818 = arith.addi %mul3A_816, %add3A_817 : i32
    %dma_start3A_819 = arith.constant 1 : i32
    %dma_start3A_820 = arith.constant 3 : i32
    %dma_start3A_821 = arith.constant 0 : i32
    %dma_start3A_822 = arith.constant 0 : i32
    %dma_start3A_823 = tpu.memref_slice %arg6[%dma_start3A_819, %dma_start3A_821, %dma_start3A_822] : memref<2x128x128xf32, #tpu.memory_space<vmem>> -> memref<1x128x128xf32, #tpu.memory_space<vmem>>
    %dma_start3A_824 = tpu.memref_squeeze %dma_start3A_823 : memref<1x128x128xf32, #tpu.memory_space<vmem>> -> memref<128x128xf32, #tpu.memory_space<vmem>>
    %dma_start3A_825 = arith.constant 0 : i32
    %dma_start3A_826 = tpu.memref_slice %arg4[%dma_start3A_820, %add3A_818, %dma_start3A_825] : memref<6x16384x128xf32, #tpu.memory_space<hbm>> -> memref<1x128x128xf32, #tpu.memory_space<hbm>>
    %dma_start3A_827 = tpu.memref_squeeze %dma_start3A_826 : memref<1x128x128xf32, #tpu.memory_space<hbm>> -> memref<128x128xf32, #tpu.memory_space<hbm>>
    %dma_start3A_828 = arith.constant 0 : i32
    %dma_start3A_829 = tpu.memref_slice %arg4[%dma_start3A_820, %add3A_818, %dma_start3A_828] : memref<6x16384x128xf32, #tpu.memory_space<hbm>> -> memref<1x128x128xf32, #tpu.memory_space<hbm>>
    %dma_start3A_830 = tpu.memref_squeeze %dma_start3A_829 : memref<1x128x128xf32, #tpu.memory_space<hbm>> -> memref<128x128xf32, #tpu.memory_space<hbm>>
    %dma_start3A_831 = arith.constant 0 : i32
    %dma_start3A_832 = arith.constant 0 : i32
    %dma_start3A_833 = tpu.memref_slice %arg6[%dma_start3A_819, %dma_start3A_831, %dma_start3A_832] : memref<2x128x128xf32, #tpu.memory_space<vmem>> -> memref<1x128x128xf32, #tpu.memory_space<vmem>>
    %dma_start3A_834 = tpu.memref_squeeze %dma_start3A_833 : memref<1x128x128xf32, #tpu.memory_space<vmem>> -> memref<128x128xf32, #tpu.memory_space<vmem>>
    tpu.enqueue_dma source(%dma_start3A_834 : memref<128x128xf32, #tpu.memory_space<vmem>>) target(%dma_start3A_830 : memref<128x128xf32, #tpu.memory_space<hbm>>) target_semaphore(%arg8 : memref<!tpu.dma_semaphore, #tpu.memory_space<semaphore_mem>>)
    %dma_wait3A_835 = arith.constant 1 : i32
    %dma_wait3A_836 = arith.constant 3 : i32
    %dma_wait3A_837 = arith.constant 0 : i32
    %dma_wait3A_838 = arith.constant 0 : i32
    %dma_wait3A_839 = tpu.memref_slice %arg6[%dma_wait3A_835, %dma_wait3A_837, %dma_wait3A_838] : memref<2x128x128xf32, #tpu.memory_space<vmem>> -> memref<1x128x128xf32, #tpu.memory_space<vmem>>
    %dma_wait3A_840 = tpu.memref_squeeze %dma_wait3A_839 : memref<1x128x128xf32, #tpu.memory_space<vmem>> -> memref<128x128xf32, #tpu.memory_space<vmem>>
    %dma_wait3A_841 = arith.constant 0 : i32
    %dma_wait3A_842 = tpu.memref_slice %arg4[%dma_wait3A_836, %add3A_818, %dma_wait3A_841] : memref<6x16384x128xf32, #tpu.memory_space<hbm>> -> memref<1x128x128xf32, #tpu.memory_space<hbm>>
    %dma_wait3A_843 = tpu.memref_squeeze %dma_wait3A_842 : memref<1x128x128xf32, #tpu.memory_space<hbm>> -> memref<128x128xf32, #tpu.memory_space<hbm>>
    %dma_wait3A_844 = arith.constant 0 : i32
    %dma_wait3A_845 = tpu.memref_slice %arg4[%dma_wait3A_836, %add3A_818, %dma_wait3A_844] : memref<6x16384x128xf32, #tpu.memory_space<hbm>> -> memref<1x128x128xf32, #tpu.memory_space<hbm>>
    %dma_wait3A_846 = tpu.memref_squeeze %dma_wait3A_845 : memref<1x128x128xf32, #tpu.memory_space<hbm>> -> memref<128x128xf32, #tpu.memory_space<hbm>>
    %dma_wait3A_847 = arith.constant 0 : i32
    %dma_wait3A_848 = arith.constant 0 : i32
    %dma_wait3A_849 = tpu.memref_slice %arg6[%dma_wait3A_835, %dma_wait3A_847, %dma_wait3A_848] : memref<2x128x128xf32, #tpu.memory_space<vmem>> -> memref<1x128x128xf32, #tpu.memory_space<vmem>>
    %dma_wait3A_850 = tpu.memref_squeeze %dma_wait3A_849 : memref<1x128x128xf32, #tpu.memory_space<vmem>> -> memref<128x128xf32, #tpu.memory_space<vmem>>
    tpu.wait_dma2 semaphore(%arg8 : memref<!tpu.dma_semaphore, #tpu.memory_space<semaphore_mem>>) src(%dma_wait3A_850 : memref<128x128xf32, #tpu.memory_space<vmem>>) dst(%dma_wait3A_846 : memref<128x128xf32, #tpu.memory_space<hbm>>)
    %dma_start3A_851 = arith.constant 15 : i32
    %dma_start3A_852 = arith.constant 1 : i32
    %dma_start3A_853 = arith.constant 0 : i32
    %dma_start3A_854 = arith.constant 0 : i32
    %dma_start3A_855 = tpu.memref_slice %arg6[%dma_start3A_852, %dma_start3A_853, %dma_start3A_854] : memref<2x128x128xf32, #tpu.memory_space<vmem>> -> memref<1x128x128xf32, #tpu.memory_space<vmem>>
    %dma_start3A_856 = tpu.memref_squeeze %dma_start3A_855 : memref<1x128x128xf32, #tpu.memory_space<vmem>> -> memref<128x128xf32, #tpu.memory_space<vmem>>
    %dma_start3A_857 = arith.constant 0 : i32
    %dma_start3A_858 = tpu.memref_slice %arg5[%dma_start3A_851, %dma_start3A_857] : memref<24x128xi32, #tpu.memory_space<vmem>> -> memref<1x128xi32, #tpu.memory_space<vmem>>
    %dma_start3A_859 = tpu.memref_squeeze %dma_start3A_858 : memref<1x128xi32, #tpu.memory_space<vmem>> -> memref<128xi32, #tpu.memory_space<vmem>>
    %dma_start3A_860 = arith.constant 0 : i32
    %dma_start3A_861 = arith.constant 0 : i32
    %dma_start3A_862 = tpu.memref_slice %arg2[%dma_start3A_860, %dma_start3A_861] : memref<500000x128xf32, #tpu.memory_space<hbm>> -> memref<500000x128xf32, #tpu.memory_space<hbm>>
    tpu.enqueue_indirect_dma source(%dma_start3A_862 : memref<500000x128xf32, #tpu.memory_space<hbm>>) target(%dma_start3A_856 : memref<128x128xf32, #tpu.memory_space<vmem>>) offsets(%dma_start3A_859 : memref<128xi32, #tpu.memory_space<vmem>>) semaphore(%arg7 : memref<!tpu.dma_semaphore, #tpu.memory_space<semaphore_mem>>)
    %dma_wait3A_863 = arith.constant 14 : i32
    %dma_wait3A_864 = arith.constant 0 : i32
    %dma_wait3A_865 = arith.constant 0 : i32
    %dma_wait3A_866 = arith.constant 0 : i32
    %dma_wait3A_867 = tpu.memref_slice %arg6[%dma_wait3A_864, %dma_wait3A_865, %dma_wait3A_866] : memref<2x128x128xf32, #tpu.memory_space<vmem>> -> memref<1x128x128xf32, #tpu.memory_space<vmem>>
    %dma_wait3A_868 = tpu.memref_squeeze %dma_wait3A_867 : memref<1x128x128xf32, #tpu.memory_space<vmem>> -> memref<128x128xf32, #tpu.memory_space<vmem>>
    %dma_wait3A_869 = arith.constant 0 : i32
    %dma_wait3A_870 = tpu.memref_slice %arg5[%dma_wait3A_863, %dma_wait3A_869] : memref<24x128xi32, #tpu.memory_space<vmem>> -> memref<1x128xi32, #tpu.memory_space<vmem>>
    %dma_wait3A_871 = tpu.memref_squeeze %dma_wait3A_870 : memref<1x128xi32, #tpu.memory_space<vmem>> -> memref<128xi32, #tpu.memory_space<vmem>>
    %dma_wait3A_872 = arith.constant 0 : i32
    %dma_wait3A_873 = arith.constant 0 : i32
    %dma_wait3A_874 = tpu.memref_slice %arg2[%dma_wait3A_872, %dma_wait3A_873] : memref<500000x128xf32, #tpu.memory_space<hbm>> -> memref<500000x128xf32, #tpu.memory_space<hbm>>
    tpu.wait_indirect_dma semaphore(%arg7 : memref<!tpu.dma_semaphore, #tpu.memory_space<semaphore_mem>>) src(%dma_wait3A_874 : memref<500000x128xf32, #tpu.memory_space<hbm>>) dst(%dma_wait3A_868 : memref<128x128xf32, #tpu.memory_space<vmem>>)
    %mul3A_875 = arith.constant 512 : i32
    %mul3A_876 = arith.muli %add3A, %mul3A_875 : i32
    %add3A_877 = arith.constant 256 : i32
    %add3A_878 = arith.addi %mul3A_876, %add3A_877 : i32
    %dma_start3A_879 = arith.constant 0 : i32
    %dma_start3A_880 = arith.constant 3 : i32
    %dma_start3A_881 = arith.constant 0 : i32
    %dma_start3A_882 = arith.constant 0 : i32
    %dma_start3A_883 = tpu.memref_slice %arg6[%dma_start3A_879, %dma_start3A_881, %dma_start3A_882] : memref<2x128x128xf32, #tpu.memory_space<vmem>> -> memref<1x128x128xf32, #tpu.memory_space<vmem>>
    %dma_start3A_884 = tpu.memref_squeeze %dma_start3A_883 : memref<1x128x128xf32, #tpu.memory_space<vmem>> -> memref<128x128xf32, #tpu.memory_space<vmem>>
    %dma_start3A_885 = arith.constant 0 : i32
    %dma_start3A_886 = tpu.memref_slice %arg4[%dma_start3A_880, %add3A_878, %dma_start3A_885] : memref<6x16384x128xf32, #tpu.memory_space<hbm>> -> memref<1x128x128xf32, #tpu.memory_space<hbm>>
    %dma_start3A_887 = tpu.memref_squeeze %dma_start3A_886 : memref<1x128x128xf32, #tpu.memory_space<hbm>> -> memref<128x128xf32, #tpu.memory_space<hbm>>
    %dma_start3A_888 = arith.constant 0 : i32
    %dma_start3A_889 = tpu.memref_slice %arg4[%dma_start3A_880, %add3A_878, %dma_start3A_888] : memref<6x16384x128xf32, #tpu.memory_space<hbm>> -> memref<1x128x128xf32, #tpu.memory_space<hbm>>
    %dma_start3A_890 = tpu.memref_squeeze %dma_start3A_889 : memref<1x128x128xf32, #tpu.memory_space<hbm>> -> memref<128x128xf32, #tpu.memory_space<hbm>>
    %dma_start3A_891 = arith.constant 0 : i32
    %dma_start3A_892 = arith.constant 0 : i32
    %dma_start3A_893 = tpu.memref_slice %arg6[%dma_start3A_879, %dma_start3A_891, %dma_start3A_892] : memref<2x128x128xf32, #tpu.memory_space<vmem>> -> memref<1x128x128xf32, #tpu.memory_space<vmem>>
    %dma_start3A_894 = tpu.memref_squeeze %dma_start3A_893 : memref<1x128x128xf32, #tpu.memory_space<vmem>> -> memref<128x128xf32, #tpu.memory_space<vmem>>
    tpu.enqueue_dma source(%dma_start3A_894 : memref<128x128xf32, #tpu.memory_space<vmem>>) target(%dma_start3A_890 : memref<128x128xf32, #tpu.memory_space<hbm>>) target_semaphore(%arg8 : memref<!tpu.dma_semaphore, #tpu.memory_space<semaphore_mem>>)
    %dma_wait3A_895 = arith.constant 0 : i32
    %dma_wait3A_896 = arith.constant 3 : i32
    %dma_wait3A_897 = arith.constant 0 : i32
    %dma_wait3A_898 = arith.constant 0 : i32
    %dma_wait3A_899 = tpu.memref_slice %arg6[%dma_wait3A_895, %dma_wait3A_897, %dma_wait3A_898] : memref<2x128x128xf32, #tpu.memory_space<vmem>> -> memref<1x128x128xf32, #tpu.memory_space<vmem>>
    %dma_wait3A_900 = tpu.memref_squeeze %dma_wait3A_899 : memref<1x128x128xf32, #tpu.memory_space<vmem>> -> memref<128x128xf32, #tpu.memory_space<vmem>>
    %dma_wait3A_901 = arith.constant 0 : i32
    %dma_wait3A_902 = tpu.memref_slice %arg4[%dma_wait3A_896, %add3A_878, %dma_wait3A_901] : memref<6x16384x128xf32, #tpu.memory_space<hbm>> -> memref<1x128x128xf32, #tpu.memory_space<hbm>>
    %dma_wait3A_903 = tpu.memref_squeeze %dma_wait3A_902 : memref<1x128x128xf32, #tpu.memory_space<hbm>> -> memref<128x128xf32, #tpu.memory_space<hbm>>
    %dma_wait3A_904 = arith.constant 0 : i32
    %dma_wait3A_905 = tpu.memref_slice %arg4[%dma_wait3A_896, %add3A_878, %dma_wait3A_904] : memref<6x16384x128xf32, #tpu.memory_space<hbm>> -> memref<1x128x128xf32, #tpu.memory_space<hbm>>
    %dma_wait3A_906 = tpu.memref_squeeze %dma_wait3A_905 : memref<1x128x128xf32, #tpu.memory_space<hbm>> -> memref<128x128xf32, #tpu.memory_space<hbm>>
    %dma_wait3A_907 = arith.constant 0 : i32
    %dma_wait3A_908 = arith.constant 0 : i32
    %dma_wait3A_909 = tpu.memref_slice %arg6[%dma_wait3A_895, %dma_wait3A_907, %dma_wait3A_908] : memref<2x128x128xf32, #tpu.memory_space<vmem>> -> memref<1x128x128xf32, #tpu.memory_space<vmem>>
    %dma_wait3A_910 = tpu.memref_squeeze %dma_wait3A_909 : memref<1x128x128xf32, #tpu.memory_space<vmem>> -> memref<128x128xf32, #tpu.memory_space<vmem>>
    tpu.wait_dma2 semaphore(%arg8 : memref<!tpu.dma_semaphore, #tpu.memory_space<semaphore_mem>>) src(%dma_wait3A_910 : memref<128x128xf32, #tpu.memory_space<vmem>>) dst(%dma_wait3A_906 : memref<128x128xf32, #tpu.memory_space<hbm>>)
    %dma_start3A_911 = arith.constant 16 : i32
    %dma_start3A_912 = arith.constant 0 : i32
    %dma_start3A_913 = arith.constant 0 : i32
    %dma_start3A_914 = arith.constant 0 : i32
    %dma_start3A_915 = tpu.memref_slice %arg6[%dma_start3A_912, %dma_start3A_913, %dma_start3A_914] : memref<2x128x128xf32, #tpu.memory_space<vmem>> -> memref<1x128x128xf32, #tpu.memory_space<vmem>>
    %dma_start3A_916 = tpu.memref_squeeze %dma_start3A_915 : memref<1x128x128xf32, #tpu.memory_space<vmem>> -> memref<128x128xf32, #tpu.memory_space<vmem>>
    %dma_start3A_917 = arith.constant 0 : i32
    %dma_start3A_918 = tpu.memref_slice %arg5[%dma_start3A_911, %dma_start3A_917] : memref<24x128xi32, #tpu.memory_space<vmem>> -> memref<1x128xi32, #tpu.memory_space<vmem>>
    %dma_start3A_919 = tpu.memref_squeeze %dma_start3A_918 : memref<1x128xi32, #tpu.memory_space<vmem>> -> memref<128xi32, #tpu.memory_space<vmem>>
    %dma_start3A_920 = arith.constant 0 : i32
    %dma_start3A_921 = arith.constant 0 : i32
    %dma_start3A_922 = tpu.memref_slice %arg2[%dma_start3A_920, %dma_start3A_921] : memref<500000x128xf32, #tpu.memory_space<hbm>> -> memref<500000x128xf32, #tpu.memory_space<hbm>>
    tpu.enqueue_indirect_dma source(%dma_start3A_922 : memref<500000x128xf32, #tpu.memory_space<hbm>>) target(%dma_start3A_916 : memref<128x128xf32, #tpu.memory_space<vmem>>) offsets(%dma_start3A_919 : memref<128xi32, #tpu.memory_space<vmem>>) semaphore(%arg7 : memref<!tpu.dma_semaphore, #tpu.memory_space<semaphore_mem>>)
    %dma_wait3A_923 = arith.constant 15 : i32
    %dma_wait3A_924 = arith.constant 1 : i32
    %dma_wait3A_925 = arith.constant 0 : i32
    %dma_wait3A_926 = arith.constant 0 : i32
    %dma_wait3A_927 = tpu.memref_slice %arg6[%dma_wait3A_924, %dma_wait3A_925, %dma_wait3A_926] : memref<2x128x128xf32, #tpu.memory_space<vmem>> -> memref<1x128x128xf32, #tpu.memory_space<vmem>>
    %dma_wait3A_928 = tpu.memref_squeeze %dma_wait3A_927 : memref<1x128x128xf32, #tpu.memory_space<vmem>> -> memref<128x128xf32, #tpu.memory_space<vmem>>
    %dma_wait3A_929 = arith.constant 0 : i32
    %dma_wait3A_930 = tpu.memref_slice %arg5[%dma_wait3A_923, %dma_wait3A_929] : memref<24x128xi32, #tpu.memory_space<vmem>> -> memref<1x128xi32, #tpu.memory_space<vmem>>
    %dma_wait3A_931 = tpu.memref_squeeze %dma_wait3A_930 : memref<1x128xi32, #tpu.memory_space<vmem>> -> memref<128xi32, #tpu.memory_space<vmem>>
    %dma_wait3A_932 = arith.constant 0 : i32
    %dma_wait3A_933 = arith.constant 0 : i32
    %dma_wait3A_934 = tpu.memref_slice %arg2[%dma_wait3A_932, %dma_wait3A_933] : memref<500000x128xf32, #tpu.memory_space<hbm>> -> memref<500000x128xf32, #tpu.memory_space<hbm>>
    tpu.wait_indirect_dma semaphore(%arg7 : memref<!tpu.dma_semaphore, #tpu.memory_space<semaphore_mem>>) src(%dma_wait3A_934 : memref<500000x128xf32, #tpu.memory_space<hbm>>) dst(%dma_wait3A_928 : memref<128x128xf32, #tpu.memory_space<vmem>>)
    %mul3A_935 = arith.constant 512 : i32
    %mul3A_936 = arith.muli %add3A, %mul3A_935 : i32
    %add3A_937 = arith.constant 384 : i32
    %add3A_938 = arith.addi %mul3A_936, %add3A_937 : i32
    %dma_start3A_939 = arith.constant 1 : i32
    %dma_start3A_940 = arith.constant 3 : i32
    %dma_start3A_941 = arith.constant 0 : i32
    %dma_start3A_942 = arith.constant 0 : i32
    %dma_start3A_943 = tpu.memref_slice %arg6[%dma_start3A_939, %dma_start3A_941, %dma_start3A_942] : memref<2x128x128xf32, #tpu.memory_space<vmem>> -> memref<1x128x128xf32, #tpu.memory_space<vmem>>
    %dma_start3A_944 = tpu.memref_squeeze %dma_start3A_943 : memref<1x128x128xf32, #tpu.memory_space<vmem>> -> memref<128x128xf32, #tpu.memory_space<vmem>>
    %dma_start3A_945 = arith.constant 0 : i32
    %dma_start3A_946 = tpu.memref_slice %arg4[%dma_start3A_940, %add3A_938, %dma_start3A_945] : memref<6x16384x128xf32, #tpu.memory_space<hbm>> -> memref<1x128x128xf32, #tpu.memory_space<hbm>>
    %dma_start3A_947 = tpu.memref_squeeze %dma_start3A_946 : memref<1x128x128xf32, #tpu.memory_space<hbm>> -> memref<128x128xf32, #tpu.memory_space<hbm>>
    %dma_start3A_948 = arith.constant 0 : i32
    %dma_start3A_949 = tpu.memref_slice %arg4[%dma_start3A_940, %add3A_938, %dma_start3A_948] : memref<6x16384x128xf32, #tpu.memory_space<hbm>> -> memref<1x128x128xf32, #tpu.memory_space<hbm>>
    %dma_start3A_950 = tpu.memref_squeeze %dma_start3A_949 : memref<1x128x128xf32, #tpu.memory_space<hbm>> -> memref<128x128xf32, #tpu.memory_space<hbm>>
    %dma_start3A_951 = arith.constant 0 : i32
    %dma_start3A_952 = arith.constant 0 : i32
    %dma_start3A_953 = tpu.memref_slice %arg6[%dma_start3A_939, %dma_start3A_951, %dma_start3A_952] : memref<2x128x128xf32, #tpu.memory_space<vmem>> -> memref<1x128x128xf32, #tpu.memory_space<vmem>>
    %dma_start3A_954 = tpu.memref_squeeze %dma_start3A_953 : memref<1x128x128xf32, #tpu.memory_space<vmem>> -> memref<128x128xf32, #tpu.memory_space<vmem>>
    tpu.enqueue_dma source(%dma_start3A_954 : memref<128x128xf32, #tpu.memory_space<vmem>>) target(%dma_start3A_950 : memref<128x128xf32, #tpu.memory_space<hbm>>) target_semaphore(%arg8 : memref<!tpu.dma_semaphore, #tpu.memory_space<semaphore_mem>>)
    %dma_wait3A_955 = arith.constant 1 : i32
    %dma_wait3A_956 = arith.constant 3 : i32
    %dma_wait3A_957 = arith.constant 0 : i32
    %dma_wait3A_958 = arith.constant 0 : i32
    %dma_wait3A_959 = tpu.memref_slice %arg6[%dma_wait3A_955, %dma_wait3A_957, %dma_wait3A_958] : memref<2x128x128xf32, #tpu.memory_space<vmem>> -> memref<1x128x128xf32, #tpu.memory_space<vmem>>
    %dma_wait3A_960 = tpu.memref_squeeze %dma_wait3A_959 : memref<1x128x128xf32, #tpu.memory_space<vmem>> -> memref<128x128xf32, #tpu.memory_space<vmem>>
    %dma_wait3A_961 = arith.constant 0 : i32
    %dma_wait3A_962 = tpu.memref_slice %arg4[%dma_wait3A_956, %add3A_938, %dma_wait3A_961] : memref<6x16384x128xf32, #tpu.memory_space<hbm>> -> memref<1x128x128xf32, #tpu.memory_space<hbm>>
    %dma_wait3A_963 = tpu.memref_squeeze %dma_wait3A_962 : memref<1x128x128xf32, #tpu.memory_space<hbm>> -> memref<128x128xf32, #tpu.memory_space<hbm>>
    %dma_wait3A_964 = arith.constant 0 : i32
    %dma_wait3A_965 = tpu.memref_slice %arg4[%dma_wait3A_956, %add3A_938, %dma_wait3A_964] : memref<6x16384x128xf32, #tpu.memory_space<hbm>> -> memref<1x128x128xf32, #tpu.memory_space<hbm>>
    %dma_wait3A_966 = tpu.memref_squeeze %dma_wait3A_965 : memref<1x128x128xf32, #tpu.memory_space<hbm>> -> memref<128x128xf32, #tpu.memory_space<hbm>>
    %dma_wait3A_967 = arith.constant 0 : i32
    %dma_wait3A_968 = arith.constant 0 : i32
    %dma_wait3A_969 = tpu.memref_slice %arg6[%dma_wait3A_955, %dma_wait3A_967, %dma_wait3A_968] : memref<2x128x128xf32, #tpu.memory_space<vmem>> -> memref<1x128x128xf32, #tpu.memory_space<vmem>>
    %dma_wait3A_970 = tpu.memref_squeeze %dma_wait3A_969 : memref<1x128x128xf32, #tpu.memory_space<vmem>> -> memref<128x128xf32, #tpu.memory_space<vmem>>
    tpu.wait_dma2 semaphore(%arg8 : memref<!tpu.dma_semaphore, #tpu.memory_space<semaphore_mem>>) src(%dma_wait3A_970 : memref<128x128xf32, #tpu.memory_space<vmem>>) dst(%dma_wait3A_966 : memref<128x128xf32, #tpu.memory_space<hbm>>)
    %dma_start3A_971 = arith.constant 17 : i32
    %dma_start3A_972 = arith.constant 1 : i32
    %dma_start3A_973 = arith.constant 0 : i32
    %dma_start3A_974 = arith.constant 0 : i32
    %dma_start3A_975 = tpu.memref_slice %arg6[%dma_start3A_972, %dma_start3A_973, %dma_start3A_974] : memref<2x128x128xf32, #tpu.memory_space<vmem>> -> memref<1x128x128xf32, #tpu.memory_space<vmem>>
    %dma_start3A_976 = tpu.memref_squeeze %dma_start3A_975 : memref<1x128x128xf32, #tpu.memory_space<vmem>> -> memref<128x128xf32, #tpu.memory_space<vmem>>
    %dma_start3A_977 = arith.constant 0 : i32
    %dma_start3A_978 = tpu.memref_slice %arg5[%dma_start3A_971, %dma_start3A_977] : memref<24x128xi32, #tpu.memory_space<vmem>> -> memref<1x128xi32, #tpu.memory_space<vmem>>
    %dma_start3A_979 = tpu.memref_squeeze %dma_start3A_978 : memref<1x128xi32, #tpu.memory_space<vmem>> -> memref<128xi32, #tpu.memory_space<vmem>>
    %dma_start3A_980 = arith.constant 0 : i32
    %dma_start3A_981 = arith.constant 0 : i32
    %dma_start3A_982 = tpu.memref_slice %arg2[%dma_start3A_980, %dma_start3A_981] : memref<500000x128xf32, #tpu.memory_space<hbm>> -> memref<500000x128xf32, #tpu.memory_space<hbm>>
    tpu.enqueue_indirect_dma source(%dma_start3A_982 : memref<500000x128xf32, #tpu.memory_space<hbm>>) target(%dma_start3A_976 : memref<128x128xf32, #tpu.memory_space<vmem>>) offsets(%dma_start3A_979 : memref<128xi32, #tpu.memory_space<vmem>>) semaphore(%arg7 : memref<!tpu.dma_semaphore, #tpu.memory_space<semaphore_mem>>)
    %dma_wait3A_983 = arith.constant 16 : i32
    %dma_wait3A_984 = arith.constant 0 : i32
    %dma_wait3A_985 = arith.constant 0 : i32
    %dma_wait3A_986 = arith.constant 0 : i32
    %dma_wait3A_987 = tpu.memref_slice %arg6[%dma_wait3A_984, %dma_wait3A_985, %dma_wait3A_986] : memref<2x128x128xf32, #tpu.memory_space<vmem>> -> memref<1x128x128xf32, #tpu.memory_space<vmem>>
    %dma_wait3A_988 = tpu.memref_squeeze %dma_wait3A_987 : memref<1x128x128xf32, #tpu.memory_space<vmem>> -> memref<128x128xf32, #tpu.memory_space<vmem>>
    %dma_wait3A_989 = arith.constant 0 : i32
    %dma_wait3A_990 = tpu.memref_slice %arg5[%dma_wait3A_983, %dma_wait3A_989] : memref<24x128xi32, #tpu.memory_space<vmem>> -> memref<1x128xi32, #tpu.memory_space<vmem>>
    %dma_wait3A_991 = tpu.memref_squeeze %dma_wait3A_990 : memref<1x128xi32, #tpu.memory_space<vmem>> -> memref<128xi32, #tpu.memory_space<vmem>>
    %dma_wait3A_992 = arith.constant 0 : i32
    %dma_wait3A_993 = arith.constant 0 : i32
    %dma_wait3A_994 = tpu.memref_slice %arg2[%dma_wait3A_992, %dma_wait3A_993] : memref<500000x128xf32, #tpu.memory_space<hbm>> -> memref<500000x128xf32, #tpu.memory_space<hbm>>
    tpu.wait_indirect_dma semaphore(%arg7 : memref<!tpu.dma_semaphore, #tpu.memory_space<semaphore_mem>>) src(%dma_wait3A_994 : memref<500000x128xf32, #tpu.memory_space<hbm>>) dst(%dma_wait3A_988 : memref<128x128xf32, #tpu.memory_space<vmem>>)
    %mul3A_995 = arith.constant 512 : i32
    %mul3A_996 = arith.muli %add3A, %mul3A_995 : i32
    %add3A_997 = arith.constant 0 : i32
    %add3A_998 = arith.addi %mul3A_996, %add3A_997 : i32
    %dma_start3A_999 = arith.constant 0 : i32
    %dma_start3A_1000 = arith.constant 4 : i32
    %dma_start3A_1001 = arith.constant 0 : i32
    %dma_start3A_1002 = arith.constant 0 : i32
    %dma_start3A_1003 = tpu.memref_slice %arg6[%dma_start3A_999, %dma_start3A_1001, %dma_start3A_1002] : memref<2x128x128xf32, #tpu.memory_space<vmem>> -> memref<1x128x128xf32, #tpu.memory_space<vmem>>
    %dma_start3A_1004 = tpu.memref_squeeze %dma_start3A_1003 : memref<1x128x128xf32, #tpu.memory_space<vmem>> -> memref<128x128xf32, #tpu.memory_space<vmem>>
    %dma_start3A_1005 = arith.constant 0 : i32
    %dma_start3A_1006 = tpu.memref_slice %arg4[%dma_start3A_1000, %add3A_998, %dma_start3A_1005] : memref<6x16384x128xf32, #tpu.memory_space<hbm>> -> memref<1x128x128xf32, #tpu.memory_space<hbm>>
    %dma_start3A_1007 = tpu.memref_squeeze %dma_start3A_1006 : memref<1x128x128xf32, #tpu.memory_space<hbm>> -> memref<128x128xf32, #tpu.memory_space<hbm>>
    %dma_start3A_1008 = arith.constant 0 : i32
    %dma_start3A_1009 = tpu.memref_slice %arg4[%dma_start3A_1000, %add3A_998, %dma_start3A_1008] : memref<6x16384x128xf32, #tpu.memory_space<hbm>> -> memref<1x128x128xf32, #tpu.memory_space<hbm>>
    %dma_start3A_1010 = tpu.memref_squeeze %dma_start3A_1009 : memref<1x128x128xf32, #tpu.memory_space<hbm>> -> memref<128x128xf32, #tpu.memory_space<hbm>>
    %dma_start3A_1011 = arith.constant 0 : i32
    %dma_start3A_1012 = arith.constant 0 : i32
    %dma_start3A_1013 = tpu.memref_slice %arg6[%dma_start3A_999, %dma_start3A_1011, %dma_start3A_1012] : memref<2x128x128xf32, #tpu.memory_space<vmem>> -> memref<1x128x128xf32, #tpu.memory_space<vmem>>
    %dma_start3A_1014 = tpu.memref_squeeze %dma_start3A_1013 : memref<1x128x128xf32, #tpu.memory_space<vmem>> -> memref<128x128xf32, #tpu.memory_space<vmem>>
    tpu.enqueue_dma source(%dma_start3A_1014 : memref<128x128xf32, #tpu.memory_space<vmem>>) target(%dma_start3A_1010 : memref<128x128xf32, #tpu.memory_space<hbm>>) target_semaphore(%arg8 : memref<!tpu.dma_semaphore, #tpu.memory_space<semaphore_mem>>)
    %dma_wait3A_1015 = arith.constant 0 : i32
    %dma_wait3A_1016 = arith.constant 4 : i32
    %dma_wait3A_1017 = arith.constant 0 : i32
    %dma_wait3A_1018 = arith.constant 0 : i32
    %dma_wait3A_1019 = tpu.memref_slice %arg6[%dma_wait3A_1015, %dma_wait3A_1017, %dma_wait3A_1018] : memref<2x128x128xf32, #tpu.memory_space<vmem>> -> memref<1x128x128xf32, #tpu.memory_space<vmem>>
    %dma_wait3A_1020 = tpu.memref_squeeze %dma_wait3A_1019 : memref<1x128x128xf32, #tpu.memory_space<vmem>> -> memref<128x128xf32, #tpu.memory_space<vmem>>
    %dma_wait3A_1021 = arith.constant 0 : i32
    %dma_wait3A_1022 = tpu.memref_slice %arg4[%dma_wait3A_1016, %add3A_998, %dma_wait3A_1021] : memref<6x16384x128xf32, #tpu.memory_space<hbm>> -> memref<1x128x128xf32, #tpu.memory_space<hbm>>
    %dma_wait3A_1023 = tpu.memref_squeeze %dma_wait3A_1022 : memref<1x128x128xf32, #tpu.memory_space<hbm>> -> memref<128x128xf32, #tpu.memory_space<hbm>>
    %dma_wait3A_1024 = arith.constant 0 : i32
    %dma_wait3A_1025 = tpu.memref_slice %arg4[%dma_wait3A_1016, %add3A_998, %dma_wait3A_1024] : memref<6x16384x128xf32, #tpu.memory_space<hbm>> -> memref<1x128x128xf32, #tpu.memory_space<hbm>>
    %dma_wait3A_1026 = tpu.memref_squeeze %dma_wait3A_1025 : memref<1x128x128xf32, #tpu.memory_space<hbm>> -> memref<128x128xf32, #tpu.memory_space<hbm>>
    %dma_wait3A_1027 = arith.constant 0 : i32
    %dma_wait3A_1028 = arith.constant 0 : i32
    %dma_wait3A_1029 = tpu.memref_slice %arg6[%dma_wait3A_1015, %dma_wait3A_1027, %dma_wait3A_1028] : memref<2x128x128xf32, #tpu.memory_space<vmem>> -> memref<1x128x128xf32, #tpu.memory_space<vmem>>
    %dma_wait3A_1030 = tpu.memref_squeeze %dma_wait3A_1029 : memref<1x128x128xf32, #tpu.memory_space<vmem>> -> memref<128x128xf32, #tpu.memory_space<vmem>>
    tpu.wait_dma2 semaphore(%arg8 : memref<!tpu.dma_semaphore, #tpu.memory_space<semaphore_mem>>) src(%dma_wait3A_1030 : memref<128x128xf32, #tpu.memory_space<vmem>>) dst(%dma_wait3A_1026 : memref<128x128xf32, #tpu.memory_space<hbm>>)
    %dma_start3A_1031 = arith.constant 18 : i32
    %dma_start3A_1032 = arith.constant 0 : i32
    %dma_start3A_1033 = arith.constant 0 : i32
    %dma_start3A_1034 = arith.constant 0 : i32
    %dma_start3A_1035 = tpu.memref_slice %arg6[%dma_start3A_1032, %dma_start3A_1033, %dma_start3A_1034] : memref<2x128x128xf32, #tpu.memory_space<vmem>> -> memref<1x128x128xf32, #tpu.memory_space<vmem>>
    %dma_start3A_1036 = tpu.memref_squeeze %dma_start3A_1035 : memref<1x128x128xf32, #tpu.memory_space<vmem>> -> memref<128x128xf32, #tpu.memory_space<vmem>>
    %dma_start3A_1037 = arith.constant 0 : i32
    %dma_start3A_1038 = tpu.memref_slice %arg5[%dma_start3A_1031, %dma_start3A_1037] : memref<24x128xi32, #tpu.memory_space<vmem>> -> memref<1x128xi32, #tpu.memory_space<vmem>>
    %dma_start3A_1039 = tpu.memref_squeeze %dma_start3A_1038 : memref<1x128xi32, #tpu.memory_space<vmem>> -> memref<128xi32, #tpu.memory_space<vmem>>
    %dma_start3A_1040 = arith.constant 0 : i32
    %dma_start3A_1041 = arith.constant 0 : i32
    %dma_start3A_1042 = tpu.memref_slice %arg2[%dma_start3A_1040, %dma_start3A_1041] : memref<500000x128xf32, #tpu.memory_space<hbm>> -> memref<500000x128xf32, #tpu.memory_space<hbm>>
    tpu.enqueue_indirect_dma source(%dma_start3A_1042 : memref<500000x128xf32, #tpu.memory_space<hbm>>) target(%dma_start3A_1036 : memref<128x128xf32, #tpu.memory_space<vmem>>) offsets(%dma_start3A_1039 : memref<128xi32, #tpu.memory_space<vmem>>) semaphore(%arg7 : memref<!tpu.dma_semaphore, #tpu.memory_space<semaphore_mem>>)
    %dma_wait3A_1043 = arith.constant 17 : i32
    %dma_wait3A_1044 = arith.constant 1 : i32
    %dma_wait3A_1045 = arith.constant 0 : i32
    %dma_wait3A_1046 = arith.constant 0 : i32
    %dma_wait3A_1047 = tpu.memref_slice %arg6[%dma_wait3A_1044, %dma_wait3A_1045, %dma_wait3A_1046] : memref<2x128x128xf32, #tpu.memory_space<vmem>> -> memref<1x128x128xf32, #tpu.memory_space<vmem>>
    %dma_wait3A_1048 = tpu.memref_squeeze %dma_wait3A_1047 : memref<1x128x128xf32, #tpu.memory_space<vmem>> -> memref<128x128xf32, #tpu.memory_space<vmem>>
    %dma_wait3A_1049 = arith.constant 0 : i32
    %dma_wait3A_1050 = tpu.memref_slice %arg5[%dma_wait3A_1043, %dma_wait3A_1049] : memref<24x128xi32, #tpu.memory_space<vmem>> -> memref<1x128xi32, #tpu.memory_space<vmem>>
    %dma_wait3A_1051 = tpu.memref_squeeze %dma_wait3A_1050 : memref<1x128xi32, #tpu.memory_space<vmem>> -> memref<128xi32, #tpu.memory_space<vmem>>
    %dma_wait3A_1052 = arith.constant 0 : i32
    %dma_wait3A_1053 = arith.constant 0 : i32
    %dma_wait3A_1054 = tpu.memref_slice %arg2[%dma_wait3A_1052, %dma_wait3A_1053] : memref<500000x128xf32, #tpu.memory_space<hbm>> -> memref<500000x128xf32, #tpu.memory_space<hbm>>
    tpu.wait_indirect_dma semaphore(%arg7 : memref<!tpu.dma_semaphore, #tpu.memory_space<semaphore_mem>>) src(%dma_wait3A_1054 : memref<500000x128xf32, #tpu.memory_space<hbm>>) dst(%dma_wait3A_1048 : memref<128x128xf32, #tpu.memory_space<vmem>>)
    %mul3A_1055 = arith.constant 512 : i32
    %mul3A_1056 = arith.muli %add3A, %mul3A_1055 : i32
    %add3A_1057 = arith.constant 128 : i32
    %add3A_1058 = arith.addi %mul3A_1056, %add3A_1057 : i32
    %dma_start3A_1059 = arith.constant 1 : i32
    %dma_start3A_1060 = arith.constant 4 : i32
    %dma_start3A_1061 = arith.constant 0 : i32
    %dma_start3A_1062 = arith.constant 0 : i32
    %dma_start3A_1063 = tpu.memref_slice %arg6[%dma_start3A_1059, %dma_start3A_1061, %dma_start3A_1062] : memref<2x128x128xf32, #tpu.memory_space<vmem>> -> memref<1x128x128xf32, #tpu.memory_space<vmem>>
    %dma_start3A_1064 = tpu.memref_squeeze %dma_start3A_1063 : memref<1x128x128xf32, #tpu.memory_space<vmem>> -> memref<128x128xf32, #tpu.memory_space<vmem>>
    %dma_start3A_1065 = arith.constant 0 : i32
    %dma_start3A_1066 = tpu.memref_slice %arg4[%dma_start3A_1060, %add3A_1058, %dma_start3A_1065] : memref<6x16384x128xf32, #tpu.memory_space<hbm>> -> memref<1x128x128xf32, #tpu.memory_space<hbm>>
    %dma_start3A_1067 = tpu.memref_squeeze %dma_start3A_1066 : memref<1x128x128xf32, #tpu.memory_space<hbm>> -> memref<128x128xf32, #tpu.memory_space<hbm>>
    %dma_start3A_1068 = arith.constant 0 : i32
    %dma_start3A_1069 = tpu.memref_slice %arg4[%dma_start3A_1060, %add3A_1058, %dma_start3A_1068] : memref<6x16384x128xf32, #tpu.memory_space<hbm>> -> memref<1x128x128xf32, #tpu.memory_space<hbm>>
    %dma_start3A_1070 = tpu.memref_squeeze %dma_start3A_1069 : memref<1x128x128xf32, #tpu.memory_space<hbm>> -> memref<128x128xf32, #tpu.memory_space<hbm>>
    %dma_start3A_1071 = arith.constant 0 : i32
    %dma_start3A_1072 = arith.constant 0 : i32
    %dma_start3A_1073 = tpu.memref_slice %arg6[%dma_start3A_1059, %dma_start3A_1071, %dma_start3A_1072] : memref<2x128x128xf32, #tpu.memory_space<vmem>> -> memref<1x128x128xf32, #tpu.memory_space<vmem>>
    %dma_start3A_1074 = tpu.memref_squeeze %dma_start3A_1073 : memref<1x128x128xf32, #tpu.memory_space<vmem>> -> memref<128x128xf32, #tpu.memory_space<vmem>>
    tpu.enqueue_dma source(%dma_start3A_1074 : memref<128x128xf32, #tpu.memory_space<vmem>>) target(%dma_start3A_1070 : memref<128x128xf32, #tpu.memory_space<hbm>>) target_semaphore(%arg8 : memref<!tpu.dma_semaphore, #tpu.memory_space<semaphore_mem>>)
    %dma_wait3A_1075 = arith.constant 1 : i32
    %dma_wait3A_1076 = arith.constant 4 : i32
    %dma_wait3A_1077 = arith.constant 0 : i32
    %dma_wait3A_1078 = arith.constant 0 : i32
    %dma_wait3A_1079 = tpu.memref_slice %arg6[%dma_wait3A_1075, %dma_wait3A_1077, %dma_wait3A_1078] : memref<2x128x128xf32, #tpu.memory_space<vmem>> -> memref<1x128x128xf32, #tpu.memory_space<vmem>>
    %dma_wait3A_1080 = tpu.memref_squeeze %dma_wait3A_1079 : memref<1x128x128xf32, #tpu.memory_space<vmem>> -> memref<128x128xf32, #tpu.memory_space<vmem>>
    %dma_wait3A_1081 = arith.constant 0 : i32
    %dma_wait3A_1082 = tpu.memref_slice %arg4[%dma_wait3A_1076, %add3A_1058, %dma_wait3A_1081] : memref<6x16384x128xf32, #tpu.memory_space<hbm>> -> memref<1x128x128xf32, #tpu.memory_space<hbm>>
    %dma_wait3A_1083 = tpu.memref_squeeze %dma_wait3A_1082 : memref<1x128x128xf32, #tpu.memory_space<hbm>> -> memref<128x128xf32, #tpu.memory_space<hbm>>
    %dma_wait3A_1084 = arith.constant 0 : i32
    %dma_wait3A_1085 = tpu.memref_slice %arg4[%dma_wait3A_1076, %add3A_1058, %dma_wait3A_1084] : memref<6x16384x128xf32, #tpu.memory_space<hbm>> -> memref<1x128x128xf32, #tpu.memory_space<hbm>>
    %dma_wait3A_1086 = tpu.memref_squeeze %dma_wait3A_1085 : memref<1x128x128xf32, #tpu.memory_space<hbm>> -> memref<128x128xf32, #tpu.memory_space<hbm>>
    %dma_wait3A_1087 = arith.constant 0 : i32
    %dma_wait3A_1088 = arith.constant 0 : i32
    %dma_wait3A_1089 = tpu.memref_slice %arg6[%dma_wait3A_1075, %dma_wait3A_1087, %dma_wait3A_1088] : memref<2x128x128xf32, #tpu.memory_space<vmem>> -> memref<1x128x128xf32, #tpu.memory_space<vmem>>
    %dma_wait3A_1090 = tpu.memref_squeeze %dma_wait3A_1089 : memref<1x128x128xf32, #tpu.memory_space<vmem>> -> memref<128x128xf32, #tpu.memory_space<vmem>>
    tpu.wait_dma2 semaphore(%arg8 : memref<!tpu.dma_semaphore, #tpu.memory_space<semaphore_mem>>) src(%dma_wait3A_1090 : memref<128x128xf32, #tpu.memory_space<vmem>>) dst(%dma_wait3A_1086 : memref<128x128xf32, #tpu.memory_space<hbm>>)
    %dma_start3A_1091 = arith.constant 19 : i32
    %dma_start3A_1092 = arith.constant 1 : i32
    %dma_start3A_1093 = arith.constant 0 : i32
    %dma_start3A_1094 = arith.constant 0 : i32
    %dma_start3A_1095 = tpu.memref_slice %arg6[%dma_start3A_1092, %dma_start3A_1093, %dma_start3A_1094] : memref<2x128x128xf32, #tpu.memory_space<vmem>> -> memref<1x128x128xf32, #tpu.memory_space<vmem>>
    %dma_start3A_1096 = tpu.memref_squeeze %dma_start3A_1095 : memref<1x128x128xf32, #tpu.memory_space<vmem>> -> memref<128x128xf32, #tpu.memory_space<vmem>>
    %dma_start3A_1097 = arith.constant 0 : i32
    %dma_start3A_1098 = tpu.memref_slice %arg5[%dma_start3A_1091, %dma_start3A_1097] : memref<24x128xi32, #tpu.memory_space<vmem>> -> memref<1x128xi32, #tpu.memory_space<vmem>>
    %dma_start3A_1099 = tpu.memref_squeeze %dma_start3A_1098 : memref<1x128xi32, #tpu.memory_space<vmem>> -> memref<128xi32, #tpu.memory_space<vmem>>
    %dma_start3A_1100 = arith.constant 0 : i32
    %dma_start3A_1101 = arith.constant 0 : i32
    %dma_start3A_1102 = tpu.memref_slice %arg2[%dma_start3A_1100, %dma_start3A_1101] : memref<500000x128xf32, #tpu.memory_space<hbm>> -> memref<500000x128xf32, #tpu.memory_space<hbm>>
    tpu.enqueue_indirect_dma source(%dma_start3A_1102 : memref<500000x128xf32, #tpu.memory_space<hbm>>) target(%dma_start3A_1096 : memref<128x128xf32, #tpu.memory_space<vmem>>) offsets(%dma_start3A_1099 : memref<128xi32, #tpu.memory_space<vmem>>) semaphore(%arg7 : memref<!tpu.dma_semaphore, #tpu.memory_space<semaphore_mem>>)
    %dma_wait3A_1103 = arith.constant 18 : i32
    %dma_wait3A_1104 = arith.constant 0 : i32
    %dma_wait3A_1105 = arith.constant 0 : i32
    %dma_wait3A_1106 = arith.constant 0 : i32
    %dma_wait3A_1107 = tpu.memref_slice %arg6[%dma_wait3A_1104, %dma_wait3A_1105, %dma_wait3A_1106] : memref<2x128x128xf32, #tpu.memory_space<vmem>> -> memref<1x128x128xf32, #tpu.memory_space<vmem>>
    %dma_wait3A_1108 = tpu.memref_squeeze %dma_wait3A_1107 : memref<1x128x128xf32, #tpu.memory_space<vmem>> -> memref<128x128xf32, #tpu.memory_space<vmem>>
    %dma_wait3A_1109 = arith.constant 0 : i32
    %dma_wait3A_1110 = tpu.memref_slice %arg5[%dma_wait3A_1103, %dma_wait3A_1109] : memref<24x128xi32, #tpu.memory_space<vmem>> -> memref<1x128xi32, #tpu.memory_space<vmem>>
    %dma_wait3A_1111 = tpu.memref_squeeze %dma_wait3A_1110 : memref<1x128xi32, #tpu.memory_space<vmem>> -> memref<128xi32, #tpu.memory_space<vmem>>
    %dma_wait3A_1112 = arith.constant 0 : i32
    %dma_wait3A_1113 = arith.constant 0 : i32
    %dma_wait3A_1114 = tpu.memref_slice %arg2[%dma_wait3A_1112, %dma_wait3A_1113] : memref<500000x128xf32, #tpu.memory_space<hbm>> -> memref<500000x128xf32, #tpu.memory_space<hbm>>
    tpu.wait_indirect_dma semaphore(%arg7 : memref<!tpu.dma_semaphore, #tpu.memory_space<semaphore_mem>>) src(%dma_wait3A_1114 : memref<500000x128xf32, #tpu.memory_space<hbm>>) dst(%dma_wait3A_1108 : memref<128x128xf32, #tpu.memory_space<vmem>>)
    %mul3A_1115 = arith.constant 512 : i32
    %mul3A_1116 = arith.muli %add3A, %mul3A_1115 : i32
    %add3A_1117 = arith.constant 256 : i32
    %add3A_1118 = arith.addi %mul3A_1116, %add3A_1117 : i32
    %dma_start3A_1119 = arith.constant 0 : i32
    %dma_start3A_1120 = arith.constant 4 : i32
    %dma_start3A_1121 = arith.constant 0 : i32
    %dma_start3A_1122 = arith.constant 0 : i32
    %dma_start3A_1123 = tpu.memref_slice %arg6[%dma_start3A_1119, %dma_start3A_1121, %dma_start3A_1122] : memref<2x128x128xf32, #tpu.memory_space<vmem>> -> memref<1x128x128xf32, #tpu.memory_space<vmem>>
    %dma_start3A_1124 = tpu.memref_squeeze %dma_start3A_1123 : memref<1x128x128xf32, #tpu.memory_space<vmem>> -> memref<128x128xf32, #tpu.memory_space<vmem>>
    %dma_start3A_1125 = arith.constant 0 : i32
    %dma_start3A_1126 = tpu.memref_slice %arg4[%dma_start3A_1120, %add3A_1118, %dma_start3A_1125] : memref<6x16384x128xf32, #tpu.memory_space<hbm>> -> memref<1x128x128xf32, #tpu.memory_space<hbm>>
    %dma_start3A_1127 = tpu.memref_squeeze %dma_start3A_1126 : memref<1x128x128xf32, #tpu.memory_space<hbm>> -> memref<128x128xf32, #tpu.memory_space<hbm>>
    %dma_start3A_1128 = arith.constant 0 : i32
    %dma_start3A_1129 = tpu.memref_slice %arg4[%dma_start3A_1120, %add3A_1118, %dma_start3A_1128] : memref<6x16384x128xf32, #tpu.memory_space<hbm>> -> memref<1x128x128xf32, #tpu.memory_space<hbm>>
    %dma_start3A_1130 = tpu.memref_squeeze %dma_start3A_1129 : memref<1x128x128xf32, #tpu.memory_space<hbm>> -> memref<128x128xf32, #tpu.memory_space<hbm>>
    %dma_start3A_1131 = arith.constant 0 : i32
    %dma_start3A_1132 = arith.constant 0 : i32
    %dma_start3A_1133 = tpu.memref_slice %arg6[%dma_start3A_1119, %dma_start3A_1131, %dma_start3A_1132] : memref<2x128x128xf32, #tpu.memory_space<vmem>> -> memref<1x128x128xf32, #tpu.memory_space<vmem>>
    %dma_start3A_1134 = tpu.memref_squeeze %dma_start3A_1133 : memref<1x128x128xf32, #tpu.memory_space<vmem>> -> memref<128x128xf32, #tpu.memory_space<vmem>>
    tpu.enqueue_dma source(%dma_start3A_1134 : memref<128x128xf32, #tpu.memory_space<vmem>>) target(%dma_start3A_1130 : memref<128x128xf32, #tpu.memory_space<hbm>>) target_semaphore(%arg8 : memref<!tpu.dma_semaphore, #tpu.memory_space<semaphore_mem>>)
    %dma_wait3A_1135 = arith.constant 0 : i32
    %dma_wait3A_1136 = arith.constant 4 : i32
    %dma_wait3A_1137 = arith.constant 0 : i32
    %dma_wait3A_1138 = arith.constant 0 : i32
    %dma_wait3A_1139 = tpu.memref_slice %arg6[%dma_wait3A_1135, %dma_wait3A_1137, %dma_wait3A_1138] : memref<2x128x128xf32, #tpu.memory_space<vmem>> -> memref<1x128x128xf32, #tpu.memory_space<vmem>>
    %dma_wait3A_1140 = tpu.memref_squeeze %dma_wait3A_1139 : memref<1x128x128xf32, #tpu.memory_space<vmem>> -> memref<128x128xf32, #tpu.memory_space<vmem>>
    %dma_wait3A_1141 = arith.constant 0 : i32
    %dma_wait3A_1142 = tpu.memref_slice %arg4[%dma_wait3A_1136, %add3A_1118, %dma_wait3A_1141] : memref<6x16384x128xf32, #tpu.memory_space<hbm>> -> memref<1x128x128xf32, #tpu.memory_space<hbm>>
    %dma_wait3A_1143 = tpu.memref_squeeze %dma_wait3A_1142 : memref<1x128x128xf32, #tpu.memory_space<hbm>> -> memref<128x128xf32, #tpu.memory_space<hbm>>
    %dma_wait3A_1144 = arith.constant 0 : i32
    %dma_wait3A_1145 = tpu.memref_slice %arg4[%dma_wait3A_1136, %add3A_1118, %dma_wait3A_1144] : memref<6x16384x128xf32, #tpu.memory_space<hbm>> -> memref<1x128x128xf32, #tpu.memory_space<hbm>>
    %dma_wait3A_1146 = tpu.memref_squeeze %dma_wait3A_1145 : memref<1x128x128xf32, #tpu.memory_space<hbm>> -> memref<128x128xf32, #tpu.memory_space<hbm>>
    %dma_wait3A_1147 = arith.constant 0 : i32
    %dma_wait3A_1148 = arith.constant 0 : i32
    %dma_wait3A_1149 = tpu.memref_slice %arg6[%dma_wait3A_1135, %dma_wait3A_1147, %dma_wait3A_1148] : memref<2x128x128xf32, #tpu.memory_space<vmem>> -> memref<1x128x128xf32, #tpu.memory_space<vmem>>
    %dma_wait3A_1150 = tpu.memref_squeeze %dma_wait3A_1149 : memref<1x128x128xf32, #tpu.memory_space<vmem>> -> memref<128x128xf32, #tpu.memory_space<vmem>>
    tpu.wait_dma2 semaphore(%arg8 : memref<!tpu.dma_semaphore, #tpu.memory_space<semaphore_mem>>) src(%dma_wait3A_1150 : memref<128x128xf32, #tpu.memory_space<vmem>>) dst(%dma_wait3A_1146 : memref<128x128xf32, #tpu.memory_space<hbm>>)
    %dma_start3A_1151 = arith.constant 20 : i32
    %dma_start3A_1152 = arith.constant 0 : i32
    %dma_start3A_1153 = arith.constant 0 : i32
    %dma_start3A_1154 = arith.constant 0 : i32
    %dma_start3A_1155 = tpu.memref_slice %arg6[%dma_start3A_1152, %dma_start3A_1153, %dma_start3A_1154] : memref<2x128x128xf32, #tpu.memory_space<vmem>> -> memref<1x128x128xf32, #tpu.memory_space<vmem>>
    %dma_start3A_1156 = tpu.memref_squeeze %dma_start3A_1155 : memref<1x128x128xf32, #tpu.memory_space<vmem>> -> memref<128x128xf32, #tpu.memory_space<vmem>>
    %dma_start3A_1157 = arith.constant 0 : i32
    %dma_start3A_1158 = tpu.memref_slice %arg5[%dma_start3A_1151, %dma_start3A_1157] : memref<24x128xi32, #tpu.memory_space<vmem>> -> memref<1x128xi32, #tpu.memory_space<vmem>>
    %dma_start3A_1159 = tpu.memref_squeeze %dma_start3A_1158 : memref<1x128xi32, #tpu.memory_space<vmem>> -> memref<128xi32, #tpu.memory_space<vmem>>
    %dma_start3A_1160 = arith.constant 0 : i32
    %dma_start3A_1161 = arith.constant 0 : i32
    %dma_start3A_1162 = tpu.memref_slice %arg2[%dma_start3A_1160, %dma_start3A_1161] : memref<500000x128xf32, #tpu.memory_space<hbm>> -> memref<500000x128xf32, #tpu.memory_space<hbm>>
    tpu.enqueue_indirect_dma source(%dma_start3A_1162 : memref<500000x128xf32, #tpu.memory_space<hbm>>) target(%dma_start3A_1156 : memref<128x128xf32, #tpu.memory_space<vmem>>) offsets(%dma_start3A_1159 : memref<128xi32, #tpu.memory_space<vmem>>) semaphore(%arg7 : memref<!tpu.dma_semaphore, #tpu.memory_space<semaphore_mem>>)
    %dma_wait3A_1163 = arith.constant 19 : i32
    %dma_wait3A_1164 = arith.constant 1 : i32
    %dma_wait3A_1165 = arith.constant 0 : i32
    %dma_wait3A_1166 = arith.constant 0 : i32
    %dma_wait3A_1167 = tpu.memref_slice %arg6[%dma_wait3A_1164, %dma_wait3A_1165, %dma_wait3A_1166] : memref<2x128x128xf32, #tpu.memory_space<vmem>> -> memref<1x128x128xf32, #tpu.memory_space<vmem>>
    %dma_wait3A_1168 = tpu.memref_squeeze %dma_wait3A_1167 : memref<1x128x128xf32, #tpu.memory_space<vmem>> -> memref<128x128xf32, #tpu.memory_space<vmem>>
    %dma_wait3A_1169 = arith.constant 0 : i32
    %dma_wait3A_1170 = tpu.memref_slice %arg5[%dma_wait3A_1163, %dma_wait3A_1169] : memref<24x128xi32, #tpu.memory_space<vmem>> -> memref<1x128xi32, #tpu.memory_space<vmem>>
    %dma_wait3A_1171 = tpu.memref_squeeze %dma_wait3A_1170 : memref<1x128xi32, #tpu.memory_space<vmem>> -> memref<128xi32, #tpu.memory_space<vmem>>
    %dma_wait3A_1172 = arith.constant 0 : i32
    %dma_wait3A_1173 = arith.constant 0 : i32
    %dma_wait3A_1174 = tpu.memref_slice %arg2[%dma_wait3A_1172, %dma_wait3A_1173] : memref<500000x128xf32, #tpu.memory_space<hbm>> -> memref<500000x128xf32, #tpu.memory_space<hbm>>
    tpu.wait_indirect_dma semaphore(%arg7 : memref<!tpu.dma_semaphore, #tpu.memory_space<semaphore_mem>>) src(%dma_wait3A_1174 : memref<500000x128xf32, #tpu.memory_space<hbm>>) dst(%dma_wait3A_1168 : memref<128x128xf32, #tpu.memory_space<vmem>>)
    %mul3A_1175 = arith.constant 512 : i32
    %mul3A_1176 = arith.muli %add3A, %mul3A_1175 : i32
    %add3A_1177 = arith.constant 384 : i32
    %add3A_1178 = arith.addi %mul3A_1176, %add3A_1177 : i32
    %dma_start3A_1179 = arith.constant 1 : i32
    %dma_start3A_1180 = arith.constant 4 : i32
    %dma_start3A_1181 = arith.constant 0 : i32
    %dma_start3A_1182 = arith.constant 0 : i32
    %dma_start3A_1183 = tpu.memref_slice %arg6[%dma_start3A_1179, %dma_start3A_1181, %dma_start3A_1182] : memref<2x128x128xf32, #tpu.memory_space<vmem>> -> memref<1x128x128xf32, #tpu.memory_space<vmem>>
    %dma_start3A_1184 = tpu.memref_squeeze %dma_start3A_1183 : memref<1x128x128xf32, #tpu.memory_space<vmem>> -> memref<128x128xf32, #tpu.memory_space<vmem>>
    %dma_start3A_1185 = arith.constant 0 : i32
    %dma_start3A_1186 = tpu.memref_slice %arg4[%dma_start3A_1180, %add3A_1178, %dma_start3A_1185] : memref<6x16384x128xf32, #tpu.memory_space<hbm>> -> memref<1x128x128xf32, #tpu.memory_space<hbm>>
    %dma_start3A_1187 = tpu.memref_squeeze %dma_start3A_1186 : memref<1x128x128xf32, #tpu.memory_space<hbm>> -> memref<128x128xf32, #tpu.memory_space<hbm>>
    %dma_start3A_1188 = arith.constant 0 : i32
    %dma_start3A_1189 = tpu.memref_slice %arg4[%dma_start3A_1180, %add3A_1178, %dma_start3A_1188] : memref<6x16384x128xf32, #tpu.memory_space<hbm>> -> memref<1x128x128xf32, #tpu.memory_space<hbm>>
    %dma_start3A_1190 = tpu.memref_squeeze %dma_start3A_1189 : memref<1x128x128xf32, #tpu.memory_space<hbm>> -> memref<128x128xf32, #tpu.memory_space<hbm>>
    %dma_start3A_1191 = arith.constant 0 : i32
    %dma_start3A_1192 = arith.constant 0 : i32
    %dma_start3A_1193 = tpu.memref_slice %arg6[%dma_start3A_1179, %dma_start3A_1191, %dma_start3A_1192] : memref<2x128x128xf32, #tpu.memory_space<vmem>> -> memref<1x128x128xf32, #tpu.memory_space<vmem>>
    %dma_start3A_1194 = tpu.memref_squeeze %dma_start3A_1193 : memref<1x128x128xf32, #tpu.memory_space<vmem>> -> memref<128x128xf32, #tpu.memory_space<vmem>>
    tpu.enqueue_dma source(%dma_start3A_1194 : memref<128x128xf32, #tpu.memory_space<vmem>>) target(%dma_start3A_1190 : memref<128x128xf32, #tpu.memory_space<hbm>>) target_semaphore(%arg8 : memref<!tpu.dma_semaphore, #tpu.memory_space<semaphore_mem>>)
    %dma_wait3A_1195 = arith.constant 1 : i32
    %dma_wait3A_1196 = arith.constant 4 : i32
    %dma_wait3A_1197 = arith.constant 0 : i32
    %dma_wait3A_1198 = arith.constant 0 : i32
    %dma_wait3A_1199 = tpu.memref_slice %arg6[%dma_wait3A_1195, %dma_wait3A_1197, %dma_wait3A_1198] : memref<2x128x128xf32, #tpu.memory_space<vmem>> -> memref<1x128x128xf32, #tpu.memory_space<vmem>>
    %dma_wait3A_1200 = tpu.memref_squeeze %dma_wait3A_1199 : memref<1x128x128xf32, #tpu.memory_space<vmem>> -> memref<128x128xf32, #tpu.memory_space<vmem>>
    %dma_wait3A_1201 = arith.constant 0 : i32
    %dma_wait3A_1202 = tpu.memref_slice %arg4[%dma_wait3A_1196, %add3A_1178, %dma_wait3A_1201] : memref<6x16384x128xf32, #tpu.memory_space<hbm>> -> memref<1x128x128xf32, #tpu.memory_space<hbm>>
    %dma_wait3A_1203 = tpu.memref_squeeze %dma_wait3A_1202 : memref<1x128x128xf32, #tpu.memory_space<hbm>> -> memref<128x128xf32, #tpu.memory_space<hbm>>
    %dma_wait3A_1204 = arith.constant 0 : i32
    %dma_wait3A_1205 = tpu.memref_slice %arg4[%dma_wait3A_1196, %add3A_1178, %dma_wait3A_1204] : memref<6x16384x128xf32, #tpu.memory_space<hbm>> -> memref<1x128x128xf32, #tpu.memory_space<hbm>>
    %dma_wait3A_1206 = tpu.memref_squeeze %dma_wait3A_1205 : memref<1x128x128xf32, #tpu.memory_space<hbm>> -> memref<128x128xf32, #tpu.memory_space<hbm>>
    %dma_wait3A_1207 = arith.constant 0 : i32
    %dma_wait3A_1208 = arith.constant 0 : i32
    %dma_wait3A_1209 = tpu.memref_slice %arg6[%dma_wait3A_1195, %dma_wait3A_1207, %dma_wait3A_1208] : memref<2x128x128xf32, #tpu.memory_space<vmem>> -> memref<1x128x128xf32, #tpu.memory_space<vmem>>
    %dma_wait3A_1210 = tpu.memref_squeeze %dma_wait3A_1209 : memref<1x128x128xf32, #tpu.memory_space<vmem>> -> memref<128x128xf32, #tpu.memory_space<vmem>>
    tpu.wait_dma2 semaphore(%arg8 : memref<!tpu.dma_semaphore, #tpu.memory_space<semaphore_mem>>) src(%dma_wait3A_1210 : memref<128x128xf32, #tpu.memory_space<vmem>>) dst(%dma_wait3A_1206 : memref<128x128xf32, #tpu.memory_space<hbm>>)
    %dma_start3A_1211 = arith.constant 21 : i32
    %dma_start3A_1212 = arith.constant 1 : i32
    %dma_start3A_1213 = arith.constant 0 : i32
    %dma_start3A_1214 = arith.constant 0 : i32
    %dma_start3A_1215 = tpu.memref_slice %arg6[%dma_start3A_1212, %dma_start3A_1213, %dma_start3A_1214] : memref<2x128x128xf32, #tpu.memory_space<vmem>> -> memref<1x128x128xf32, #tpu.memory_space<vmem>>
    %dma_start3A_1216 = tpu.memref_squeeze %dma_start3A_1215 : memref<1x128x128xf32, #tpu.memory_space<vmem>> -> memref<128x128xf32, #tpu.memory_space<vmem>>
    %dma_start3A_1217 = arith.constant 0 : i32
    %dma_start3A_1218 = tpu.memref_slice %arg5[%dma_start3A_1211, %dma_start3A_1217] : memref<24x128xi32, #tpu.memory_space<vmem>> -> memref<1x128xi32, #tpu.memory_space<vmem>>
    %dma_start3A_1219 = tpu.memref_squeeze %dma_start3A_1218 : memref<1x128xi32, #tpu.memory_space<vmem>> -> memref<128xi32, #tpu.memory_space<vmem>>
    %dma_start3A_1220 = arith.constant 0 : i32
    %dma_start3A_1221 = arith.constant 0 : i32
    %dma_start3A_1222 = tpu.memref_slice %arg2[%dma_start3A_1220, %dma_start3A_1221] : memref<500000x128xf32, #tpu.memory_space<hbm>> -> memref<500000x128xf32, #tpu.memory_space<hbm>>
    tpu.enqueue_indirect_dma source(%dma_start3A_1222 : memref<500000x128xf32, #tpu.memory_space<hbm>>) target(%dma_start3A_1216 : memref<128x128xf32, #tpu.memory_space<vmem>>) offsets(%dma_start3A_1219 : memref<128xi32, #tpu.memory_space<vmem>>) semaphore(%arg7 : memref<!tpu.dma_semaphore, #tpu.memory_space<semaphore_mem>>)
    %dma_wait3A_1223 = arith.constant 20 : i32
    %dma_wait3A_1224 = arith.constant 0 : i32
    %dma_wait3A_1225 = arith.constant 0 : i32
    %dma_wait3A_1226 = arith.constant 0 : i32
    %dma_wait3A_1227 = tpu.memref_slice %arg6[%dma_wait3A_1224, %dma_wait3A_1225, %dma_wait3A_1226] : memref<2x128x128xf32, #tpu.memory_space<vmem>> -> memref<1x128x128xf32, #tpu.memory_space<vmem>>
    %dma_wait3A_1228 = tpu.memref_squeeze %dma_wait3A_1227 : memref<1x128x128xf32, #tpu.memory_space<vmem>> -> memref<128x128xf32, #tpu.memory_space<vmem>>
    %dma_wait3A_1229 = arith.constant 0 : i32
    %dma_wait3A_1230 = tpu.memref_slice %arg5[%dma_wait3A_1223, %dma_wait3A_1229] : memref<24x128xi32, #tpu.memory_space<vmem>> -> memref<1x128xi32, #tpu.memory_space<vmem>>
    %dma_wait3A_1231 = tpu.memref_squeeze %dma_wait3A_1230 : memref<1x128xi32, #tpu.memory_space<vmem>> -> memref<128xi32, #tpu.memory_space<vmem>>
    %dma_wait3A_1232 = arith.constant 0 : i32
    %dma_wait3A_1233 = arith.constant 0 : i32
    %dma_wait3A_1234 = tpu.memref_slice %arg2[%dma_wait3A_1232, %dma_wait3A_1233] : memref<500000x128xf32, #tpu.memory_space<hbm>> -> memref<500000x128xf32, #tpu.memory_space<hbm>>
    tpu.wait_indirect_dma semaphore(%arg7 : memref<!tpu.dma_semaphore, #tpu.memory_space<semaphore_mem>>) src(%dma_wait3A_1234 : memref<500000x128xf32, #tpu.memory_space<hbm>>) dst(%dma_wait3A_1228 : memref<128x128xf32, #tpu.memory_space<vmem>>)
    %mul3A_1235 = arith.constant 512 : i32
    %mul3A_1236 = arith.muli %add3A, %mul3A_1235 : i32
    %add3A_1237 = arith.constant 0 : i32
    %add3A_1238 = arith.addi %mul3A_1236, %add3A_1237 : i32
    %dma_start3A_1239 = arith.constant 0 : i32
    %dma_start3A_1240 = arith.constant 5 : i32
    %dma_start3A_1241 = arith.constant 0 : i32
    %dma_start3A_1242 = arith.constant 0 : i32
    %dma_start3A_1243 = tpu.memref_slice %arg6[%dma_start3A_1239, %dma_start3A_1241, %dma_start3A_1242] : memref<2x128x128xf32, #tpu.memory_space<vmem>> -> memref<1x128x128xf32, #tpu.memory_space<vmem>>
    %dma_start3A_1244 = tpu.memref_squeeze %dma_start3A_1243 : memref<1x128x128xf32, #tpu.memory_space<vmem>> -> memref<128x128xf32, #tpu.memory_space<vmem>>
    %dma_start3A_1245 = arith.constant 0 : i32
    %dma_start3A_1246 = tpu.memref_slice %arg4[%dma_start3A_1240, %add3A_1238, %dma_start3A_1245] : memref<6x16384x128xf32, #tpu.memory_space<hbm>> -> memref<1x128x128xf32, #tpu.memory_space<hbm>>
    %dma_start3A_1247 = tpu.memref_squeeze %dma_start3A_1246 : memref<1x128x128xf32, #tpu.memory_space<hbm>> -> memref<128x128xf32, #tpu.memory_space<hbm>>
    %dma_start3A_1248 = arith.constant 0 : i32
    %dma_start3A_1249 = tpu.memref_slice %arg4[%dma_start3A_1240, %add3A_1238, %dma_start3A_1248] : memref<6x16384x128xf32, #tpu.memory_space<hbm>> -> memref<1x128x128xf32, #tpu.memory_space<hbm>>
    %dma_start3A_1250 = tpu.memref_squeeze %dma_start3A_1249 : memref<1x128x128xf32, #tpu.memory_space<hbm>> -> memref<128x128xf32, #tpu.memory_space<hbm>>
    %dma_start3A_1251 = arith.constant 0 : i32
    %dma_start3A_1252 = arith.constant 0 : i32
    %dma_start3A_1253 = tpu.memref_slice %arg6[%dma_start3A_1239, %dma_start3A_1251, %dma_start3A_1252] : memref<2x128x128xf32, #tpu.memory_space<vmem>> -> memref<1x128x128xf32, #tpu.memory_space<vmem>>
    %dma_start3A_1254 = tpu.memref_squeeze %dma_start3A_1253 : memref<1x128x128xf32, #tpu.memory_space<vmem>> -> memref<128x128xf32, #tpu.memory_space<vmem>>
    tpu.enqueue_dma source(%dma_start3A_1254 : memref<128x128xf32, #tpu.memory_space<vmem>>) target(%dma_start3A_1250 : memref<128x128xf32, #tpu.memory_space<hbm>>) target_semaphore(%arg8 : memref<!tpu.dma_semaphore, #tpu.memory_space<semaphore_mem>>)
    %dma_wait3A_1255 = arith.constant 0 : i32
    %dma_wait3A_1256 = arith.constant 5 : i32
    %dma_wait3A_1257 = arith.constant 0 : i32
    %dma_wait3A_1258 = arith.constant 0 : i32
    %dma_wait3A_1259 = tpu.memref_slice %arg6[%dma_wait3A_1255, %dma_wait3A_1257, %dma_wait3A_1258] : memref<2x128x128xf32, #tpu.memory_space<vmem>> -> memref<1x128x128xf32, #tpu.memory_space<vmem>>
    %dma_wait3A_1260 = tpu.memref_squeeze %dma_wait3A_1259 : memref<1x128x128xf32, #tpu.memory_space<vmem>> -> memref<128x128xf32, #tpu.memory_space<vmem>>
    %dma_wait3A_1261 = arith.constant 0 : i32
    %dma_wait3A_1262 = tpu.memref_slice %arg4[%dma_wait3A_1256, %add3A_1238, %dma_wait3A_1261] : memref<6x16384x128xf32, #tpu.memory_space<hbm>> -> memref<1x128x128xf32, #tpu.memory_space<hbm>>
    %dma_wait3A_1263 = tpu.memref_squeeze %dma_wait3A_1262 : memref<1x128x128xf32, #tpu.memory_space<hbm>> -> memref<128x128xf32, #tpu.memory_space<hbm>>
    %dma_wait3A_1264 = arith.constant 0 : i32
    %dma_wait3A_1265 = tpu.memref_slice %arg4[%dma_wait3A_1256, %add3A_1238, %dma_wait3A_1264] : memref<6x16384x128xf32, #tpu.memory_space<hbm>> -> memref<1x128x128xf32, #tpu.memory_space<hbm>>
    %dma_wait3A_1266 = tpu.memref_squeeze %dma_wait3A_1265 : memref<1x128x128xf32, #tpu.memory_space<hbm>> -> memref<128x128xf32, #tpu.memory_space<hbm>>
    %dma_wait3A_1267 = arith.constant 0 : i32
    %dma_wait3A_1268 = arith.constant 0 : i32
    %dma_wait3A_1269 = tpu.memref_slice %arg6[%dma_wait3A_1255, %dma_wait3A_1267, %dma_wait3A_1268] : memref<2x128x128xf32, #tpu.memory_space<vmem>> -> memref<1x128x128xf32, #tpu.memory_space<vmem>>
    %dma_wait3A_1270 = tpu.memref_squeeze %dma_wait3A_1269 : memref<1x128x128xf32, #tpu.memory_space<vmem>> -> memref<128x128xf32, #tpu.memory_space<vmem>>
    tpu.wait_dma2 semaphore(%arg8 : memref<!tpu.dma_semaphore, #tpu.memory_space<semaphore_mem>>) src(%dma_wait3A_1270 : memref<128x128xf32, #tpu.memory_space<vmem>>) dst(%dma_wait3A_1266 : memref<128x128xf32, #tpu.memory_space<hbm>>)
    %dma_start3A_1271 = arith.constant 22 : i32
    %dma_start3A_1272 = arith.constant 0 : i32
    %dma_start3A_1273 = arith.constant 0 : i32
    %dma_start3A_1274 = arith.constant 0 : i32
    %dma_start3A_1275 = tpu.memref_slice %arg6[%dma_start3A_1272, %dma_start3A_1273, %dma_start3A_1274] : memref<2x128x128xf32, #tpu.memory_space<vmem>> -> memref<1x128x128xf32, #tpu.memory_space<vmem>>
    %dma_start3A_1276 = tpu.memref_squeeze %dma_start3A_1275 : memref<1x128x128xf32, #tpu.memory_space<vmem>> -> memref<128x128xf32, #tpu.memory_space<vmem>>
    %dma_start3A_1277 = arith.constant 0 : i32
    %dma_start3A_1278 = tpu.memref_slice %arg5[%dma_start3A_1271, %dma_start3A_1277] : memref<24x128xi32, #tpu.memory_space<vmem>> -> memref<1x128xi32, #tpu.memory_space<vmem>>
    %dma_start3A_1279 = tpu.memref_squeeze %dma_start3A_1278 : memref<1x128xi32, #tpu.memory_space<vmem>> -> memref<128xi32, #tpu.memory_space<vmem>>
    %dma_start3A_1280 = arith.constant 0 : i32
    %dma_start3A_1281 = arith.constant 0 : i32
    %dma_start3A_1282 = tpu.memref_slice %arg2[%dma_start3A_1280, %dma_start3A_1281] : memref<500000x128xf32, #tpu.memory_space<hbm>> -> memref<500000x128xf32, #tpu.memory_space<hbm>>
    tpu.enqueue_indirect_dma source(%dma_start3A_1282 : memref<500000x128xf32, #tpu.memory_space<hbm>>) target(%dma_start3A_1276 : memref<128x128xf32, #tpu.memory_space<vmem>>) offsets(%dma_start3A_1279 : memref<128xi32, #tpu.memory_space<vmem>>) semaphore(%arg7 : memref<!tpu.dma_semaphore, #tpu.memory_space<semaphore_mem>>)
    %dma_wait3A_1283 = arith.constant 21 : i32
    %dma_wait3A_1284 = arith.constant 1 : i32
    %dma_wait3A_1285 = arith.constant 0 : i32
    %dma_wait3A_1286 = arith.constant 0 : i32
    %dma_wait3A_1287 = tpu.memref_slice %arg6[%dma_wait3A_1284, %dma_wait3A_1285, %dma_wait3A_1286] : memref<2x128x128xf32, #tpu.memory_space<vmem>> -> memref<1x128x128xf32, #tpu.memory_space<vmem>>
    %dma_wait3A_1288 = tpu.memref_squeeze %dma_wait3A_1287 : memref<1x128x128xf32, #tpu.memory_space<vmem>> -> memref<128x128xf32, #tpu.memory_space<vmem>>
    %dma_wait3A_1289 = arith.constant 0 : i32
    %dma_wait3A_1290 = tpu.memref_slice %arg5[%dma_wait3A_1283, %dma_wait3A_1289] : memref<24x128xi32, #tpu.memory_space<vmem>> -> memref<1x128xi32, #tpu.memory_space<vmem>>
    %dma_wait3A_1291 = tpu.memref_squeeze %dma_wait3A_1290 : memref<1x128xi32, #tpu.memory_space<vmem>> -> memref<128xi32, #tpu.memory_space<vmem>>
    %dma_wait3A_1292 = arith.constant 0 : i32
    %dma_wait3A_1293 = arith.constant 0 : i32
    %dma_wait3A_1294 = tpu.memref_slice %arg2[%dma_wait3A_1292, %dma_wait3A_1293] : memref<500000x128xf32, #tpu.memory_space<hbm>> -> memref<500000x128xf32, #tpu.memory_space<hbm>>
    tpu.wait_indirect_dma semaphore(%arg7 : memref<!tpu.dma_semaphore, #tpu.memory_space<semaphore_mem>>) src(%dma_wait3A_1294 : memref<500000x128xf32, #tpu.memory_space<hbm>>) dst(%dma_wait3A_1288 : memref<128x128xf32, #tpu.memory_space<vmem>>)
    %mul3A_1295 = arith.constant 512 : i32
    %mul3A_1296 = arith.muli %add3A, %mul3A_1295 : i32
    %add3A_1297 = arith.constant 128 : i32
    %add3A_1298 = arith.addi %mul3A_1296, %add3A_1297 : i32
    %dma_start3A_1299 = arith.constant 1 : i32
    %dma_start3A_1300 = arith.constant 5 : i32
    %dma_start3A_1301 = arith.constant 0 : i32
    %dma_start3A_1302 = arith.constant 0 : i32
    %dma_start3A_1303 = tpu.memref_slice %arg6[%dma_start3A_1299, %dma_start3A_1301, %dma_start3A_1302] : memref<2x128x128xf32, #tpu.memory_space<vmem>> -> memref<1x128x128xf32, #tpu.memory_space<vmem>>
    %dma_start3A_1304 = tpu.memref_squeeze %dma_start3A_1303 : memref<1x128x128xf32, #tpu.memory_space<vmem>> -> memref<128x128xf32, #tpu.memory_space<vmem>>
    %dma_start3A_1305 = arith.constant 0 : i32
    %dma_start3A_1306 = tpu.memref_slice %arg4[%dma_start3A_1300, %add3A_1298, %dma_start3A_1305] : memref<6x16384x128xf32, #tpu.memory_space<hbm>> -> memref<1x128x128xf32, #tpu.memory_space<hbm>>
    %dma_start3A_1307 = tpu.memref_squeeze %dma_start3A_1306 : memref<1x128x128xf32, #tpu.memory_space<hbm>> -> memref<128x128xf32, #tpu.memory_space<hbm>>
    %dma_start3A_1308 = arith.constant 0 : i32
    %dma_start3A_1309 = tpu.memref_slice %arg4[%dma_start3A_1300, %add3A_1298, %dma_start3A_1308] : memref<6x16384x128xf32, #tpu.memory_space<hbm>> -> memref<1x128x128xf32, #tpu.memory_space<hbm>>
    %dma_start3A_1310 = tpu.memref_squeeze %dma_start3A_1309 : memref<1x128x128xf32, #tpu.memory_space<hbm>> -> memref<128x128xf32, #tpu.memory_space<hbm>>
    %dma_start3A_1311 = arith.constant 0 : i32
    %dma_start3A_1312 = arith.constant 0 : i32
    %dma_start3A_1313 = tpu.memref_slice %arg6[%dma_start3A_1299, %dma_start3A_1311, %dma_start3A_1312] : memref<2x128x128xf32, #tpu.memory_space<vmem>> -> memref<1x128x128xf32, #tpu.memory_space<vmem>>
    %dma_start3A_1314 = tpu.memref_squeeze %dma_start3A_1313 : memref<1x128x128xf32, #tpu.memory_space<vmem>> -> memref<128x128xf32, #tpu.memory_space<vmem>>
    tpu.enqueue_dma source(%dma_start3A_1314 : memref<128x128xf32, #tpu.memory_space<vmem>>) target(%dma_start3A_1310 : memref<128x128xf32, #tpu.memory_space<hbm>>) target_semaphore(%arg8 : memref<!tpu.dma_semaphore, #tpu.memory_space<semaphore_mem>>)
    %dma_wait3A_1315 = arith.constant 1 : i32
    %dma_wait3A_1316 = arith.constant 5 : i32
    %dma_wait3A_1317 = arith.constant 0 : i32
    %dma_wait3A_1318 = arith.constant 0 : i32
    %dma_wait3A_1319 = tpu.memref_slice %arg6[%dma_wait3A_1315, %dma_wait3A_1317, %dma_wait3A_1318] : memref<2x128x128xf32, #tpu.memory_space<vmem>> -> memref<1x128x128xf32, #tpu.memory_space<vmem>>
    %dma_wait3A_1320 = tpu.memref_squeeze %dma_wait3A_1319 : memref<1x128x128xf32, #tpu.memory_space<vmem>> -> memref<128x128xf32, #tpu.memory_space<vmem>>
    %dma_wait3A_1321 = arith.constant 0 : i32
    %dma_wait3A_1322 = tpu.memref_slice %arg4[%dma_wait3A_1316, %add3A_1298, %dma_wait3A_1321] : memref<6x16384x128xf32, #tpu.memory_space<hbm>> -> memref<1x128x128xf32, #tpu.memory_space<hbm>>
    %dma_wait3A_1323 = tpu.memref_squeeze %dma_wait3A_1322 : memref<1x128x128xf32, #tpu.memory_space<hbm>> -> memref<128x128xf32, #tpu.memory_space<hbm>>
    %dma_wait3A_1324 = arith.constant 0 : i32
    %dma_wait3A_1325 = tpu.memref_slice %arg4[%dma_wait3A_1316, %add3A_1298, %dma_wait3A_1324] : memref<6x16384x128xf32, #tpu.memory_space<hbm>> -> memref<1x128x128xf32, #tpu.memory_space<hbm>>
    %dma_wait3A_1326 = tpu.memref_squeeze %dma_wait3A_1325 : memref<1x128x128xf32, #tpu.memory_space<hbm>> -> memref<128x128xf32, #tpu.memory_space<hbm>>
    %dma_wait3A_1327 = arith.constant 0 : i32
    %dma_wait3A_1328 = arith.constant 0 : i32
    %dma_wait3A_1329 = tpu.memref_slice %arg6[%dma_wait3A_1315, %dma_wait3A_1327, %dma_wait3A_1328] : memref<2x128x128xf32, #tpu.memory_space<vmem>> -> memref<1x128x128xf32, #tpu.memory_space<vmem>>
    %dma_wait3A_1330 = tpu.memref_squeeze %dma_wait3A_1329 : memref<1x128x128xf32, #tpu.memory_space<vmem>> -> memref<128x128xf32, #tpu.memory_space<vmem>>
    tpu.wait_dma2 semaphore(%arg8 : memref<!tpu.dma_semaphore, #tpu.memory_space<semaphore_mem>>) src(%dma_wait3A_1330 : memref<128x128xf32, #tpu.memory_space<vmem>>) dst(%dma_wait3A_1326 : memref<128x128xf32, #tpu.memory_space<hbm>>)
    %dma_start3A_1331 = arith.constant 23 : i32
    %dma_start3A_1332 = arith.constant 1 : i32
    %dma_start3A_1333 = arith.constant 0 : i32
    %dma_start3A_1334 = arith.constant 0 : i32
    %dma_start3A_1335 = tpu.memref_slice %arg6[%dma_start3A_1332, %dma_start3A_1333, %dma_start3A_1334] : memref<2x128x128xf32, #tpu.memory_space<vmem>> -> memref<1x128x128xf32, #tpu.memory_space<vmem>>
    %dma_start3A_1336 = tpu.memref_squeeze %dma_start3A_1335 : memref<1x128x128xf32, #tpu.memory_space<vmem>> -> memref<128x128xf32, #tpu.memory_space<vmem>>
    %dma_start3A_1337 = arith.constant 0 : i32
    %dma_start3A_1338 = tpu.memref_slice %arg5[%dma_start3A_1331, %dma_start3A_1337] : memref<24x128xi32, #tpu.memory_space<vmem>> -> memref<1x128xi32, #tpu.memory_space<vmem>>
    %dma_start3A_1339 = tpu.memref_squeeze %dma_start3A_1338 : memref<1x128xi32, #tpu.memory_space<vmem>> -> memref<128xi32, #tpu.memory_space<vmem>>
    %dma_start3A_1340 = arith.constant 0 : i32
    %dma_start3A_1341 = arith.constant 0 : i32
    %dma_start3A_1342 = tpu.memref_slice %arg2[%dma_start3A_1340, %dma_start3A_1341] : memref<500000x128xf32, #tpu.memory_space<hbm>> -> memref<500000x128xf32, #tpu.memory_space<hbm>>
    tpu.enqueue_indirect_dma source(%dma_start3A_1342 : memref<500000x128xf32, #tpu.memory_space<hbm>>) target(%dma_start3A_1336 : memref<128x128xf32, #tpu.memory_space<vmem>>) offsets(%dma_start3A_1339 : memref<128xi32, #tpu.memory_space<vmem>>) semaphore(%arg7 : memref<!tpu.dma_semaphore, #tpu.memory_space<semaphore_mem>>)
    %dma_wait3A_1343 = arith.constant 22 : i32
    %dma_wait3A_1344 = arith.constant 0 : i32
    %dma_wait3A_1345 = arith.constant 0 : i32
    %dma_wait3A_1346 = arith.constant 0 : i32
    %dma_wait3A_1347 = tpu.memref_slice %arg6[%dma_wait3A_1344, %dma_wait3A_1345, %dma_wait3A_1346] : memref<2x128x128xf32, #tpu.memory_space<vmem>> -> memref<1x128x128xf32, #tpu.memory_space<vmem>>
    %dma_wait3A_1348 = tpu.memref_squeeze %dma_wait3A_1347 : memref<1x128x128xf32, #tpu.memory_space<vmem>> -> memref<128x128xf32, #tpu.memory_space<vmem>>
    %dma_wait3A_1349 = arith.constant 0 : i32
    %dma_wait3A_1350 = tpu.memref_slice %arg5[%dma_wait3A_1343, %dma_wait3A_1349] : memref<24x128xi32, #tpu.memory_space<vmem>> -> memref<1x128xi32, #tpu.memory_space<vmem>>
    %dma_wait3A_1351 = tpu.memref_squeeze %dma_wait3A_1350 : memref<1x128xi32, #tpu.memory_space<vmem>> -> memref<128xi32, #tpu.memory_space<vmem>>
    %dma_wait3A_1352 = arith.constant 0 : i32
    %dma_wait3A_1353 = arith.constant 0 : i32
    %dma_wait3A_1354 = tpu.memref_slice %arg2[%dma_wait3A_1352, %dma_wait3A_1353] : memref<500000x128xf32, #tpu.memory_space<hbm>> -> memref<500000x128xf32, #tpu.memory_space<hbm>>
    tpu.wait_indirect_dma semaphore(%arg7 : memref<!tpu.dma_semaphore, #tpu.memory_space<semaphore_mem>>) src(%dma_wait3A_1354 : memref<500000x128xf32, #tpu.memory_space<hbm>>) dst(%dma_wait3A_1348 : memref<128x128xf32, #tpu.memory_space<vmem>>)
    %mul3A_1355 = arith.constant 512 : i32
    %mul3A_1356 = arith.muli %add3A, %mul3A_1355 : i32
    %add3A_1357 = arith.constant 256 : i32
    %add3A_1358 = arith.addi %mul3A_1356, %add3A_1357 : i32
    %dma_start3A_1359 = arith.constant 0 : i32
    %dma_start3A_1360 = arith.constant 5 : i32
    %dma_start3A_1361 = arith.constant 0 : i32
    %dma_start3A_1362 = arith.constant 0 : i32
    %dma_start3A_1363 = tpu.memref_slice %arg6[%dma_start3A_1359, %dma_start3A_1361, %dma_start3A_1362] : memref<2x128x128xf32, #tpu.memory_space<vmem>> -> memref<1x128x128xf32, #tpu.memory_space<vmem>>
    %dma_start3A_1364 = tpu.memref_squeeze %dma_start3A_1363 : memref<1x128x128xf32, #tpu.memory_space<vmem>> -> memref<128x128xf32, #tpu.memory_space<vmem>>
    %dma_start3A_1365 = arith.constant 0 : i32
    %dma_start3A_1366 = tpu.memref_slice %arg4[%dma_start3A_1360, %add3A_1358, %dma_start3A_1365] : memref<6x16384x128xf32, #tpu.memory_space<hbm>> -> memref<1x128x128xf32, #tpu.memory_space<hbm>>
    %dma_start3A_1367 = tpu.memref_squeeze %dma_start3A_1366 : memref<1x128x128xf32, #tpu.memory_space<hbm>> -> memref<128x128xf32, #tpu.memory_space<hbm>>
    %dma_start3A_1368 = arith.constant 0 : i32
    %dma_start3A_1369 = tpu.memref_slice %arg4[%dma_start3A_1360, %add3A_1358, %dma_start3A_1368] : memref<6x16384x128xf32, #tpu.memory_space<hbm>> -> memref<1x128x128xf32, #tpu.memory_space<hbm>>
    %dma_start3A_1370 = tpu.memref_squeeze %dma_start3A_1369 : memref<1x128x128xf32, #tpu.memory_space<hbm>> -> memref<128x128xf32, #tpu.memory_space<hbm>>
    %dma_start3A_1371 = arith.constant 0 : i32
    %dma_start3A_1372 = arith.constant 0 : i32
    %dma_start3A_1373 = tpu.memref_slice %arg6[%dma_start3A_1359, %dma_start3A_1371, %dma_start3A_1372] : memref<2x128x128xf32, #tpu.memory_space<vmem>> -> memref<1x128x128xf32, #tpu.memory_space<vmem>>
    %dma_start3A_1374 = tpu.memref_squeeze %dma_start3A_1373 : memref<1x128x128xf32, #tpu.memory_space<vmem>> -> memref<128x128xf32, #tpu.memory_space<vmem>>
    tpu.enqueue_dma source(%dma_start3A_1374 : memref<128x128xf32, #tpu.memory_space<vmem>>) target(%dma_start3A_1370 : memref<128x128xf32, #tpu.memory_space<hbm>>) target_semaphore(%arg8 : memref<!tpu.dma_semaphore, #tpu.memory_space<semaphore_mem>>)
    %dma_wait3A_1375 = arith.constant 23 : i32
    %dma_wait3A_1376 = arith.constant 1 : i32
    %dma_wait3A_1377 = arith.constant 0 : i32
    %dma_wait3A_1378 = arith.constant 0 : i32
    %dma_wait3A_1379 = tpu.memref_slice %arg6[%dma_wait3A_1376, %dma_wait3A_1377, %dma_wait3A_1378] : memref<2x128x128xf32, #tpu.memory_space<vmem>> -> memref<1x128x128xf32, #tpu.memory_space<vmem>>
    %dma_wait3A_1380 = tpu.memref_squeeze %dma_wait3A_1379 : memref<1x128x128xf32, #tpu.memory_space<vmem>> -> memref<128x128xf32, #tpu.memory_space<vmem>>
    %dma_wait3A_1381 = arith.constant 0 : i32
    %dma_wait3A_1382 = tpu.memref_slice %arg5[%dma_wait3A_1375, %dma_wait3A_1381] : memref<24x128xi32, #tpu.memory_space<vmem>> -> memref<1x128xi32, #tpu.memory_space<vmem>>
    %dma_wait3A_1383 = tpu.memref_squeeze %dma_wait3A_1382 : memref<1x128xi32, #tpu.memory_space<vmem>> -> memref<128xi32, #tpu.memory_space<vmem>>
    %dma_wait3A_1384 = arith.constant 0 : i32
    %dma_wait3A_1385 = arith.constant 0 : i32
    %dma_wait3A_1386 = tpu.memref_slice %arg2[%dma_wait3A_1384, %dma_wait3A_1385] : memref<500000x128xf32, #tpu.memory_space<hbm>> -> memref<500000x128xf32, #tpu.memory_space<hbm>>
    tpu.wait_indirect_dma semaphore(%arg7 : memref<!tpu.dma_semaphore, #tpu.memory_space<semaphore_mem>>) src(%dma_wait3A_1386 : memref<500000x128xf32, #tpu.memory_space<hbm>>) dst(%dma_wait3A_1380 : memref<128x128xf32, #tpu.memory_space<vmem>>)
    %mul3A_1387 = arith.constant 512 : i32
    %mul3A_1388 = arith.muli %add3A, %mul3A_1387 : i32
    %add3A_1389 = arith.constant 384 : i32
    %add3A_1390 = arith.addi %mul3A_1388, %add3A_1389 : i32
    %dma_start3A_1391 = arith.constant 1 : i32
    %dma_start3A_1392 = arith.constant 5 : i32
    %dma_start3A_1393 = arith.constant 0 : i32
    %dma_start3A_1394 = arith.constant 0 : i32
    %dma_start3A_1395 = tpu.memref_slice %arg6[%dma_start3A_1391, %dma_start3A_1393, %dma_start3A_1394] : memref<2x128x128xf32, #tpu.memory_space<vmem>> -> memref<1x128x128xf32, #tpu.memory_space<vmem>>
    %dma_start3A_1396 = tpu.memref_squeeze %dma_start3A_1395 : memref<1x128x128xf32, #tpu.memory_space<vmem>> -> memref<128x128xf32, #tpu.memory_space<vmem>>
    %dma_start3A_1397 = arith.constant 0 : i32
    %dma_start3A_1398 = tpu.memref_slice %arg4[%dma_start3A_1392, %add3A_1390, %dma_start3A_1397] : memref<6x16384x128xf32, #tpu.memory_space<hbm>> -> memref<1x128x128xf32, #tpu.memory_space<hbm>>
    %dma_start3A_1399 = tpu.memref_squeeze %dma_start3A_1398 : memref<1x128x128xf32, #tpu.memory_space<hbm>> -> memref<128x128xf32, #tpu.memory_space<hbm>>
    %dma_start3A_1400 = arith.constant 0 : i32
    %dma_start3A_1401 = tpu.memref_slice %arg4[%dma_start3A_1392, %add3A_1390, %dma_start3A_1400] : memref<6x16384x128xf32, #tpu.memory_space<hbm>> -> memref<1x128x128xf32, #tpu.memory_space<hbm>>
    %dma_start3A_1402 = tpu.memref_squeeze %dma_start3A_1401 : memref<1x128x128xf32, #tpu.memory_space<hbm>> -> memref<128x128xf32, #tpu.memory_space<hbm>>
    %dma_start3A_1403 = arith.constant 0 : i32
    %dma_start3A_1404 = arith.constant 0 : i32
    %dma_start3A_1405 = tpu.memref_slice %arg6[%dma_start3A_1391, %dma_start3A_1403, %dma_start3A_1404] : memref<2x128x128xf32, #tpu.memory_space<vmem>> -> memref<1x128x128xf32, #tpu.memory_space<vmem>>
    %dma_start3A_1406 = tpu.memref_squeeze %dma_start3A_1405 : memref<1x128x128xf32, #tpu.memory_space<vmem>> -> memref<128x128xf32, #tpu.memory_space<vmem>>
    tpu.enqueue_dma source(%dma_start3A_1406 : memref<128x128xf32, #tpu.memory_space<vmem>>) target(%dma_start3A_1402 : memref<128x128xf32, #tpu.memory_space<hbm>>) target_semaphore(%arg8 : memref<!tpu.dma_semaphore, #tpu.memory_space<semaphore_mem>>)
    %dma_wait3A_1407 = arith.constant 0 : i32
    %dma_wait3A_1408 = arith.constant 5 : i32
    %dma_wait3A_1409 = arith.constant 0 : i32
    %dma_wait3A_1410 = arith.constant 0 : i32
    %dma_wait3A_1411 = tpu.memref_slice %arg6[%dma_wait3A_1407, %dma_wait3A_1409, %dma_wait3A_1410] : memref<2x128x128xf32, #tpu.memory_space<vmem>> -> memref<1x128x128xf32, #tpu.memory_space<vmem>>
    %dma_wait3A_1412 = tpu.memref_squeeze %dma_wait3A_1411 : memref<1x128x128xf32, #tpu.memory_space<vmem>> -> memref<128x128xf32, #tpu.memory_space<vmem>>
    %dma_wait3A_1413 = arith.constant 0 : i32
    %dma_wait3A_1414 = tpu.memref_slice %arg4[%dma_wait3A_1408, %add3A_1358, %dma_wait3A_1413] : memref<6x16384x128xf32, #tpu.memory_space<hbm>> -> memref<1x128x128xf32, #tpu.memory_space<hbm>>
    %dma_wait3A_1415 = tpu.memref_squeeze %dma_wait3A_1414 : memref<1x128x128xf32, #tpu.memory_space<hbm>> -> memref<128x128xf32, #tpu.memory_space<hbm>>
    %dma_wait3A_1416 = arith.constant 0 : i32
    %dma_wait3A_1417 = tpu.memref_slice %arg4[%dma_wait3A_1408, %add3A_1358, %dma_wait3A_1416] : memref<6x16384x128xf32, #tpu.memory_space<hbm>> -> memref<1x128x128xf32, #tpu.memory_space<hbm>>
    %dma_wait3A_1418 = tpu.memref_squeeze %dma_wait3A_1417 : memref<1x128x128xf32, #tpu.memory_space<hbm>> -> memref<128x128xf32, #tpu.memory_space<hbm>>
    %dma_wait3A_1419 = arith.constant 0 : i32
    %dma_wait3A_1420 = arith.constant 0 : i32
    %dma_wait3A_1421 = tpu.memref_slice %arg6[%dma_wait3A_1407, %dma_wait3A_1419, %dma_wait3A_1420] : memref<2x128x128xf32, #tpu.memory_space<vmem>> -> memref<1x128x128xf32, #tpu.memory_space<vmem>>
    %dma_wait3A_1422 = tpu.memref_squeeze %dma_wait3A_1421 : memref<1x128x128xf32, #tpu.memory_space<vmem>> -> memref<128x128xf32, #tpu.memory_space<vmem>>
    tpu.wait_dma2 semaphore(%arg8 : memref<!tpu.dma_semaphore, #tpu.memory_space<semaphore_mem>>) src(%dma_wait3A_1422 : memref<128x128xf32, #tpu.memory_space<vmem>>) dst(%dma_wait3A_1418 : memref<128x128xf32, #tpu.memory_space<hbm>>)
    %dma_wait3A_1423 = arith.constant 1 : i32
    %dma_wait3A_1424 = arith.constant 5 : i32
    %dma_wait3A_1425 = arith.constant 0 : i32
    %dma_wait3A_1426 = arith.constant 0 : i32
    %dma_wait3A_1427 = tpu.memref_slice %arg6[%dma_wait3A_1423, %dma_wait3A_1425, %dma_wait3A_1426] : memref<2x128x128xf32, #tpu.memory_space<vmem>> -> memref<1x128x128xf32, #tpu.memory_space<vmem>>
    %dma_wait3A_1428 = tpu.memref_squeeze %dma_wait3A_1427 : memref<1x128x128xf32, #tpu.memory_space<vmem>> -> memref<128x128xf32, #tpu.memory_space<vmem>>
    %dma_wait3A_1429 = arith.constant 0 : i32
    %dma_wait3A_1430 = tpu.memref_slice %arg4[%dma_wait3A_1424, %add3A_1390, %dma_wait3A_1429] : memref<6x16384x128xf32, #tpu.memory_space<hbm>> -> memref<1x128x128xf32, #tpu.memory_space<hbm>>
    %dma_wait3A_1431 = tpu.memref_squeeze %dma_wait3A_1430 : memref<1x128x128xf32, #tpu.memory_space<hbm>> -> memref<128x128xf32, #tpu.memory_space<hbm>>
    %dma_wait3A_1432 = arith.constant 0 : i32
    %dma_wait3A_1433 = tpu.memref_slice %arg4[%dma_wait3A_1424, %add3A_1390, %dma_wait3A_1432] : memref<6x16384x128xf32, #tpu.memory_space<hbm>> -> memref<1x128x128xf32, #tpu.memory_space<hbm>>
    %dma_wait3A_1434 = tpu.memref_squeeze %dma_wait3A_1433 : memref<1x128x128xf32, #tpu.memory_space<hbm>> -> memref<128x128xf32, #tpu.memory_space<hbm>>
    %dma_wait3A_1435 = arith.constant 0 : i32
    %dma_wait3A_1436 = arith.constant 0 : i32
    %dma_wait3A_1437 = tpu.memref_slice %arg6[%dma_wait3A_1423, %dma_wait3A_1435, %dma_wait3A_1436] : memref<2x128x128xf32, #tpu.memory_space<vmem>> -> memref<1x128x128xf32, #tpu.memory_space<vmem>>
    %dma_wait3A_1438 = tpu.memref_squeeze %dma_wait3A_1437 : memref<1x128x128xf32, #tpu.memory_space<vmem>> -> memref<128x128xf32, #tpu.memory_space<vmem>>
    tpu.wait_dma2 semaphore(%arg8 : memref<!tpu.dma_semaphore, #tpu.memory_space<semaphore_mem>>) src(%dma_wait3A_1438 : memref<128x128xf32, #tpu.memory_space<vmem>>) dst(%dma_wait3A_1434 : memref<128x128xf32, #tpu.memory_space<hbm>>)
    return
  }
}

module attributes {stable_mosaic.version = 14 : i64} {
  func.func @body(%arg0: i32, %arg1: memref<6x2048x128xf32, #tpu.memory_space<vmem>>, %arg2: memref<2048x64xf32, #tpu.memory_space<vmem>>, %arg3: memref<6x2048xi32, #tpu.memory_space<vmem>>, %arg4: memref<1x1xf32, #tpu.memory_space<smem>>) attributes {dimension_semantics = [#tpu.dimension_semantics<arbitrary>], iteration_bounds = array<i64: 8>, scalar_prefetch = 0 : i64, scratch_operands = 0 : i64, tpu.core_type = #tpu.core_type<tc>, window_params = [{transform_indices = @transform_0, window_bounds = array<i64: 6, 2048, 128>}, {transform_indices = @transform_1, window_bounds = array<i64: 2048, 64>}, {transform_indices = @transform_2, window_bounds = array<i64: 6, 2048>}, {transform_indices = @transform_3, window_bounds = array<i64: 1, 1>}]} {
    %eq3A = arith.constant 0 : i32
    %eq3A_0 = arith.cmpi eq, %arg0, %eq3A : i32
    %convert_element_type3A = arith.extui %eq3A_0 : i1 to i32
    %cond3A = arith.constant 0 : i32
    %cond3A_1 = arith.cmpi ne, %convert_element_type3A, %cond3A : i32
    scf.if %cond3A_1 {
      %swap3A_263 = arith.constant 0.000000e+00 : f32
      %swap3A_264 = arith.constant 0 : index
      %swap3A_265 = arith.constant 0 : index
      %swap3A_266 = memref.load %arg4[%swap3A_264, %swap3A_265] : memref<1x1xf32, #tpu.memory_space<smem>>
      memref.store %swap3A_263, %arg4[%swap3A_264, %swap3A_265] : memref<1x1xf32, #tpu.memory_space<smem>>
    } else {
    }
    %get3A = arith.constant 0 : index
    %get3A_2 = arith.constant 0 : index
    %get3A_3 = vector.load %arg2[%get3A, %get3A_2] : memref<2048x64xf32, #tpu.memory_space<vmem>>, vector<2048x64xf32>
    %get3A_4 = arith.constant 0 : index
    %get3A_5 = arith.constant 0 : index
    %get3A_6 = arith.constant 0 : index
    %get3A_7 = vector.load %arg1[%get3A_4, %get3A_5, %get3A_6] : memref<6x2048x128xf32, #tpu.memory_space<vmem>>, vector<1x2048x64xf32>
    %get3A_8 = vector.shape_cast %get3A_7 : vector<1x2048x64xf32> to vector<2048x64xf32>
    %mul3A = arith.mulf %get3A_8, %get3A_3 : vector<2048x64xf32>
    %reduce_sum3A = arith.constant dense<0.000000e+00> : vector<2048xf32>
    %reduce_sum3A_9 = vector.multi_reduction <add>, %mul3A, %reduce_sum3A [1] : vector<2048x64xf32> to vector<2048xf32>
    %broadcast_in_dim3A = vector.shape_cast %reduce_sum3A_9 : vector<2048xf32> to vector<2048x1xf32>
    %get3A_10 = arith.constant 0 : index
    %get3A_11 = arith.constant 0 : index
    %get3A_12 = arith.constant 64 : index
    %get3A_13 = vector.load %arg1[%get3A_10, %get3A_11, %get3A_12] : memref<6x2048x128xf32, #tpu.memory_space<vmem>>, vector<1x2048x64xf32>
    %get3A_14 = vector.shape_cast %get3A_13 : vector<1x2048x64xf32> to vector<2048x64xf32>
    %mul3A_15 = arith.mulf %get3A_14, %get3A_3 : vector<2048x64xf32>
    %reduce_sum3A_16 = arith.constant dense<0.000000e+00> : vector<2048xf32>
    %reduce_sum3A_17 = vector.multi_reduction <add>, %mul3A_15, %reduce_sum3A_16 [1] : vector<2048x64xf32> to vector<2048xf32>
    %broadcast_in_dim3A_18 = vector.shape_cast %reduce_sum3A_17 : vector<2048xf32> to vector<2048x1xf32>
    %get3A_19 = arith.constant 0 : index
    %get3A_20 = arith.constant 0 : index
    %get3A_21 = vector.load %arg3[%get3A_19, %get3A_20] : memref<6x2048xi32, #tpu.memory_space<vmem>>, vector<1x2048xi32>
    %get3A_22 = vector.shape_cast %get3A_21 : vector<1x2048xi32> to vector<2048xi32>
    %reshape3A = vector.shape_cast %get3A_22 : vector<2048xi32> to vector<2048x1xi32>
    %eq3A_23 = arith.constant 1 : i32
    %eq3A_24 = vector.broadcast %eq3A_23 : i32 to vector<2048x1xi32>
    %eq3A_25 = arith.cmpi eq, %reshape3A, %eq3A_24 : vector<2048x1xi32>
    %select_n3A = arith.select %eq3A_25, %broadcast_in_dim3A_18, %broadcast_in_dim3A : vector<2048x1xi1>, vector<2048x1xf32>
    %neg3A = arith.constant 0.000000e+00 : f32
    %neg3A_26 = vector.broadcast %neg3A : f32 to vector<2048x1xf32>
    %neg3A_27 = arith.subf %neg3A_26, %select_n3A : vector<2048x1xf32>
    %max3A = arith.constant 0.000000e+00 : f32
    %max3A_28 = vector.broadcast %max3A : f32 to vector<2048x1xf32>
    %max3A_29 = arith.maximumf %neg3A_27, %max3A_28 : vector<2048x1xf32>
    %abs3A = math.absf %neg3A_27 : vector<2048x1xf32>
    %neg3A_30 = arith.constant 0.000000e+00 : f32
    %neg3A_31 = vector.broadcast %neg3A_30 : f32 to vector<2048x1xf32>
    %neg3A_32 = arith.subf %neg3A_31, %abs3A : vector<2048x1xf32>
    %exp3A = math.exp %neg3A_32 : vector<2048x1xf32>
    %log1p3A = math.log1p %exp3A : vector<2048x1xf32>
    %add3A = arith.addf %max3A_29, %log1p3A : vector<2048x1xf32>
    %reduce_sum3A_33 = vector.shape_cast %add3A : vector<2048x1xf32> to vector<1x2048x1xf32>
    %reduce_sum3A_34 = arith.constant dense<0.000000e+00> : vector<1xf32>
    %reduce_sum3A_35 = vector.multi_reduction <add>, %reduce_sum3A_33, %reduce_sum3A_34 [1, 2] : vector<1x2048x1xf32> to vector<1xf32>
    %reduce_sum3A_36 = vector.shape_cast %reduce_sum3A_35 : vector<1xf32> to vector<1x1x1xf32>
    %reduce_sum3A_37 = vector.extract %reduce_sum3A_36[0, 0, 0] : f32 from vector<1x1x1xf32>
    %add3A_38 = arith.constant 0.000000e+00 : f32
    %add3A_39 = arith.addf %add3A_38, %reduce_sum3A_37 : f32
    %get3A_40 = arith.constant 1 : index
    %get3A_41 = arith.constant 0 : index
    %get3A_42 = arith.constant 0 : index
    %get3A_43 = vector.load %arg1[%get3A_40, %get3A_41, %get3A_42] : memref<6x2048x128xf32, #tpu.memory_space<vmem>>, vector<1x2048x64xf32>
    %get3A_44 = vector.shape_cast %get3A_43 : vector<1x2048x64xf32> to vector<2048x64xf32>
    %mul3A_45 = arith.mulf %get3A_44, %get3A_3 : vector<2048x64xf32>
    %reduce_sum3A_46 = arith.constant dense<0.000000e+00> : vector<2048xf32>
    %reduce_sum3A_47 = vector.multi_reduction <add>, %mul3A_45, %reduce_sum3A_46 [1] : vector<2048x64xf32> to vector<2048xf32>
    %broadcast_in_dim3A_48 = vector.shape_cast %reduce_sum3A_47 : vector<2048xf32> to vector<2048x1xf32>
    %get3A_49 = arith.constant 1 : index
    %get3A_50 = arith.constant 0 : index
    %get3A_51 = arith.constant 64 : index
    %get3A_52 = vector.load %arg1[%get3A_49, %get3A_50, %get3A_51] : memref<6x2048x128xf32, #tpu.memory_space<vmem>>, vector<1x2048x64xf32>
    %get3A_53 = vector.shape_cast %get3A_52 : vector<1x2048x64xf32> to vector<2048x64xf32>
    %mul3A_54 = arith.mulf %get3A_53, %get3A_3 : vector<2048x64xf32>
    %reduce_sum3A_55 = arith.constant dense<0.000000e+00> : vector<2048xf32>
    %reduce_sum3A_56 = vector.multi_reduction <add>, %mul3A_54, %reduce_sum3A_55 [1] : vector<2048x64xf32> to vector<2048xf32>
    %broadcast_in_dim3A_57 = vector.shape_cast %reduce_sum3A_56 : vector<2048xf32> to vector<2048x1xf32>
    %get3A_58 = arith.constant 1 : index
    %get3A_59 = arith.constant 0 : index
    %get3A_60 = vector.load %arg3[%get3A_58, %get3A_59] : memref<6x2048xi32, #tpu.memory_space<vmem>>, vector<1x2048xi32>
    %get3A_61 = vector.shape_cast %get3A_60 : vector<1x2048xi32> to vector<2048xi32>
    %reshape3A_62 = vector.shape_cast %get3A_61 : vector<2048xi32> to vector<2048x1xi32>
    %eq3A_63 = arith.constant 1 : i32
    %eq3A_64 = vector.broadcast %eq3A_63 : i32 to vector<2048x1xi32>
    %eq3A_65 = arith.cmpi eq, %reshape3A_62, %eq3A_64 : vector<2048x1xi32>
    %select_n3A_66 = arith.select %eq3A_65, %broadcast_in_dim3A_57, %broadcast_in_dim3A_48 : vector<2048x1xi1>, vector<2048x1xf32>
    %max3A_67 = arith.constant 0.000000e+00 : f32
    %max3A_68 = vector.broadcast %max3A_67 : f32 to vector<2048x1xf32>
    %max3A_69 = arith.maximumf %select_n3A_66, %max3A_68 : vector<2048x1xf32>
    %abs3A_70 = math.absf %select_n3A_66 : vector<2048x1xf32>
    %neg3A_71 = arith.constant 0.000000e+00 : f32
    %neg3A_72 = vector.broadcast %neg3A_71 : f32 to vector<2048x1xf32>
    %neg3A_73 = arith.subf %neg3A_72, %abs3A_70 : vector<2048x1xf32>
    %exp3A_74 = math.exp %neg3A_73 : vector<2048x1xf32>
    %log1p3A_75 = math.log1p %exp3A_74 : vector<2048x1xf32>
    %add3A_76 = arith.addf %max3A_69, %log1p3A_75 : vector<2048x1xf32>
    %reduce_sum3A_77 = vector.shape_cast %add3A_76 : vector<2048x1xf32> to vector<1x2048x1xf32>
    %reduce_sum3A_78 = arith.constant dense<0.000000e+00> : vector<1xf32>
    %reduce_sum3A_79 = vector.multi_reduction <add>, %reduce_sum3A_77, %reduce_sum3A_78 [1, 2] : vector<1x2048x1xf32> to vector<1xf32>
    %reduce_sum3A_80 = vector.shape_cast %reduce_sum3A_79 : vector<1xf32> to vector<1x1x1xf32>
    %reduce_sum3A_81 = vector.extract %reduce_sum3A_80[0, 0, 0] : f32 from vector<1x1x1xf32>
    %add3A_82 = arith.addf %add3A_39, %reduce_sum3A_81 : f32
    %get3A_83 = arith.constant 2 : index
    %get3A_84 = arith.constant 0 : index
    %get3A_85 = arith.constant 0 : index
    %get3A_86 = vector.load %arg1[%get3A_83, %get3A_84, %get3A_85] : memref<6x2048x128xf32, #tpu.memory_space<vmem>>, vector<1x2048x64xf32>
    %get3A_87 = vector.shape_cast %get3A_86 : vector<1x2048x64xf32> to vector<2048x64xf32>
    %mul3A_88 = arith.mulf %get3A_87, %get3A_3 : vector<2048x64xf32>
    %reduce_sum3A_89 = arith.constant dense<0.000000e+00> : vector<2048xf32>
    %reduce_sum3A_90 = vector.multi_reduction <add>, %mul3A_88, %reduce_sum3A_89 [1] : vector<2048x64xf32> to vector<2048xf32>
    %broadcast_in_dim3A_91 = vector.shape_cast %reduce_sum3A_90 : vector<2048xf32> to vector<2048x1xf32>
    %get3A_92 = arith.constant 2 : index
    %get3A_93 = arith.constant 0 : index
    %get3A_94 = arith.constant 64 : index
    %get3A_95 = vector.load %arg1[%get3A_92, %get3A_93, %get3A_94] : memref<6x2048x128xf32, #tpu.memory_space<vmem>>, vector<1x2048x64xf32>
    %get3A_96 = vector.shape_cast %get3A_95 : vector<1x2048x64xf32> to vector<2048x64xf32>
    %mul3A_97 = arith.mulf %get3A_96, %get3A_3 : vector<2048x64xf32>
    %reduce_sum3A_98 = arith.constant dense<0.000000e+00> : vector<2048xf32>
    %reduce_sum3A_99 = vector.multi_reduction <add>, %mul3A_97, %reduce_sum3A_98 [1] : vector<2048x64xf32> to vector<2048xf32>
    %broadcast_in_dim3A_100 = vector.shape_cast %reduce_sum3A_99 : vector<2048xf32> to vector<2048x1xf32>
    %get3A_101 = arith.constant 2 : index
    %get3A_102 = arith.constant 0 : index
    %get3A_103 = vector.load %arg3[%get3A_101, %get3A_102] : memref<6x2048xi32, #tpu.memory_space<vmem>>, vector<1x2048xi32>
    %get3A_104 = vector.shape_cast %get3A_103 : vector<1x2048xi32> to vector<2048xi32>
    %reshape3A_105 = vector.shape_cast %get3A_104 : vector<2048xi32> to vector<2048x1xi32>
    %eq3A_106 = arith.constant 1 : i32
    %eq3A_107 = vector.broadcast %eq3A_106 : i32 to vector<2048x1xi32>
    %eq3A_108 = arith.cmpi eq, %reshape3A_105, %eq3A_107 : vector<2048x1xi32>
    %select_n3A_109 = arith.select %eq3A_108, %broadcast_in_dim3A_100, %broadcast_in_dim3A_91 : vector<2048x1xi1>, vector<2048x1xf32>
    %max3A_110 = arith.constant 0.000000e+00 : f32
    %max3A_111 = vector.broadcast %max3A_110 : f32 to vector<2048x1xf32>
    %max3A_112 = arith.maximumf %select_n3A_109, %max3A_111 : vector<2048x1xf32>
    %abs3A_113 = math.absf %select_n3A_109 : vector<2048x1xf32>
    %neg3A_114 = arith.constant 0.000000e+00 : f32
    %neg3A_115 = vector.broadcast %neg3A_114 : f32 to vector<2048x1xf32>
    %neg3A_116 = arith.subf %neg3A_115, %abs3A_113 : vector<2048x1xf32>
    %exp3A_117 = math.exp %neg3A_116 : vector<2048x1xf32>
    %log1p3A_118 = math.log1p %exp3A_117 : vector<2048x1xf32>
    %add3A_119 = arith.addf %max3A_112, %log1p3A_118 : vector<2048x1xf32>
    %reduce_sum3A_120 = vector.shape_cast %add3A_119 : vector<2048x1xf32> to vector<1x2048x1xf32>
    %reduce_sum3A_121 = arith.constant dense<0.000000e+00> : vector<1xf32>
    %reduce_sum3A_122 = vector.multi_reduction <add>, %reduce_sum3A_120, %reduce_sum3A_121 [1, 2] : vector<1x2048x1xf32> to vector<1xf32>
    %reduce_sum3A_123 = vector.shape_cast %reduce_sum3A_122 : vector<1xf32> to vector<1x1x1xf32>
    %reduce_sum3A_124 = vector.extract %reduce_sum3A_123[0, 0, 0] : f32 from vector<1x1x1xf32>
    %add3A_125 = arith.addf %add3A_82, %reduce_sum3A_124 : f32
    %get3A_126 = arith.constant 3 : index
    %get3A_127 = arith.constant 0 : index
    %get3A_128 = arith.constant 0 : index
    %get3A_129 = vector.load %arg1[%get3A_126, %get3A_127, %get3A_128] : memref<6x2048x128xf32, #tpu.memory_space<vmem>>, vector<1x2048x64xf32>
    %get3A_130 = vector.shape_cast %get3A_129 : vector<1x2048x64xf32> to vector<2048x64xf32>
    %mul3A_131 = arith.mulf %get3A_130, %get3A_3 : vector<2048x64xf32>
    %reduce_sum3A_132 = arith.constant dense<0.000000e+00> : vector<2048xf32>
    %reduce_sum3A_133 = vector.multi_reduction <add>, %mul3A_131, %reduce_sum3A_132 [1] : vector<2048x64xf32> to vector<2048xf32>
    %broadcast_in_dim3A_134 = vector.shape_cast %reduce_sum3A_133 : vector<2048xf32> to vector<2048x1xf32>
    %get3A_135 = arith.constant 3 : index
    %get3A_136 = arith.constant 0 : index
    %get3A_137 = arith.constant 64 : index
    %get3A_138 = vector.load %arg1[%get3A_135, %get3A_136, %get3A_137] : memref<6x2048x128xf32, #tpu.memory_space<vmem>>, vector<1x2048x64xf32>
    %get3A_139 = vector.shape_cast %get3A_138 : vector<1x2048x64xf32> to vector<2048x64xf32>
    %mul3A_140 = arith.mulf %get3A_139, %get3A_3 : vector<2048x64xf32>
    %reduce_sum3A_141 = arith.constant dense<0.000000e+00> : vector<2048xf32>
    %reduce_sum3A_142 = vector.multi_reduction <add>, %mul3A_140, %reduce_sum3A_141 [1] : vector<2048x64xf32> to vector<2048xf32>
    %broadcast_in_dim3A_143 = vector.shape_cast %reduce_sum3A_142 : vector<2048xf32> to vector<2048x1xf32>
    %get3A_144 = arith.constant 3 : index
    %get3A_145 = arith.constant 0 : index
    %get3A_146 = vector.load %arg3[%get3A_144, %get3A_145] : memref<6x2048xi32, #tpu.memory_space<vmem>>, vector<1x2048xi32>
    %get3A_147 = vector.shape_cast %get3A_146 : vector<1x2048xi32> to vector<2048xi32>
    %reshape3A_148 = vector.shape_cast %get3A_147 : vector<2048xi32> to vector<2048x1xi32>
    %eq3A_149 = arith.constant 1 : i32
    %eq3A_150 = vector.broadcast %eq3A_149 : i32 to vector<2048x1xi32>
    %eq3A_151 = arith.cmpi eq, %reshape3A_148, %eq3A_150 : vector<2048x1xi32>
    %select_n3A_152 = arith.select %eq3A_151, %broadcast_in_dim3A_143, %broadcast_in_dim3A_134 : vector<2048x1xi1>, vector<2048x1xf32>
    %max3A_153 = arith.constant 0.000000e+00 : f32
    %max3A_154 = vector.broadcast %max3A_153 : f32 to vector<2048x1xf32>
    %max3A_155 = arith.maximumf %select_n3A_152, %max3A_154 : vector<2048x1xf32>
    %abs3A_156 = math.absf %select_n3A_152 : vector<2048x1xf32>
    %neg3A_157 = arith.constant 0.000000e+00 : f32
    %neg3A_158 = vector.broadcast %neg3A_157 : f32 to vector<2048x1xf32>
    %neg3A_159 = arith.subf %neg3A_158, %abs3A_156 : vector<2048x1xf32>
    %exp3A_160 = math.exp %neg3A_159 : vector<2048x1xf32>
    %log1p3A_161 = math.log1p %exp3A_160 : vector<2048x1xf32>
    %add3A_162 = arith.addf %max3A_155, %log1p3A_161 : vector<2048x1xf32>
    %reduce_sum3A_163 = vector.shape_cast %add3A_162 : vector<2048x1xf32> to vector<1x2048x1xf32>
    %reduce_sum3A_164 = arith.constant dense<0.000000e+00> : vector<1xf32>
    %reduce_sum3A_165 = vector.multi_reduction <add>, %reduce_sum3A_163, %reduce_sum3A_164 [1, 2] : vector<1x2048x1xf32> to vector<1xf32>
    %reduce_sum3A_166 = vector.shape_cast %reduce_sum3A_165 : vector<1xf32> to vector<1x1x1xf32>
    %reduce_sum3A_167 = vector.extract %reduce_sum3A_166[0, 0, 0] : f32 from vector<1x1x1xf32>
    %add3A_168 = arith.addf %add3A_125, %reduce_sum3A_167 : f32
    %get3A_169 = arith.constant 4 : index
    %get3A_170 = arith.constant 0 : index
    %get3A_171 = arith.constant 0 : index
    %get3A_172 = vector.load %arg1[%get3A_169, %get3A_170, %get3A_171] : memref<6x2048x128xf32, #tpu.memory_space<vmem>>, vector<1x2048x64xf32>
    %get3A_173 = vector.shape_cast %get3A_172 : vector<1x2048x64xf32> to vector<2048x64xf32>
    %mul3A_174 = arith.mulf %get3A_173, %get3A_3 : vector<2048x64xf32>
    %reduce_sum3A_175 = arith.constant dense<0.000000e+00> : vector<2048xf32>
    %reduce_sum3A_176 = vector.multi_reduction <add>, %mul3A_174, %reduce_sum3A_175 [1] : vector<2048x64xf32> to vector<2048xf32>
    %broadcast_in_dim3A_177 = vector.shape_cast %reduce_sum3A_176 : vector<2048xf32> to vector<2048x1xf32>
    %get3A_178 = arith.constant 4 : index
    %get3A_179 = arith.constant 0 : index
    %get3A_180 = arith.constant 64 : index
    %get3A_181 = vector.load %arg1[%get3A_178, %get3A_179, %get3A_180] : memref<6x2048x128xf32, #tpu.memory_space<vmem>>, vector<1x2048x64xf32>
    %get3A_182 = vector.shape_cast %get3A_181 : vector<1x2048x64xf32> to vector<2048x64xf32>
    %mul3A_183 = arith.mulf %get3A_182, %get3A_3 : vector<2048x64xf32>
    %reduce_sum3A_184 = arith.constant dense<0.000000e+00> : vector<2048xf32>
    %reduce_sum3A_185 = vector.multi_reduction <add>, %mul3A_183, %reduce_sum3A_184 [1] : vector<2048x64xf32> to vector<2048xf32>
    %broadcast_in_dim3A_186 = vector.shape_cast %reduce_sum3A_185 : vector<2048xf32> to vector<2048x1xf32>
    %get3A_187 = arith.constant 4 : index
    %get3A_188 = arith.constant 0 : index
    %get3A_189 = vector.load %arg3[%get3A_187, %get3A_188] : memref<6x2048xi32, #tpu.memory_space<vmem>>, vector<1x2048xi32>
    %get3A_190 = vector.shape_cast %get3A_189 : vector<1x2048xi32> to vector<2048xi32>
    %reshape3A_191 = vector.shape_cast %get3A_190 : vector<2048xi32> to vector<2048x1xi32>
    %eq3A_192 = arith.constant 1 : i32
    %eq3A_193 = vector.broadcast %eq3A_192 : i32 to vector<2048x1xi32>
    %eq3A_194 = arith.cmpi eq, %reshape3A_191, %eq3A_193 : vector<2048x1xi32>
    %select_n3A_195 = arith.select %eq3A_194, %broadcast_in_dim3A_186, %broadcast_in_dim3A_177 : vector<2048x1xi1>, vector<2048x1xf32>
    %max3A_196 = arith.constant 0.000000e+00 : f32
    %max3A_197 = vector.broadcast %max3A_196 : f32 to vector<2048x1xf32>
    %max3A_198 = arith.maximumf %select_n3A_195, %max3A_197 : vector<2048x1xf32>
    %abs3A_199 = math.absf %select_n3A_195 : vector<2048x1xf32>
    %neg3A_200 = arith.constant 0.000000e+00 : f32
    %neg3A_201 = vector.broadcast %neg3A_200 : f32 to vector<2048x1xf32>
    %neg3A_202 = arith.subf %neg3A_201, %abs3A_199 : vector<2048x1xf32>
    %exp3A_203 = math.exp %neg3A_202 : vector<2048x1xf32>
    %log1p3A_204 = math.log1p %exp3A_203 : vector<2048x1xf32>
    %add3A_205 = arith.addf %max3A_198, %log1p3A_204 : vector<2048x1xf32>
    %reduce_sum3A_206 = vector.shape_cast %add3A_205 : vector<2048x1xf32> to vector<1x2048x1xf32>
    %reduce_sum3A_207 = arith.constant dense<0.000000e+00> : vector<1xf32>
    %reduce_sum3A_208 = vector.multi_reduction <add>, %reduce_sum3A_206, %reduce_sum3A_207 [1, 2] : vector<1x2048x1xf32> to vector<1xf32>
    %reduce_sum3A_209 = vector.shape_cast %reduce_sum3A_208 : vector<1xf32> to vector<1x1x1xf32>
    %reduce_sum3A_210 = vector.extract %reduce_sum3A_209[0, 0, 0] : f32 from vector<1x1x1xf32>
    %add3A_211 = arith.addf %add3A_168, %reduce_sum3A_210 : f32
    %get3A_212 = arith.constant 5 : index
    %get3A_213 = arith.constant 0 : index
    %get3A_214 = arith.constant 0 : index
    %get3A_215 = vector.load %arg1[%get3A_212, %get3A_213, %get3A_214] : memref<6x2048x128xf32, #tpu.memory_space<vmem>>, vector<1x2048x64xf32>
    %get3A_216 = vector.shape_cast %get3A_215 : vector<1x2048x64xf32> to vector<2048x64xf32>
    %mul3A_217 = arith.mulf %get3A_216, %get3A_3 : vector<2048x64xf32>
    %reduce_sum3A_218 = arith.constant dense<0.000000e+00> : vector<2048xf32>
    %reduce_sum3A_219 = vector.multi_reduction <add>, %mul3A_217, %reduce_sum3A_218 [1] : vector<2048x64xf32> to vector<2048xf32>
    %broadcast_in_dim3A_220 = vector.shape_cast %reduce_sum3A_219 : vector<2048xf32> to vector<2048x1xf32>
    %get3A_221 = arith.constant 5 : index
    %get3A_222 = arith.constant 0 : index
    %get3A_223 = arith.constant 64 : index
    %get3A_224 = vector.load %arg1[%get3A_221, %get3A_222, %get3A_223] : memref<6x2048x128xf32, #tpu.memory_space<vmem>>, vector<1x2048x64xf32>
    %get3A_225 = vector.shape_cast %get3A_224 : vector<1x2048x64xf32> to vector<2048x64xf32>
    %mul3A_226 = arith.mulf %get3A_225, %get3A_3 : vector<2048x64xf32>
    %reduce_sum3A_227 = arith.constant dense<0.000000e+00> : vector<2048xf32>
    %reduce_sum3A_228 = vector.multi_reduction <add>, %mul3A_226, %reduce_sum3A_227 [1] : vector<2048x64xf32> to vector<2048xf32>
    %broadcast_in_dim3A_229 = vector.shape_cast %reduce_sum3A_228 : vector<2048xf32> to vector<2048x1xf32>
    %get3A_230 = arith.constant 5 : index
    %get3A_231 = arith.constant 0 : index
    %get3A_232 = vector.load %arg3[%get3A_230, %get3A_231] : memref<6x2048xi32, #tpu.memory_space<vmem>>, vector<1x2048xi32>
    %get3A_233 = vector.shape_cast %get3A_232 : vector<1x2048xi32> to vector<2048xi32>
    %reshape3A_234 = vector.shape_cast %get3A_233 : vector<2048xi32> to vector<2048x1xi32>
    %eq3A_235 = arith.constant 1 : i32
    %eq3A_236 = vector.broadcast %eq3A_235 : i32 to vector<2048x1xi32>
    %eq3A_237 = arith.cmpi eq, %reshape3A_234, %eq3A_236 : vector<2048x1xi32>
    %select_n3A_238 = arith.select %eq3A_237, %broadcast_in_dim3A_229, %broadcast_in_dim3A_220 : vector<2048x1xi1>, vector<2048x1xf32>
    %max3A_239 = arith.constant 0.000000e+00 : f32
    %max3A_240 = vector.broadcast %max3A_239 : f32 to vector<2048x1xf32>
    %max3A_241 = arith.maximumf %select_n3A_238, %max3A_240 : vector<2048x1xf32>
    %abs3A_242 = math.absf %select_n3A_238 : vector<2048x1xf32>
    %neg3A_243 = arith.constant 0.000000e+00 : f32
    %neg3A_244 = vector.broadcast %neg3A_243 : f32 to vector<2048x1xf32>
    %neg3A_245 = arith.subf %neg3A_244, %abs3A_242 : vector<2048x1xf32>
    %exp3A_246 = math.exp %neg3A_245 : vector<2048x1xf32>
    %log1p3A_247 = math.log1p %exp3A_246 : vector<2048x1xf32>
    %add3A_248 = arith.addf %max3A_241, %log1p3A_247 : vector<2048x1xf32>
    %reduce_sum3A_249 = vector.shape_cast %add3A_248 : vector<2048x1xf32> to vector<1x2048x1xf32>
    %reduce_sum3A_250 = arith.constant dense<0.000000e+00> : vector<1xf32>
    %reduce_sum3A_251 = vector.multi_reduction <add>, %reduce_sum3A_249, %reduce_sum3A_250 [1, 2] : vector<1x2048x1xf32> to vector<1xf32>
    %reduce_sum3A_252 = vector.shape_cast %reduce_sum3A_251 : vector<1xf32> to vector<1x1x1xf32>
    %reduce_sum3A_253 = vector.extract %reduce_sum3A_252[0, 0, 0] : f32 from vector<1x1x1xf32>
    %add3A_254 = arith.addf %add3A_211, %reduce_sum3A_253 : f32
    %get3A_255 = arith.constant 0 : index
    %get3A_256 = arith.constant 0 : index
    %get3A_257 = memref.load %arg4[%get3A_255, %get3A_256] : memref<1x1xf32, #tpu.memory_space<smem>>
    %mul3A_258 = arith.constant 6.10351563E-5 : f32
    %mul3A_259 = arith.mulf %add3A_254, %mul3A_258 : f32
    %add3A_260 = arith.addf %get3A_257, %mul3A_259 : f32
    %swap3A = arith.constant 0 : index
    %swap3A_261 = arith.constant 0 : index
    %swap3A_262 = memref.load %arg4[%swap3A, %swap3A_261] : memref<1x1xf32, #tpu.memory_space<smem>>
    memref.store %add3A_260, %arg4[%swap3A, %swap3A_261] : memref<1x1xf32, #tpu.memory_space<smem>>
    return
  }
  func.func @transform_0(%arg0: i32) -> (i32, i32, i32) {
    %c0_i32 = arith.constant 0 : i32
    %c0_i32_0 = arith.constant 0 : i32
    %c0_i32_1 = arith.constant 0 : i32
    return %c0_i32, %arg0, %c0_i32_0 : i32, i32, i32
  }
  func.func @transform_1(%arg0: i32) -> (i32, i32) {
    %c0_i32 = arith.constant 0 : i32
    %c0_i32_0 = arith.constant 0 : i32
    return %arg0, %c0_i32 : i32, i32
  }
  func.func @transform_2(%arg0: i32) -> (i32, i32) {
    %c0_i32 = arith.constant 0 : i32
    %c0_i32_0 = arith.constant 0 : i32
    return %c0_i32, %arg0 : i32, i32
  }
  func.func @transform_3(%arg0: i32) -> (i32, i32) {
    %c0_i32 = arith.constant 0 : i32
    %c0_i32_0 = arith.constant 0 : i32
    %c0_i32_1 = arith.constant 0 : i32
    return %c0_i32, %c0_i32_0 : i32, i32
  }
}

</mosaic_0001>

<sc_bundles>
// kernel: kernel.4.cloned.1.call-start
scs
__scs_entry_jumppad:
0x0: {  	(pc) =	sbr.rel $0x88, $3  }
0x1: {  	(tag) =	ssettag $0x0;
	lr =	simm.s32 $0x1  }
0x2: {  	[smem:$0x3F9D] =	sst lr;
	_ =	strace $0xD0000000  }
0x3: {  	_ = 	snop  }
0x4: {  	_ = 	snop  }
0x5: {  	_ = 	snop  }
0x6: {  	_ = 	snop  }
0x7: {  	_ = 	snop  }
__scs_overlays_trampoline_lowered:
0x8: {  	[smem:$0x3FAC] =	sst s0  }
0x9: {  	[smem:$0x3FAD] =	sst s1  }
0xa: {  	[smem:$0x3FAE] =	sst s2  }
0xb: {  	[smem:$0x3FAF] =	sst s3  }
0xc: {  	[smem:$0x3FB0] =	sst s4  }
0xd: {  	[smem:$0x3FB1] =	sst s5  }
0xe: {  	[smem:$0x3FB2] =	sst s6  }
0xf: {  	[smem:$0x3FB3] =	sst s7  }
0x10: {  	[smem:$0x3FB4] =	sst s8  }
0x11: {  	[smem:$0x3FB5] =	sst s9;
	s0 =	simm.s32 @!p0 $0x0  }
0x12: {  	s1 =	sld [smem:$0x3F9B];
	s0 =	simm.s32 @p0 $0x1  }
0x13: {  	[smem:$0x3FB6] =	sst s0;
	s0 =	simm.s32 @!p1 $0x0  }
0x14: {  	s2 =	sld [smem:$0x3F9A];
	s0 =	simm.s32 @p1 $0x1  }
0x15: {  	[smem:$0x3FB7] =	sst s0;
	s0 =	simm.s32 @!p2 $0x0  }
0x16: {  	s3 =	sld [smem:$0x3FDB];
	s0 =	simm.s32 @p2 $0x1  }
0x17: {  	s4 =	simm.s32 $0x1BF5;
	[smem:$0x3FB9] =	sst s0  }
0x18: {  	s0 =	sld [smem:$0x3F9C];
	_ =	swait.ge [sflag:s4], $0x0  }
0x19: {  	s7 =	sld [smem:$0x3F9D]  }
0x1a: {  	s8 =	sadd.s32 $0xFFFFE003, lr  }
0x1b: {  	s9 =	sadd.s32 $0xFFFFFEF7, lr;
	s5 =	simm.s32 $0xFFFFFFFF;
	p2 =	slt.u32 s8, $0xFFFFF086  }
0x1c: {  	p1 =	slt.u32 s9, $0xF7A;
	s5 =	simm.s32 @!p2 $0x0  }
0x1d: {  	s5 =	simm.s32 @p1 $0x1;
	p0 =	seq.s32 s7, s2  }
0x1e: {  	s7 =	smul.u32 @!p0 $0xF7A, s2;
	p2 =	seq.s32 @!p0 s5, $0x0  }
0x1f: {  	s9 =	smul.u32 $0xF7A, s1;
	s8 =	simm.s32 @!p0 $0x1BF5;
	p2 =	por !p2, p0  }
0x20: {  	[sflag:s8] =	ssyncset.s32 @!p0 $0xFFFFF086;
	s6 =	sadd.s32 @!p0 s3, s7;
	s7 =	simm.s32 @!p0 $0x108  }
0x21: {  	s3 =	sadd.s32 s3, s9;
	s6 =	sadd.s32 @!p0 $0x88, s6;
	s7 =	simm.s32 @p2 $0x1082  }
0x22: {  	[simem:s7], [sflag:s8] =	dma.local @!p0 [hbm:s6], $0xF7A  }
0x23: {  	s9 =	sor.u32 $0xD0000000, s2;
	s6 =	simm.s32 $0x108;
	_ =	swait.ge @!p0 [sflag:s8], $0x0  }
0x24: {  	s3 =	sadd.s32 $0x88, s3;
	s6 =	simm.s32 @!p1 $0x1082;
	[sflag:s4] =	ssyncset.s32 $0xFFFFF086  }
0x25: {  	[simem:s6], [sflag:s4] =	dma.local [hbm:s3], $0xF7A  }
0x26: {  	[smem:$0x3F9D] =	sst s1;
	(tag) =	ssettag s2;
	_ =	strace s9  }
0x27: {  	s1 =	sld [smem:$0x3FAD]  }
0x28: {  	s2 =	sld [smem:$0x3FAE]  }
0x29: {  	s4 =	sld [smem:$0x3FB0]  }
0x2a: {  	p0 =	seq.s32 s5, $0x0;
	s5 =	sld [smem:$0x3FB1]  }
0x2b: {  	s6 =	sld [smem:$0x3FB2]  }
0x2c: {  	s7 =	sld [smem:$0x3FB3]  }
0x2d: {  	s3 =	simm.s32 $0x108;
	s8 =	sld [smem:$0x3FB4]  }
0x2e: {  	s3 =	simm.s32 @!p0 $0x1082;
	s9 =	sld [smem:$0x3FB5]  }
0x2f: {  	lr =	sadd.s32 s0, s3;
	s0 =	sld [smem:$0x3FAC]  }
0x30: {  	s3 =	sld [smem:$0x3FAF]  }
0x31: {  	[smem:$0x3FB8] =	sst s10  }
0x32: {  	s10 =	sld [smem:$0x3FB6];
	_ =	sdelay $0x3  }
0x33: {  	p0 =	seq.s32 s10, $0x1;
	s10 =	sld [smem:$0x3FB8];
	_ =	sdelay $0x3  }
0x34: {  	[smem:$0x3FB8] =	sst s10  }
0x35: {  	s10 =	sld [smem:$0x3FB7];
	_ =	sdelay $0x3  }
0x36: {  	p1 =	seq.s32 s10, $0x1;
	s10 =	sld [smem:$0x3FB8];
	_ =	sdelay $0x3  }
0x37: {  	[smem:$0x3FB8] =	sst s10  }
0x38: {  	s10 =	sld [smem:$0x3FB9]  }
0x39: {  	_ = 	snop;
	(pc) =	sbr.ind lr, $3  }
0x3a: {  	_ = 	snop  }
0x3b: {  	_ = 	snop  }
0x3c: {  	p2 =	seq.s32 s10, $0x1;
	s10 =	sld [smem:$0x3FB8]  }
0x3d: {  	_ =	shalt  }
0x3e: {  	_ =	shalt  }
0x3f: {  	_ =	shalt  }
0x40: {  	_ =	shalt  }
0x41: {  	_ =	shalt  }
0x42: {  	_ =	shalt  }
0x43: {  	_ =	shalt  }
0x44: {  	_ =	shalt  }
0x45: {  	_ =	shalt  }
0x46: {  	_ =	shalt  }
0x47: {  	_ =	shalt  }
0x48: {  	_ =	shalt  }
0x49: {  	_ =	shalt  }
0x4a: {  	_ =	shalt  }
0x4b: {  	_ =	shalt  }
0x4c: {  	_ =	shalt  }
0x4d: {  	_ =	shalt  }
0x4e: {  	_ =	shalt  }
0x4f: {  	_ =	shalt  }
0x50: {  	_ =	shalt  }
0x51: {  	_ =	shalt  }
0x52: {  	_ =	shalt  }
0x53: {  	_ =	shalt  }
0x54: {  	_ =	shalt  }
0x55: {  	_ =	shalt  }
0x56: {  	_ =	shalt  }
0x57: {  	_ =	shalt  }
0x58: {  	_ =	shalt  }
0x59: {  	_ =	shalt  }
0x5a: {  	_ =	shalt  }
0x5b: {  	_ =	shalt  }
0x5c: {  	_ =	shalt  }
0x5d: {  	_ =	shalt  }
0x5e: {  	_ =	shalt  }
0x5f: {  	_ =	shalt  }
0x60: {  	_ =	shalt  }
0x61: {  	_ =	shalt  }
0x62: {  	_ =	shalt  }
0x63: {  	_ =	shalt  }
0x64: {  	_ =	shalt  }
0x65: {  	_ =	shalt  }
0x66: {  	_ =	shalt  }
0x67: {  	_ =	shalt  }
0x68: {  	_ =	shalt  }
0x69: {  	_ =	shalt  }
0x6a: {  	_ =	shalt  }
0x6b: {  	_ =	shalt  }
0x6c: {  	_ =	shalt  }
0x6d: {  	_ =	shalt  }
0x6e: {  	_ =	shalt  }
0x6f: {  	_ =	shalt  }
0x70: {  	_ =	shalt  }
0x71: {  	_ =	shalt  }
0x72: {  	_ =	shalt  }
0x73: {  	_ =	shalt  }
0x74: {  	_ =	shalt  }
0x75: {  	_ =	shalt  }
0x76: {  	_ =	shalt  }
0x77: {  	_ =	shalt  }
0x78: {  	_ =	shalt  }
0x79: {  	_ =	shalt  }
0x7a: {  	_ =	shalt  }
0x7b: {  	_ =	shalt  }
0x7c: {  	_ =	shalt  }
0x7d: {  	_ =	shalt  }
0x7e: {  	_ =	shalt  }
0x7f: {  	_ =	shalt  }
0x80: {  	_ =	shalt  }
0x81: {  	_ =	shalt  }
0x82: {  	_ =	shalt  }
0x83: {  	_ =	shalt  }
0x84: {  	_ =	shalt  }
0x85: {  	_ =	shalt  }
0x86: {  	_ =	shalt  }
0x87: {  	_ =	shalt  }
.Lfunc_end0:
.L_simem_size_0:
called_computation_lowered:
.L_overlay_start_0:
0x88: {  	s2 =	sld [smem:$0x3FD9]  }
0x89: {  	s3 =	sld [smem:$0x3FFE];
	_ =	sdelay $0x1  }
0x8a: {  	s1 =	srdreg.scid  }
0x8b: {  	s0 =	sand.u32 $0x1, s1  }
0x8c: {  	s16 =	sshll.u32 s0, $0xA;
	s2 =	sadd.s32 s3, s2  }
0x8d: {  	s2 =	sadd.s32 s2, s16  }
0x8e: {  	[smem:$0x3FC4] =	sst s2  }
0x8f: {  	_ = 	snop  }
0x90: {  	(tm) =	ssettm $0x1  }
0x91: {  	s17 =	sld [smem:$0x3FFB];
	_ =	sdelay $0x3  }
0x92: {  	_ =	strace s17  }
0x93: {  	s2 =	sld [smem:$0x3FFC];
	_ =	sdelay $0x3  }
0x94: {  	_ =	strace s2  }
0x95: {  	s2 =	sld [smem:$0x3FFD];
	_ =	sdelay $0x3  }
0x96: {  	_ =	strace s2  }
0x97: {  	_ =	strace $0x8FFFFFFF  }
0x98: {  	s18 =	sld [smem:$0x3FDB];
	_ =	sdelay $0x1  }
0x99: {  	s19 =	simm.s32 $_scs_section_size  }
0x9a: {  	s4 =	simm.s32 $_size__tile_overlayer_lowered;
	s5 =	simm.s32 $_tile_overlayer_lowered  }
0x9b: {  	s22 =	simm.s32 $0x1BFF;
	s21 =	sshll.u32 s5, $0x1;
	s2 =	sadd.s32 s19, s18  }
0x9c: {  	s6 =	simm.s32 $0x0;
	s20 =	sshll.u32 s4, $0x1;
	s4 =	sadd.s32 s21, s2  }
0x9d: {  	[timem:s6], [sflag:s22] =	dma.local [hbm:s4], s20  }
0x9e: {  	_ =	swait.ge [sflag:s22], s20  }
0x9f: {  	s3 =	ssub.s32 $0x0, s20;
	[sflag:s22] =	ssyncset.done $0x0  }
0xa0: {  	[sflag:s22] =	ssyncadd.s32 s3;
	_ =	sdelay $0x1  }
0xa1: {  	s23 =	simm.s32 $0x1B8B  }
0xa2: {  	_ =	swait.ge [sflag:s23], $0x1  }
0xa3: {  	[sflag:s23] =	ssyncset.done $0x0  }
0xa4: {  	s25 =	simm.s32 $0x1B8E;
	s24 =	sld [smem:$0x3FFE];
	[sflag:s23] =	ssyncadd.s32 $0xFFFFFFFF  }
0xa5: {  	s26 =	simm.s32 $execute0_lowered;
	[smem:$0x3FD2] =	sst s25  }
0xa6: {  	s4 =	sshll.u32 s26, $0x1;
	_ =	strace $0x80000046;
	[dreg:$0x1] =	wrdreg $0xFFFFFFFF  }
0xa7: {  	s28 =	simm.s32 $_size_execute0_lowered;
	s2 =	sadd.s32 s2, s4;
	[dreg:$0x0] =	wrdreg $0x0  }
0xa8: {  	s4 =	sshll.u32 s28, $0x1;
	[dreg:$0x2] =	wrdreg s2  }
0xa9: {  	[dreg:$0x3] =	wrdreg s4  }
0xaa: {  	[dreg:$0x4] =	wrdreg $0xC0  }
0xab: {  	_ =	task [dreg:s6], $0x5FFFF  }
0xac: {  	[dreg:$0x1] =	wrdreg $0xFFFFFFFF  }
0xad: {  	[dreg:$0x0] =	wrdreg $0x60  }
0xae: {  	[dreg:$0x2] =	wrdreg s24  }
0xaf: {  	[dreg:$0x3] =	wrdreg $0x9  }
0xb0: {  	_ =	task.clear_ibuf [dreg:s6], $0x4FFFF;
	_ =	strace $0x90000046  }
0xb1: {  	s29 =	simm.s32 $0x9;
	_ =	strace $0x80000048  }
0xb2: {  	_ =	swait.ge [sflag:s29], $0x1  }
0xb3: {  	[sflag:s29] =	ssyncadd.s32 $0xFFFFFFFF  }
0xb4: {  	_ =	strace $0x90000048  }
0xb5: {  	_ =	sfence  }
0xb6: {  	s30 =	sld [smem:$0x0];
	_ =	sdelay $0x2  }
0xb7: {  	s31 =	sshll.u32 s1, $0xD;
	s1 =	sshrl.u32 s1, $0x2  }
0xb8: {  	s3 =	sand.u32 $0x4000, s31;
	s1 =	sadd.s32 s1, s30  }
0xb9: {  	s0 =	sor.u32 s3, s0;
	s1 =	sshll.u32 s1, $0x11  }
0xba: {  	s0 =	sor.u32 s1, s0  }
0xbb: {  	s0 =	sadd.s32 $0x8F2B, s0  }
0xbc: {  	[sflag:s0] =	ssyncadd.remote.s32 $0x1  }
0xbd: {  	_ =	sfence.sel $0xFFFF  }
0xbe: {  	[dreg:$0x0] =	wrdreg $0xFFFFFFFF;
	(pc) =	sbr.abs _section_cstart, $3  }
0xbf: {  	[dreg:$0x1] =	wrdreg $0xFFFFFFFF  }
0xc0: {  	_ =	task.clear_ibuf [dreg:s6], $0x2FFFF;
	_ =	strace $0x9FFFFFFF  }
0xc1: {  	(tm) =	ssettm $0x7FFFFFFF  }
tec
execute0_lowered:
.L_overlay_start_1:
0x0: {  	(tag) =	ssettag $0x1  }
0x1: {  	s0 =	srdreg.scid;
	s1 =	stileid.u32  }
0x2: {  	s0 =	sand.u32 $0x1, s0;
	s1 =	sshll.u32 s1, $0x1  }
0x3: {  	s1 =	sor.u32 s0, s1  }
0x4: {  	s3 =	rddreg [dreg:$0x0];
	s4 =	smul.u32 $0x180, s1;
	s1 =	sshll.u32 s1, $0xD  }
0x5: {  	s2 =	simm.s32 $0x0;
	s1 =	sadd.s32 s1, s3  }
0x6: {  	[smem:$0x7FF] =	sst s2;
	s25 =	sadd.s32 $0x3E00, s1  }
0x7: {  	_ =	strace $0x80000047;
	s26 =	sadd.s32 $0x4600, s1;
	[dreg:$0x3] =	wrdreg s25  }
0x8: {  	s5 =	sadd.s32 $0x4E00, s1;
	[dreg:$0x4] =	wrdreg s26  }
0x9: {  	s6 =	sadd.s32 $0x5600, s1;
	[dreg:$0x5] =	wrdreg s5  }
0xa: {  	s7 =	sadd.s32 $0x43E00, s1;
	[dreg:$0x6] =	wrdreg s6  }
0xb: {  	s8 =	sadd.s32 $0x44600, s1;
	[dreg:$0x7] =	wrdreg s7  }
0xc: {  	s9 =	sadd.s32 $0x44E00, s1;
	[dreg:$0x8] =	wrdreg s8  }
0xd: {  	s10 =	sadd.s32 $0x45600, s1;
	[dreg:$0x9] =	wrdreg s9  }
0xe: {  	s11 =	sadd.s32 $0x83E00, s1;
	[dreg:$0xa] =	wrdreg s10  }
0xf: {  	s12 =	sadd.s32 $0x84600, s1;
	[dreg:$0xb] =	wrdreg s11  }
0x10: {  	s13 =	sadd.s32 $0x84E00, s1;
	[dreg:$0xc] =	wrdreg s12  }
0x11: {  	s14 =	sadd.s32 $0x85600, s1;
	[dreg:$0xd] =	wrdreg s13  }
0x12: {  	s15 =	sadd.s32 $0xC3E00, s1;
	[dreg:$0xe] =	wrdreg s14  }
0x13: {  	s16 =	sadd.s32 $0xC4600, s1;
	[dreg:$0xf] =	wrdreg s15  }
0x14: {  	s31 =	simm.s32 $0x3;
	s17 =	sadd.s32 $0xC4E00, s1;
	[dreg:$0x10] =	wrdreg s16  }
0x15: {  	s30 =	simm.s32 $0x180;
	s18 =	sadd.s32 $0xC5600, s1;
	[dreg:$0x11] =	wrdreg s17  }
0x16: {  	s29 =	simm.s32 $0x200;
	s19 =	sadd.s32 $0x103E00, s1;
	[dreg:$0x12] =	wrdreg s18  }
0x17: {  	s28 =	simm.s32 $0x280;
	s20 =	sadd.s32 $0x104600, s1;
	[dreg:$0x13] =	wrdreg s19  }
0x18: {  	p0 =	por $0x0, $0x0;
	s21 =	sadd.s32 $0x104E00, s1;
	[dreg:$0x14] =	wrdreg s20  }
0x19: {  	s0 =	ssub.s32 $0x2, s0;
	s22 =	sadd.s32 $0x105600, s1;
	[dreg:$0x15] =	wrdreg s21  }
0x1a: {  	s4 =	sadd.s32 s4, s3;
	s23 =	sadd.s32 $0x143E00, s1;
	[dreg:$0x16] =	wrdreg s22  }
0x1b: {  	s24 =	sadd.s32 $0x144600, s1;
	s4 =	sadd.s32 $0xE00, s4;
	[dreg:$0x17] =	wrdreg s23  }
0x1c: {  	s5 =	sshrl.u32 s0, $0x1;
	[dreg:$0x18] =	wrdreg s24;
	s25 =	sadd.s32 $0x144E00, s1  }
0x1d: {  	s1 =	sadd.s32 $0x145600, s1;
	s6 =	sadd.s32 $0xF43200, s3;
	s8 =	simm.s32 $0x80  }
0x1e: {  	s7 =	simm.s32 $0xC00;
	s26 =	simm.s32 $0x100;
	s3 =	simm.s32 $0x2  }
0x1f: {  	s24 =	simm.s32 $0x400;
	s23 =	simm.s32 $0x480;
	s22 =	simm.s32 $0x500  }
0x20: {  	s21 =	simm.s32 $0x580;
	s20 =	simm.s32 $0x600;
	s19 =	simm.s32 $0x680  }
0x21: {  	s18 =	simm.s32 $0x700;
	s17 =	simm.s32 $0x780;
	s0 =	ssub.s32 s0, s5  }
0x22: {  	s16 =	simm.s32 $0x800;
	s15 =	simm.s32 $0x880;
	s0 =	smax.u32 s0, $0x1  }
0x23: {  	s14 =	simm.s32 $0x900;
	s13 =	simm.s32 $0x980;
	p1 =	sne.s32 s0, $0x1  }
.Ltmp0:
0x24: {  	s12 =	simm.s32 $0xA00;
	[dreg:$0x2] =	wrdreg s4;
	(pc) =	sbr.rel @!p1 .LBB2_3-.Ltmp0, $4  }
0x25: {  	s11 =	simm.s32 $0xA80;
	s10 =	simm.s32 $0xB00;
	[dreg:$0x19] =	wrdreg s25  }
0x26: {  	s9 =	simm.s32 $0xB80;
	[dreg:$0x1a] =	wrdreg s1;
	s4 =	simm.s32 $0x4C00  }
0x27: {  	s5 =	simm.s32 $0x1;
	[dreg:$0x1b] =	wrdreg s26;
	s26 =	simm.s32 $0x300  }
0x28: {  	s25 =	simm.s32 $0x380;
	s1 =	sadd.s32 $0xFFFFFFFF, s0;
	s0 =	rddreg [dreg:$0x2]  }
0x29: {  	[tilespmem:s2], [sflag:$0x3] =	stream.linear.gather [hbm4b:s0+s2], $0xC00, $0x38;
	[tilespmem:$0x8C00] =	vst v63  }
0x2a: {  	_ =	swait.ge [sflag:s31], $0xC00  }
0x2b: {  	[sflag:s31] =	ssyncset.done $0x0  }
0x2c: {  	[sflag:s31] =	ssyncadd.s32 $0xFFFFF400  }
0x2d: {  	[tilespmem:s7], [sflag:$0x1] =	stream.indirect.gather [hbm4b:s6+s8], $0x80, s2, s8, $0xb8;
	[tilespmem:$0x8C00] =	vst v63  }
0x2e: {  	_ = 	snop  }
0x2f: {  	[tilespmem:s4], [sflag:$0x1] =	stream.indirect.gather [hbm4b:s6+s8], $0x80, s8, s8, $0xb8;
	[tilespmem:$0x8C00] =	vst v63  }
0x30: {  	_ =	swait.ge [sflag:s5], $0x4000  }
0x31: {  	[sflag:s5] =	ssyncset.done $0x0  }
0x32: {  	s0 =	rddreg [dreg:$0x3];
	[sflag:s5] =	ssyncadd.s32 $0xFFFFC000  }
0x33: {  	[hbm4b:s0+s2] =	stream.linear.scatter [tilespmem:s7], [sflag:$0x2], $0x4000, $0x38;
	[tilespmem:$0x8C00] =	vst v63  }
0x34: {  	_ =	swait.ge [sflag:s3], $0x4000  }
0x35: {  	[sflag:s3] =	ssyncset.done $0x0  }
0x36: {  	s0 =	rddreg [dreg:$0x1b];
	[sflag:s3] =	ssyncadd.s32 $0xFFFFC000  }
0x37: {  	[tilespmem:s7], [sflag:$0x1] =	stream.indirect.gather [hbm4b:s6+s8], $0x80, s0, s8, $0xb8;
	[tilespmem:$0x8C00] =	vst v63  }
0x38: {  	_ =	swait.ge [sflag:s5], $0x4000  }
0x39: {  	[sflag:s5] =	ssyncset.done $0x0  }
0x3a: {  	s0 =	rddreg [dreg:$0x4];
	[sflag:s5] =	ssyncadd.s32 $0xFFFFC000  }
0x3b: {  	[hbm4b:s0+s2] =	stream.linear.scatter [tilespmem:s4], [sflag:$0x2], $0x4000, $0x38;
	[tilespmem:$0x8C00] =	vst v63  }
0x3c: {  	_ =	swait.ge [sflag:s3], $0x4000  }
0x3d: {  	[sflag:s3] =	ssyncset.done $0x0  }
0x3e: {  	[sflag:s3] =	ssyncadd.s32 $0xFFFFC000  }
0x3f: {  	[tilespmem:s4], [sflag:$0x1] =	stream.indirect.gather [hbm4b:s6+s8], $0x80, s30, s8, $0xb8;
	[tilespmem:$0x8C00] =	vst v63  }
0x40: {  	_ =	swait.ge [sflag:s5], $0x4000  }
0x41: {  	[sflag:s5] =	ssyncset.done $0x0  }
0x42: {  	s0 =	rddreg [dreg:$0x5];
	[sflag:s5] =	ssyncadd.s32 $0xFFFFC000  }
0x43: {  	[hbm4b:s0+s2] =	stream.linear.scatter [tilespmem:s7], [sflag:$0x2], $0x4000, $0x38;
	[tilespmem:$0x8C00] =	vst v63  }
0x44: {  	_ =	swait.ge [sflag:s3], $0x4000  }
0x45: {  	[sflag:s3] =	ssyncset.done $0x0  }
0x46: {  	[sflag:s3] =	ssyncadd.s32 $0xFFFFC000  }
0x47: {  	[tilespmem:s7], [sflag:$0x1] =	stream.indirect.gather [hbm4b:s6+s8], $0x80, s29, s8, $0xb8;
	[tilespmem:$0x8C00] =	vst v63  }
0x48: {  	_ =	swait.ge [sflag:s5], $0x4000  }
0x49: {  	[sflag:s5] =	ssyncset.done $0x0  }
0x4a: {  	s0 =	rddreg [dreg:$0x6];
	[sflag:s5] =	ssyncadd.s32 $0xFFFFC000  }
0x4b: {  	[hbm4b:s0+s2] =	stream.linear.scatter [tilespmem:s4], [sflag:$0x2], $0x4000, $0x38;
	[tilespmem:$0x8C00] =	vst v63  }
0x4c: {  	_ =	swait.ge [sflag:s3], $0x4000  }
0x4d: {  	[sflag:s3] =	ssyncset.done $0x0  }
0x4e: {  	[sflag:s3] =	ssyncadd.s32 $0xFFFFC000  }
0x4f: {  	[tilespmem:s4], [sflag:$0x1] =	stream.indirect.gather [hbm4b:s6+s8], $0x80, s28, s8, $0xb8;
	[tilespmem:$0x8C00] =	vst v63  }
0x50: {  	_ =	swait.ge [sflag:s5], $0x4000  }
0x51: {  	[sflag:s5] =	ssyncset.done $0x0  }
0x52: {  	s0 =	rddreg [dreg:$0x7];
	[sflag:s5] =	ssyncadd.s32 $0xFFFFC000  }
0x53: {  	[hbm4b:s0+s2] =	stream.linear.scatter [tilespmem:s7], [sflag:$0x2], $0x4000, $0x38;
	[tilespmem:$0x8C00] =	vst v63  }
0x54: {  	_ =	swait.ge [sflag:s3], $0x4000  }
0x55: {  	[sflag:s3] =	ssyncset.done $0x0  }
0x56: {  	[sflag:s3] =	ssyncadd.s32 $0xFFFFC000  }
0x57: {  	[tilespmem:s7], [sflag:$0x1] =	stream.indirect.gather [hbm4b:s6+s8], $0x80, s26, s8, $0xb8;
	[tilespmem:$0x8C00] =	vst v63  }
0x58: {  	_ =	swait.ge [sflag:s5], $0x4000  }
0x59: {  	[sflag:s5] =	ssyncset.done $0x0  }
0x5a: {  	s0 =	rddreg [dreg:$0x8];
	[sflag:s5] =	ssyncadd.s32 $0xFFFFC000  }
0x5b: {  	[hbm4b:s0+s2] =	stream.linear.scatter [tilespmem:s4], [sflag:$0x2], $0x4000, $0x38;
	[tilespmem:$0x8C00] =	vst v63  }
0x5c: {  	_ =	swait.ge [sflag:s3], $0x4000  }
0x5d: {  	[sflag:s3] =	ssyncset.done $0x0  }
0x5e: {  	[sflag:s3] =	ssyncadd.s32 $0xFFFFC000  }
0x5f: {  	[tilespmem:s4], [sflag:$0x1] =	stream.indirect.gather [hbm4b:s6+s8], $0x80, s25, s8, $0xb8;
	[tilespmem:$0x8C00] =	vst v63  }
0x60: {  	_ =	swait.ge [sflag:s5], $0x4000  }
0x61: {  	[sflag:s5] =	ssyncset.done $0x0  }
0x62: {  	s0 =	rddreg [dreg:$0x9];
	[sflag:s5] =	ssyncadd.s32 $0xFFFFC000  }
0x63: {  	[hbm4b:s0+s2] =	stream.linear.scatter [tilespmem:s7], [sflag:$0x2], $0x4000, $0x38;
	[tilespmem:$0x8C00] =	vst v63  }
0x64: {  	_ =	swait.ge [sflag:s3], $0x4000  }
0x65: {  	[sflag:s3] =	ssyncset.done $0x0  }
0x66: {  	[sflag:s3] =	ssyncadd.s32 $0xFFFFC000  }
0x67: {  	[tilespmem:s7], [sflag:$0x1] =	stream.indirect.gather [hbm4b:s6+s8], $0x80, s24, s8, $0xb8;
	[tilespmem:$0x8C00] =	vst v63  }
0x68: {  	_ =	swait.ge [sflag:s5], $0x4000  }
0x69: {  	[sflag:s5] =	ssyncset.done $0x0  }
0x6a: {  	s0 =	rddreg [dreg:$0xa];
	[sflag:s5] =	ssyncadd.s32 $0xFFFFC000  }
0x6b: {  	[hbm4b:s0+s2] =	stream.linear.scatter [tilespmem:s4], [sflag:$0x2], $0x4000, $0x38;
	[tilespmem:$0x8C00] =	vst v63  }
0x6c: {  	_ =	swait.ge [sflag:s3], $0x4000  }
0x6d: {  	[sflag:s3] =	ssyncset.done $0x0  }
0x6e: {  	[sflag:s3] =	ssyncadd.s32 $0xFFFFC000  }
0x6f: {  	[tilespmem:s4], [sflag:$0x1] =	stream.indirect.gather [hbm4b:s6+s8], $0x80, s23, s8, $0xb8;
	[tilespmem:$0x8C00] =	vst v63  }
0x70: {  	_ =	swait.ge [sflag:s5], $0x4000  }
0x71: {  	[sflag:s5] =	ssyncset.done $0x0  }
0x72: {  	s0 =	rddreg [dreg:$0xb];
	[sflag:s5] =	ssyncadd.s32 $0xFFFFC000  }
0x73: {  	[hbm4b:s0+s2] =	stream.linear.scatter [tilespmem:s7], [sflag:$0x2], $0x4000, $0x38;
	[tilespmem:$0x8C00] =	vst v63  }
0x74: {  	_ =	swait.ge [sflag:s3], $0x4000  }
0x75: {  	[sflag:s3] =	ssyncset.done $0x0  }
0x76: {  	[sflag:s3] =	ssyncadd.s32 $0xFFFFC000  }
0x77: {  	[tilespmem:s7], [sflag:$0x1] =	stream.indirect.gather [hbm4b:s6+s8], $0x80, s22, s8, $0xb8;
	[tilespmem:$0x8C00] =	vst v63  }
0x78: {  	_ =	swait.ge [sflag:s5], $0x4000  }
0x79: {  	[sflag:s5] =	ssyncset.done $0x0  }
0x7a: {  	s0 =	rddreg [dreg:$0xc];
	[sflag:s5] =	ssyncadd.s32 $0xFFFFC000  }
0x7b: {  	[hbm4b:s0+s2] =	stream.linear.scatter [tilespmem:s4], [sflag:$0x2], $0x4000, $0x38;
	[tilespmem:$0x8C00] =	vst v63  }
0x7c: {  	_ =	swait.ge [sflag:s3], $0x4000  }
0x7d: {  	[sflag:s3] =	ssyncset.done $0x0  }
0x7e: {  	[sflag:s3] =	ssyncadd.s32 $0xFFFFC000  }
0x7f: {  	[tilespmem:s4], [sflag:$0x1] =	stream.indirect.gather [hbm4b:s6+s8], $0x80, s21, s8, $0xb8;
	[tilespmem:$0x8C00] =	vst v63  }
0x80: {  	_ =	swait.ge [sflag:s5], $0x4000  }
0x81: {  	[sflag:s5] =	ssyncset.done $0x0  }
0x82: {  	s0 =	rddreg [dreg:$0xd];
	[sflag:s5] =	ssyncadd.s32 $0xFFFFC000  }
0x83: {  	[hbm4b:s0+s2] =	stream.linear.scatter [tilespmem:s7], [sflag:$0x2], $0x4000, $0x38;
	[tilespmem:$0x8C00] =	vst v63  }
0x84: {  	_ =	swait.ge [sflag:s3], $0x4000  }
0x85: {  	[sflag:s3] =	ssyncset.done $0x0  }
0x86: {  	[sflag:s3] =	ssyncadd.s32 $0xFFFFC000  }
0x87: {  	[tilespmem:s7], [sflag:$0x1] =	stream.indirect.gather [hbm4b:s6+s8], $0x80, s20, s8, $0xb8;
	[tilespmem:$0x8C00] =	vst v63  }
0x88: {  	_ =	swait.ge [sflag:s5], $0x4000  }
0x89: {  	[sflag:s5] =	ssyncset.done $0x0  }
0x8a: {  	s0 =	rddreg [dreg:$0xe];
	[sflag:s5] =	ssyncadd.s32 $0xFFFFC000  }
0x8b: {  	[hbm4b:s0+s2] =	stream.linear.scatter [tilespmem:s4], [sflag:$0x2], $0x4000, $0x38;
	[tilespmem:$0x8C00] =	vst v63  }
0x8c: {  	_ =	swait.ge [sflag:s3], $0x4000  }
0x8d: {  	[sflag:s3] =	ssyncset.done $0x0  }
0x8e: {  	[sflag:s3] =	ssyncadd.s32 $0xFFFFC000  }
0x8f: {  	[tilespmem:s4], [sflag:$0x1] =	stream.indirect.gather [hbm4b:s6+s8], $0x80, s19, s8, $0xb8;
	[tilespmem:$0x8C00] =	vst v63  }
0x90: {  	_ =	swait.ge [sflag:s5], $0x4000  }
0x91: {  	[sflag:s5] =	ssyncset.done $0x0  }
0x92: {  	s0 =	rddreg [dreg:$0xf];
	[sflag:s5] =	ssyncadd.s32 $0xFFFFC000  }
0x93: {  	[hbm4b:s0+s2] =	stream.linear.scatter [tilespmem:s7], [sflag:$0x2], $0x4000, $0x38;
	[tilespmem:$0x8C00] =	vst v63  }
0x94: {  	_ =	swait.ge [sflag:s3], $0x4000  }
0x95: {  	[sflag:s3] =	ssyncset.done $0x0  }
0x96: {  	[sflag:s3] =	ssyncadd.s32 $0xFFFFC000  }
0x97: {  	[tilespmem:s7], [sflag:$0x1] =	stream.indirect.gather [hbm4b:s6+s8], $0x80, s18, s8, $0xb8;
	[tilespmem:$0x8C00] =	vst v63  }
0x98: {  	_ =	swait.ge [sflag:s5], $0x4000  }
0x99: {  	[sflag:s5] =	ssyncset.done $0x0  }
0x9a: {  	s0 =	rddreg [dreg:$0x10];
	[sflag:s5] =	ssyncadd.s32 $0xFFFFC000  }
0x9b: {  	[hbm4b:s0+s2] =	stream.linear.scatter [tilespmem:s4], [sflag:$0x2], $0x4000, $0x38;
	[tilespmem:$0x8C00] =	vst v63  }
0x9c: {  	_ =	swait.ge [sflag:s3], $0x4000  }
0x9d: {  	[sflag:s3] =	ssyncset.done $0x0  }
0x9e: {  	[sflag:s3] =	ssyncadd.s32 $0xFFFFC000  }
0x9f: {  	[tilespmem:s4], [sflag:$0x1] =	stream.indirect.gather [hbm4b:s6+s8], $0x80, s17, s8, $0xb8;
	[tilespmem:$0x8C00] =	vst v63  }
0xa0: {  	_ =	swait.ge [sflag:s5], $0x4000  }
0xa1: {  	[sflag:s5] =	ssyncset.done $0x0  }
0xa2: {  	s0 =	rddreg [dreg:$0x11];
	[sflag:s5] =	ssyncadd.s32 $0xFFFFC000  }
0xa3: {  	[hbm4b:s0+s2] =	stream.linear.scatter [tilespmem:s7], [sflag:$0x2], $0x4000, $0x38;
	[tilespmem:$0x8C00] =	vst v63  }
0xa4: {  	_ =	swait.ge [sflag:s3], $0x4000  }
0xa5: {  	[sflag:s3] =	ssyncset.done $0x0  }
0xa6: {  	[sflag:s3] =	ssyncadd.s32 $0xFFFFC000  }
0xa7: {  	[tilespmem:s7], [sflag:$0x1] =	stream.indirect.gather [hbm4b:s6+s8], $0x80, s16, s8, $0xb8;
	[tilespmem:$0x8C00] =	vst v63  }
0xa8: {  	_ =	swait.ge [sflag:s5], $0x4000  }
0xa9: {  	[sflag:s5] =	ssyncset.done $0x0  }
0xaa: {  	s0 =	rddreg [dreg:$0x12];
	[sflag:s5] =	ssyncadd.s32 $0xFFFFC000  }
0xab: {  	[hbm4b:s0+s2] =	stream.linear.scatter [tilespmem:s4], [sflag:$0x2], $0x4000, $0x38;
	[tilespmem:$0x8C00] =	vst v63  }
0xac: {  	_ =	swait.ge [sflag:s3], $0x4000  }
0xad: {  	[sflag:s3] =	ssyncset.done $0x0  }
0xae: {  	[sflag:s3] =	ssyncadd.s32 $0xFFFFC000  }
0xaf: {  	[tilespmem:s4], [sflag:$0x1] =	stream.indirect.gather [hbm4b:s6+s8], $0x80, s15, s8, $0xb8;
	[tilespmem:$0x8C00] =	vst v63  }
0xb0: {  	_ =	swait.ge [sflag:s5], $0x4000  }
0xb1: {  	[sflag:s5] =	ssyncset.done $0x0  }
0xb2: {  	s0 =	rddreg [dreg:$0x13];
	[sflag:s5] =	ssyncadd.s32 $0xFFFFC000  }
0xb3: {  	[hbm4b:s0+s2] =	stream.linear.scatter [tilespmem:s7], [sflag:$0x2], $0x4000, $0x38;
	[tilespmem:$0x8C00] =	vst v63  }
0xb4: {  	_ =	swait.ge [sflag:s3], $0x4000  }
0xb5: {  	[sflag:s3] =	ssyncset.done $0x0  }
0xb6: {  	[sflag:s3] =	ssyncadd.s32 $0xFFFFC000  }
0xb7: {  	[tilespmem:s7], [sflag:$0x1] =	stream.indirect.gather [hbm4b:s6+s8], $0x80, s14, s8, $0xb8;
	[tilespmem:$0x8C00] =	vst v63  }
0xb8: {  	_ =	swait.ge [sflag:s5], $0x4000  }
0xb9: {  	[sflag:s5] =	ssyncset.done $0x0  }
0xba: {  	s0 =	rddreg [dreg:$0x14];
	[sflag:s5] =	ssyncadd.s32 $0xFFFFC000  }
0xbb: {  	[hbm4b:s0+s2] =	stream.linear.scatter [tilespmem:s4], [sflag:$0x2], $0x4000, $0x38;
	[tilespmem:$0x8C00] =	vst v63  }
0xbc: {  	_ =	swait.ge [sflag:s3], $0x4000  }
0xbd: {  	[sflag:s3] =	ssyncset.done $0x0  }
0xbe: {  	[sflag:s3] =	ssyncadd.s32 $0xFFFFC000  }
0xbf: {  	[tilespmem:s4], [sflag:$0x1] =	stream.indirect.gather [hbm4b:s6+s8], $0x80, s13, s8, $0xb8;
	[tilespmem:$0x8C00] =	vst v63  }
0xc0: {  	_ =	swait.ge [sflag:s5], $0x4000  }
0xc1: {  	[sflag:s5] =	ssyncset.done $0x0  }
0xc2: {  	s0 =	rddreg [dreg:$0x15];
	[sflag:s5] =	ssyncadd.s32 $0xFFFFC000  }
0xc3: {  	[hbm4b:s0+s2] =	stream.linear.scatter [tilespmem:s7], [sflag:$0x2], $0x4000, $0x38;
	[tilespmem:$0x8C00] =	vst v63  }
0xc4: {  	_ =	swait.ge [sflag:s3], $0x4000  }
0xc5: {  	[sflag:s3] =	ssyncset.done $0x0  }
0xc6: {  	[sflag:s3] =	ssyncadd.s32 $0xFFFFC000  }
0xc7: {  	[tilespmem:s7], [sflag:$0x1] =	stream.indirect.gather [hbm4b:s6+s8], $0x80, s12, s8, $0xb8;
	[tilespmem:$0x8C00] =	vst v63  }
0xc8: {  	_ =	swait.ge [sflag:s5], $0x4000  }
0xc9: {  	[sflag:s5] =	ssyncset.done $0x0  }
0xca: {  	s0 =	rddreg [dreg:$0x16];
	[sflag:s5] =	ssyncadd.s32 $0xFFFFC000  }
0xcb: {  	[hbm4b:s0+s2] =	stream.linear.scatter [tilespmem:s4], [sflag:$0x2], $0x4000, $0x38;
	[tilespmem:$0x8C00] =	vst v63  }
0xcc: {  	_ =	swait.ge [sflag:s3], $0x4000  }
0xcd: {  	[sflag:s3] =	ssyncset.done $0x0  }
0xce: {  	[sflag:s3] =	ssyncadd.s32 $0xFFFFC000  }
0xcf: {  	[tilespmem:s4], [sflag:$0x1] =	stream.indirect.gather [hbm4b:s6+s8], $0x80, s11, s8, $0xb8;
	[tilespmem:$0x8C00] =	vst v63  }
0xd0: {  	_ =	swait.ge [sflag:s5], $0x4000  }
0xd1: {  	[sflag:s5] =	ssyncset.done $0x0  }
0xd2: {  	s0 =	rddreg [dreg:$0x17];
	[sflag:s5] =	ssyncadd.s32 $0xFFFFC000  }
0xd3: {  	[hbm4b:s0+s2] =	stream.linear.scatter [tilespmem:s7], [sflag:$0x2], $0x4000, $0x38;
	[tilespmem:$0x8C00] =	vst v63  }
0xd4: {  	_ =	swait.ge [sflag:s3], $0x4000  }
0xd5: {  	[sflag:s3] =	ssyncset.done $0x0  }
0xd6: {  	[sflag:s3] =	ssyncadd.s32 $0xFFFFC000  }
0xd7: {  	[tilespmem:s7], [sflag:$0x1] =	stream.indirect.gather [hbm4b:s6+s8], $0x80, s10, s8, $0xb8;
	[tilespmem:$0x8C00] =	vst v63  }
0xd8: {  	_ =	swait.ge [sflag:s5], $0x4000  }
0xd9: {  	[sflag:s5] =	ssyncset.done $0x0  }
0xda: {  	s0 =	rddreg [dreg:$0x18];
	[sflag:s5] =	ssyncadd.s32 $0xFFFFC000  }
0xdb: {  	[hbm4b:s0+s2] =	stream.linear.scatter [tilespmem:s4], [sflag:$0x2], $0x4000, $0x38;
	[tilespmem:$0x8C00] =	vst v63  }
0xdc: {  	_ =	swait.ge [sflag:s3], $0x4000  }
0xdd: {  	[sflag:s3] =	ssyncset.done $0x0  }
0xde: {  	[sflag:s3] =	ssyncadd.s32 $0xFFFFC000  }
0xdf: {  	[tilespmem:s4], [sflag:$0x1] =	stream.indirect.gather [hbm4b:s6+s8], $0x80, s9, s8, $0xb8;
	[tilespmem:$0x8C00] =	vst v63  }
0xe0: {  	_ =	swait.ge [sflag:s5], $0x4000  }
0xe1: {  	[sflag:s5] =	ssyncset.done $0x0  }
0xe2: {  	s0 =	rddreg [dreg:$0x19];
	[sflag:s5] =	ssyncadd.s32 $0xFFFFC000  }
0xe3: {  	[hbm4b:s0+s2] =	stream.linear.scatter [tilespmem:s7], [sflag:$0x2], $0x4000, $0x38;
	[tilespmem:$0x8C00] =	vst v63  }
0xe4: {  	_ =	swait.ge [sflag:s5], $0x4000  }
0xe5: {  	[sflag:s5] =	ssyncset.done $0x0  }
0xe6: {  	p1 =	sne.s32 s1, $0x1;
	s0 =	rddreg [dreg:$0x1a];
	[sflag:s5] =	ssyncadd.s32 $0xFFFFC000  }
0xe7: {  	[hbm4b:s0+s2] =	stream.linear.scatter [tilespmem:s4], [sflag:$0x2], $0x4000, $0x38;
	[tilespmem:$0x8C00] =	vst v63  }
.Ltmp1:
0xe8: {  	_ =	swait.ge [sflag:s3], $0x4000;
	(pc) =	sbr.rel @!p1 .LBB2_3-.Ltmp1, $4  }
0xe9: {  	[sflag:s3] =	ssyncset.done $0x0  }
0xea: {  	[sflag:s3] =	ssyncadd.s32 $0xFFFFC000  }
0xeb: {  	s1 =	sadd.s32 $0xFFFFFFFF, s1;
	_ =	swait.ge [sflag:s3], $0x4000  }
0xec: {  	p0 =	por $0x1, $0x1;
	s0 =	rddreg [dreg:$0x2];
	[sflag:s3] =	ssyncset.done $0x0  }
.LBB2_2:
0xed: {  	[sflag:s3] =	ssyncadd.s32 $0xFFFFC000  }
0xee: {  	[tilespmem:s2], [sflag:$0x3] =	stream.linear.gather [hbm4b:s0+s2], $0xC00, $0x38;
	[tilespmem:$0x8C00] =	vst v63  }
0xef: {  	_ =	swait.ge [sflag:s31], $0xC00  }
0xf0: {  	[sflag:s31] =	ssyncset.done $0x0  }
0xf1: {  	[sflag:s31] =	ssyncadd.s32 $0xFFFFF400  }
0xf2: {  	[tilespmem:s7], [sflag:$0x1] =	stream.indirect.gather [hbm4b:s6+s8], $0x80, s2, s8, $0xb8;
	[tilespmem:$0x8C00] =	vst v63  }
0xf3: {  	_ = 	snop  }
0xf4: {  	[tilespmem:s4], [sflag:$0x1] =	stream.indirect.gather [hbm4b:s6+s8], $0x80, s8, s8, $0xb8;
	[tilespmem:$0x8C00] =	vst v63  }
0xf5: {  	_ =	swait.ge [sflag:s5], $0x4000  }
0xf6: {  	[sflag:s5] =	ssyncset.done $0x0  }
0xf7: {  	s0 =	rddreg [dreg:$0x3];
	[sflag:s5] =	ssyncadd.s32 $0xFFFFC000  }
0xf8: {  	[hbm4b:s0+s2] =	stream.linear.scatter [tilespmem:s7], [sflag:$0x2], $0x4000, $0x38;
	[tilespmem:$0x8C00] =	vst v63  }
0xf9: {  	_ =	swait.ge [sflag:s3], $0x4000  }
0xfa: {  	[sflag:s3] =	ssyncset.done $0x0  }
0xfb: {  	s0 =	rddreg [dreg:$0x1b];
	[sflag:s3] =	ssyncadd.s32 $0xFFFFC000  }
0xfc: {  	[tilespmem:s7], [sflag:$0x1] =	stream.indirect.gather [hbm4b:s6+s8], $0x80, s0, s8, $0xb8;
	[tilespmem:$0x8C00] =	vst v63  }
0xfd: {  	_ =	swait.ge [sflag:s5], $0x4000  }
0xfe: {  	[sflag:s5] =	ssyncset.done $0x0  }
0xff: {  	s0 =	rddreg [dreg:$0x4];
	[sflag:s5] =	ssyncadd.s32 $0xFFFFC000  }
0x100: {  	[hbm4b:s0+s2] =	stream.linear.scatter [tilespmem:s4], [sflag:$0x2], $0x4000, $0x38;
	[tilespmem:$0x8C00] =	vst v63  }
0x101: {  	_ =	swait.ge [sflag:s3], $0x4000  }
0x102: {  	[sflag:s3] =	ssyncset.done $0x0  }
0x103: {  	[sflag:s3] =	ssyncadd.s32 $0xFFFFC000  }
0x104: {  	[tilespmem:s4], [sflag:$0x1] =	stream.indirect.gather [hbm4b:s6+s8], $0x80, s30, s8, $0xb8;
	[tilespmem:$0x8C00] =	vst v63  }
0x105: {  	_ =	swait.ge [sflag:s5], $0x4000  }
0x106: {  	[sflag:s5] =	ssyncset.done $0x0  }
0x107: {  	s0 =	rddreg [dreg:$0x5];
	[sflag:s5] =	ssyncadd.s32 $0xFFFFC000  }
0x108: {  	[hbm4b:s0+s2] =	stream.linear.scatter [tilespmem:s7], [sflag:$0x2], $0x4000, $0x38;
	[tilespmem:$0x8C00] =	vst v63  }
0x109: {  	_ =	swait.ge [sflag:s3], $0x4000  }
0x10a: {  	[sflag:s3] =	ssyncset.done $0x0  }
0x10b: {  	[sflag:s3] =	ssyncadd.s32 $0xFFFFC000  }
0x10c: {  	[tilespmem:s7], [sflag:$0x1] =	stream.indirect.gather [hbm4b:s6+s8], $0x80, s29, s8, $0xb8;
	[tilespmem:$0x8C00] =	vst v63  }
0x10d: {  	_ =	swait.ge [sflag:s5], $0x4000  }
0x10e: {  	[sflag:s5] =	ssyncset.done $0x0  }
0x10f: {  	s0 =	rddreg [dreg:$0x6];
	[sflag:s5] =	ssyncadd.s32 $0xFFFFC000  }
0x110: {  	[hbm4b:s0+s2] =	stream.linear.scatter [tilespmem:s4], [sflag:$0x2], $0x4000, $0x38;
	[tilespmem:$0x8C00] =	vst v63  }
0x111: {  	_ =	swait.ge [sflag:s3], $0x4000  }
0x112: {  	[sflag:s3] =	ssyncset.done $0x0  }
0x113: {  	[sflag:s3] =	ssyncadd.s32 $0xFFFFC000  }
0x114: {  	[tilespmem:s4], [sflag:$0x1] =	stream.indirect.gather [hbm4b:s6+s8], $0x80, s28, s8, $0xb8;
	[tilespmem:$0x8C00] =	vst v63  }
0x115: {  	_ =	swait.ge [sflag:s5], $0x4000  }
0x116: {  	[sflag:s5] =	ssyncset.done $0x0  }
0x117: {  	s0 =	rddreg [dreg:$0x7];
	[sflag:s5] =	ssyncadd.s32 $0xFFFFC000  }
0x118: {  	[hbm4b:s0+s2] =	stream.linear.scatter [tilespmem:s7], [sflag:$0x2], $0x4000, $0x38;
	[tilespmem:$0x8C00] =	vst v63  }
0x119: {  	_ =	swait.ge [sflag:s3], $0x4000  }
0x11a: {  	[sflag:s3] =	ssyncset.done $0x0  }
0x11b: {  	[sflag:s3] =	ssyncadd.s32 $0xFFFFC000  }
0x11c: {  	[tilespmem:s7], [sflag:$0x1] =	stream.indirect.gather [hbm4b:s6+s8], $0x80, s26, s8, $0xb8;
	[tilespmem:$0x8C00] =	vst v63  }
0x11d: {  	_ =	swait.ge [sflag:s5], $0x4000  }
0x11e: {  	[sflag:s5] =	ssyncset.done $0x0  }
0x11f: {  	s0 =	rddreg [dreg:$0x8];
	[sflag:s5] =	ssyncadd.s32 $0xFFFFC000  }
0x120: {  	[hbm4b:s0+s2] =	stream.linear.scatter [tilespmem:s4], [sflag:$0x2], $0x4000, $0x38;
	[tilespmem:$0x8C00] =	vst v63  }
0x121: {  	_ =	swait.ge [sflag:s3], $0x4000  }
0x122: {  	[sflag:s3] =	ssyncset.done $0x0  }
0x123: {  	[sflag:s3] =	ssyncadd.s32 $0xFFFFC000  }
0x124: {  	[tilespmem:s4], [sflag:$0x1] =	stream.indirect.gather [hbm4b:s6+s8], $0x80, s25, s8, $0xb8;
	[tilespmem:$0x8C00] =	vst v63  }
0x125: {  	_ =	swait.ge [sflag:s5], $0x4000  }
0x126: {  	[sflag:s5] =	ssyncset.done $0x0  }
0x127: {  	s0 =	rddreg [dreg:$0x9];
	[sflag:s5] =	ssyncadd.s32 $0xFFFFC000  }
0x128: {  	[hbm4b:s0+s2] =	stream.linear.scatter [tilespmem:s7], [sflag:$0x2], $0x4000, $0x38;
	[tilespmem:$0x8C00] =	vst v63  }
0x129: {  	_ =	swait.ge [sflag:s3], $0x4000  }
0x12a: {  	[sflag:s3] =	ssyncset.done $0x0  }
0x12b: {  	[sflag:s3] =	ssyncadd.s32 $0xFFFFC000  }
0x12c: {  	[tilespmem:s7], [sflag:$0x1] =	stream.indirect.gather [hbm4b:s6+s8], $0x80, s24, s8, $0xb8;
	[tilespmem:$0x8C00] =	vst v63  }
0x12d: {  	_ =	swait.ge [sflag:s5], $0x4000  }
0x12e: {  	[sflag:s5] =	ssyncset.done $0x0  }
0x12f: {  	s0 =	rddreg [dreg:$0xa];
	[sflag:s5] =	ssyncadd.s32 $0xFFFFC000  }
0x130: {  	[hbm4b:s0+s2] =	stream.linear.scatter [tilespmem:s4], [sflag:$0x2], $0x4000, $0x38;
	[tilespmem:$0x8C00] =	vst v63  }
0x131: {  	_ =	swait.ge [sflag:s3], $0x4000  }
0x132: {  	[sflag:s3] =	ssyncset.done $0x0  }
0x133: {  	[sflag:s3] =	ssyncadd.s32 $0xFFFFC000  }
0x134: {  	[tilespmem:s4], [sflag:$0x1] =	stream.indirect.gather [hbm4b:s6+s8], $0x80, s23, s8, $0xb8;
	[tilespmem:$0x8C00] =	vst v63  }
0x135: {  	_ =	swait.ge [sflag:s5], $0x4000  }
0x136: {  	[sflag:s5] =	ssyncset.done $0x0  }
0x137: {  	s0 =	rddreg [dreg:$0xb];
	[sflag:s5] =	ssyncadd.s32 $0xFFFFC000  }
0x138: {  	[hbm4b:s0+s2] =	stream.linear.scatter [tilespmem:s7], [sflag:$0x2], $0x4000, $0x38;
	[tilespmem:$0x8C00] =	vst v63  }
0x139: {  	_ =	swait.ge [sflag:s3], $0x4000  }
0x13a: {  	[sflag:s3] =	ssyncset.done $0x0  }
0x13b: {  	[sflag:s3] =	ssyncadd.s32 $0xFFFFC000  }
0x13c: {  	[tilespmem:s7], [sflag:$0x1] =	stream.indirect.gather [hbm4b:s6+s8], $0x80, s22, s8, $0xb8;
	[tilespmem:$0x8C00] =	vst v63  }
0x13d: {  	_ =	swait.ge [sflag:s5], $0x4000  }
0x13e: {  	[sflag:s5] =	ssyncset.done $0x0  }
0x13f: {  	s0 =	rddreg [dreg:$0xc];
	[sflag:s5] =	ssyncadd.s32 $0xFFFFC000  }
0x140: {  	[hbm4b:s0+s2] =	stream.linear.scatter [tilespmem:s4], [sflag:$0x2], $0x4000, $0x38;
	[tilespmem:$0x8C00] =	vst v63  }
0x141: {  	_ =	swait.ge [sflag:s3], $0x4000  }
0x142: {  	[sflag:s3] =	ssyncset.done $0x0  }
0x143: {  	[sflag:s3] =	ssyncadd.s32 $0xFFFFC000  }
0x144: {  	[tilespmem:s4], [sflag:$0x1] =	stream.indirect.gather [hbm4b:s6+s8], $0x80, s21, s8, $0xb8;
	[tilespmem:$0x8C00] =	vst v63  }
0x145: {  	_ =	swait.ge [sflag:s5], $0x4000  }
0x146: {  	[sflag:s5] =	ssyncset.done $0x0  }
0x147: {  	s0 =	rddreg [dreg:$0xd];
	[sflag:s5] =	ssyncadd.s32 $0xFFFFC000  }
0x148: {  	[hbm4b:s0+s2] =	stream.linear.scatter [tilespmem:s7], [sflag:$0x2], $0x4000, $0x38;
	[tilespmem:$0x8C00] =	vst v63  }
0x149: {  	_ =	swait.ge [sflag:s3], $0x4000  }
0x14a: {  	[sflag:s3] =	ssyncset.done $0x0  }
0x14b: {  	[sflag:s3] =	ssyncadd.s32 $0xFFFFC000  }
0x14c: {  	[tilespmem:s7], [sflag:$0x1] =	stream.indirect.gather [hbm4b:s6+s8], $0x80, s20, s8, $0xb8;
	[tilespmem:$0x8C00] =	vst v63  }
0x14d: {  	_ =	swait.ge [sflag:s5], $0x4000  }
0x14e: {  	[sflag:s5] =	ssyncset.done $0x0  }
0x14f: {  	s0 =	rddreg [dreg:$0xe];
	[sflag:s5] =	ssyncadd.s32 $0xFFFFC000  }
0x150: {  	[hbm4b:s0+s2] =	stream.linear.scatter [tilespmem:s4], [sflag:$0x2], $0x4000, $0x38;
	[tilespmem:$0x8C00] =	vst v63  }
0x151: {  	_ =	swait.ge [sflag:s3], $0x4000  }
0x152: {  	[sflag:s3] =	ssyncset.done $0x0  }
0x153: {  	[sflag:s3] =	ssyncadd.s32 $0xFFFFC000  }
0x154: {  	[tilespmem:s4], [sflag:$0x1] =	stream.indirect.gather [hbm4b:s6+s8], $0x80, s19, s8, $0xb8;
	[tilespmem:$0x8C00] =	vst v63  }
0x155: {  	_ =	swait.ge [sflag:s5], $0x4000  }
0x156: {  	[sflag:s5] =	ssyncset.done $0x0  }
0x157: {  	s0 =	rddreg [dreg:$0xf];
	[sflag:s5] =	ssyncadd.s32 $0xFFFFC000  }
0x158: {  	[hbm4b:s0+s2] =	stream.linear.scatter [tilespmem:s7], [sflag:$0x2], $0x4000, $0x38;
	[tilespmem:$0x8C00] =	vst v63  }
0x159: {  	_ =	swait.ge [sflag:s3], $0x4000  }
0x15a: {  	[sflag:s3] =	ssyncset.done $0x0  }
0x15b: {  	[sflag:s3] =	ssyncadd.s32 $0xFFFFC000  }
0x15c: {  	[tilespmem:s7], [sflag:$0x1] =	stream.indirect.gather [hbm4b:s6+s8], $0x80, s18, s8, $0xb8;
	[tilespmem:$0x8C00] =	vst v63  }
0x15d: {  	_ =	swait.ge [sflag:s5], $0x4000  }
0x15e: {  	[sflag:s5] =	ssyncset.done $0x0  }
0x15f: {  	s0 =	rddreg [dreg:$0x10];
	[sflag:s5] =	ssyncadd.s32 $0xFFFFC000  }
0x160: {  	[hbm4b:s0+s2] =	stream.linear.scatter [tilespmem:s4], [sflag:$0x2], $0x4000, $0x38;
	[tilespmem:$0x8C00] =	vst v63  }
0x161: {  	_ =	swait.ge [sflag:s3], $0x4000  }
0x162: {  	[sflag:s3] =	ssyncset.done $0x0  }
0x163: {  	[sflag:s3] =	ssyncadd.s32 $0xFFFFC000  }
0x164: {  	[tilespmem:s4], [sflag:$0x1] =	stream.indirect.gather [hbm4b:s6+s8], $0x80, s17, s8, $0xb8;
	[tilespmem:$0x8C00] =	vst v63  }
0x165: {  	_ =	swait.ge [sflag:s5], $0x4000  }
0x166: {  	[sflag:s5] =	ssyncset.done $0x0  }
0x167: {  	s0 =	rddreg [dreg:$0x11];
	[sflag:s5] =	ssyncadd.s32 $0xFFFFC000  }
0x168: {  	[hbm4b:s0+s2] =	stream.linear.scatter [tilespmem:s7], [sflag:$0x2], $0x4000, $0x38;
	[tilespmem:$0x8C00] =	vst v63  }
0x169: {  	_ =	swait.ge [sflag:s3], $0x4000  }
0x16a: {  	[sflag:s3] =	ssyncset.done $0x0  }
0x16b: {  	[sflag:s3] =	ssyncadd.s32 $0xFFFFC000  }
0x16c: {  	[tilespmem:s7], [sflag:$0x1] =	stream.indirect.gather [hbm4b:s6+s8], $0x80, s16, s8, $0xb8;
	[tilespmem:$0x8C00] =	vst v63  }
0x16d: {  	_ =	swait.ge [sflag:s5], $0x4000  }
0x16e: {  	[sflag:s5] =	ssyncset.done $0x0  }
0x16f: {  	s0 =	rddreg [dreg:$0x12];
	[sflag:s5] =	ssyncadd.s32 $0xFFFFC000  }
0x170: {  	[hbm4b:s0+s2] =	stream.linear.scatter [tilespmem:s4], [sflag:$0x2], $0x4000, $0x38;
	[tilespmem:$0x8C00] =	vst v63  }
0x171: {  	_ =	swait.ge [sflag:s3], $0x4000  }
0x172: {  	[sflag:s3] =	ssyncset.done $0x0  }
0x173: {  	[sflag:s3] =	ssyncadd.s32 $0xFFFFC000  }
0x174: {  	[tilespmem:s4], [sflag:$0x1] =	stream.indirect.gather [hbm4b:s6+s8], $0x80, s15, s8, $0xb8;
	[tilespmem:$0x8C00] =	vst v63  }
0x175: {  	_ =	swait.ge [sflag:s5], $0x4000  }
0x176: {  	[sflag:s5] =	ssyncset.done $0x0  }
0x177: {  	s0 =	rddreg [dreg:$0x13];
	[sflag:s5] =	ssyncadd.s32 $0xFFFFC000  }
0x178: {  	[hbm4b:s0+s2] =	stream.linear.scatter [tilespmem:s7], [sflag:$0x2], $0x4000, $0x38;
	[tilespmem:$0x8C00] =	vst v63  }
0x179: {  	_ =	swait.ge [sflag:s3], $0x4000  }
0x17a: {  	[sflag:s3] =	ssyncset.done $0x0  }
0x17b: {  	[sflag:s3] =	ssyncadd.s32 $0xFFFFC000  }
0x17c: {  	[tilespmem:s7], [sflag:$0x1] =	stream.indirect.gather [hbm4b:s6+s8], $0x80, s14, s8, $0xb8;
	[tilespmem:$0x8C00] =	vst v63  }
0x17d: {  	_ =	swait.ge [sflag:s5], $0x4000  }
0x17e: {  	[sflag:s5] =	ssyncset.done $0x0  }
0x17f: {  	s0 =	rddreg [dreg:$0x14];
	[sflag:s5] =	ssyncadd.s32 $0xFFFFC000  }
0x180: {  	[hbm4b:s0+s2] =	stream.linear.scatter [tilespmem:s4], [sflag:$0x2], $0x4000, $0x38;
	[tilespmem:$0x8C00] =	vst v63  }
0x181: {  	_ =	swait.ge [sflag:s3], $0x4000  }
0x182: {  	[sflag:s3] =	ssyncset.done $0x0  }
0x183: {  	[sflag:s3] =	ssyncadd.s32 $0xFFFFC000  }
0x184: {  	[tilespmem:s4], [sflag:$0x1] =	stream.indirect.gather [hbm4b:s6+s8], $0x80, s13, s8, $0xb8;
	[tilespmem:$0x8C00] =	vst v63  }
0x185: {  	_ =	swait.ge [sflag:s5], $0x4000  }
0x186: {  	[sflag:s5] =	ssyncset.done $0x0  }
0x187: {  	s0 =	rddreg [dreg:$0x15];
	[sflag:s5] =	ssyncadd.s32 $0xFFFFC000  }
0x188: {  	[hbm4b:s0+s2] =	stream.linear.scatter [tilespmem:s7], [sflag:$0x2], $0x4000, $0x38;
	[tilespmem:$0x8C00] =	vst v63  }
0x189: {  	_ =	swait.ge [sflag:s3], $0x4000  }
0x18a: {  	[sflag:s3] =	ssyncset.done $0x0  }
0x18b: {  	[sflag:s3] =	ssyncadd.s32 $0xFFFFC000  }
0x18c: {  	[tilespmem:s7], [sflag:$0x1] =	stream.indirect.gather [hbm4b:s6+s8], $0x80, s12, s8, $0xb8;
	[tilespmem:$0x8C00] =	vst v63  }
0x18d: {  	_ =	swait.ge [sflag:s5], $0x4000  }
0x18e: {  	[sflag:s5] =	ssyncset.done $0x0  }
0x18f: {  	s0 =	rddreg [dreg:$0x16];
	[sflag:s5] =	ssyncadd.s32 $0xFFFFC000  }
0x190: {  	[hbm4b:s0+s2] =	stream.linear.scatter [tilespmem:s4], [sflag:$0x2], $0x4000, $0x38;
	[tilespmem:$0x8C00] =	vst v63  }
0x191: {  	_ =	swait.ge [sflag:s3], $0x4000  }
0x192: {  	[sflag:s3] =	ssyncset.done $0x0  }
0x193: {  	[sflag:s3] =	ssyncadd.s32 $0xFFFFC000  }
0x194: {  	[tilespmem:s4], [sflag:$0x1] =	stream.indirect.gather [hbm4b:s6+s8], $0x80, s11, s8, $0xb8;
	[tilespmem:$0x8C00] =	vst v63  }
0x195: {  	_ =	swait.ge [sflag:s5], $0x4000  }
0x196: {  	[sflag:s5] =	ssyncset.done $0x0  }
0x197: {  	s0 =	rddreg [dreg:$0x17];
	[sflag:s5] =	ssyncadd.s32 $0xFFFFC000  }
0x198: {  	[hbm4b:s0+s2] =	stream.linear.scatter [tilespmem:s7], [sflag:$0x2], $0x4000, $0x38;
	[tilespmem:$0x8C00] =	vst v63  }
0x199: {  	_ =	swait.ge [sflag:s3], $0x4000  }
0x19a: {  	[sflag:s3] =	ssyncset.done $0x0  }
0x19b: {  	[sflag:s3] =	ssyncadd.s32 $0xFFFFC000  }
0x19c: {  	[tilespmem:s7], [sflag:$0x1] =	stream.indirect.gather [hbm4b:s6+s8], $0x80, s10, s8, $0xb8;
	[tilespmem:$0x8C00] =	vst v63  }
0x19d: {  	_ =	swait.ge [sflag:s5], $0x4000  }
0x19e: {  	[sflag:s5] =	ssyncset.done $0x0  }
0x19f: {  	s0 =	rddreg [dreg:$0x18];
	[sflag:s5] =	ssyncadd.s32 $0xFFFFC000  }
0x1a0: {  	[hbm4b:s0+s2] =	stream.linear.scatter [tilespmem:s4], [sflag:$0x2], $0x4000, $0x38;
	[tilespmem:$0x8C00] =	vst v63  }
0x1a1: {  	_ =	swait.ge [sflag:s3], $0x4000  }
0x1a2: {  	[sflag:s3] =	ssyncset.done $0x0  }
0x1a3: {  	[sflag:s3] =	ssyncadd.s32 $0xFFFFC000  }
0x1a4: {  	[tilespmem:s4], [sflag:$0x1] =	stream.indirect.gather [hbm4b:s6+s8], $0x80, s9, s8, $0xb8;
	[tilespmem:$0x8C00] =	vst v63  }
0x1a5: {  	_ =	swait.ge [sflag:s5], $0x4000  }
0x1a6: {  	[sflag:s5] =	ssyncset.done $0x0  }
0x1a7: {  	s0 =	rddreg [dreg:$0x19];
	[sflag:s5] =	ssyncadd.s32 $0xFFFFC000  }
0x1a8: {  	[hbm4b:s0+s2] =	stream.linear.scatter [tilespmem:s7], [sflag:$0x2], $0x4000, $0x38;
	[tilespmem:$0x8C00] =	vst v63  }
0x1a9: {  	_ =	swait.ge [sflag:s5], $0x4000  }
0x1aa: {  	[sflag:s5] =	ssyncset.done $0x0  }
0x1ab: {  	p1 =	sne.s32 s1, $0x1;
	s0 =	rddreg [dreg:$0x1a];
	[sflag:s5] =	ssyncadd.s32 $0xFFFFC000  }
0x1ac: {  	[hbm4b:s0+s2] =	stream.linear.scatter [tilespmem:s4], [sflag:$0x2], $0x4000, $0x38;
	[tilespmem:$0x8C00] =	vst v63  }
.Ltmp2:
0x1ad: {  	_ =	swait.ge [sflag:s3], $0x4000;
	(pc) =	sbr.rel @p1 .LBB2_2-.Ltmp2, $4  }
0x1ae: {  	[sflag:s3] =	ssyncset.done $0x0  }
0x1af: {  	[sflag:s3] =	ssyncadd.s32 $0xFFFFC000  }
0x1b0: {  	_ =	swait.ge [sflag:s3], $0x4000  }
0x1b1: {  	s1 =	sadd.s32 $0xFFFFFFFF, s1;
	s0 =	rddreg [dreg:$0x2];
	[sflag:s3] =	ssyncset.done $0x0  }
.LBB2_3:
0x1b2: {  	[sflag:s3] =	ssyncadd.s32 @p0 $0xFFFFC000  }
0x1b3: {  	[tilespmem:s2], [sflag:$0x3] =	stream.linear.gather [hbm4b:s0+s2], $0xC00, $0x38;
	[tilespmem:$0x8C00] =	vst v63  }
0x1b4: {  	_ =	swait.ge [sflag:s31], $0xC00  }
0x1b5: {  	[sflag:s31] =	ssyncset.done $0x0  }
0x1b6: {  	[sflag:s31] =	ssyncadd.s32 $0xFFFFF400  }
0x1b7: {  	[tilespmem:s7], [sflag:$0x1] =	stream.indirect.gather [hbm4b:s6+s8], $0x80, s2, s8, $0xb8;
	[tilespmem:$0x8C00] =	vst v63  }
0x1b8: {  	_ = 	snop  }
0x1b9: {  	[tilespmem:s4], [sflag:$0x1] =	stream.indirect.gather [hbm4b:s6+s8], $0x80, s8, s8, $0xb8;
	[tilespmem:$0x8C00] =	vst v63  }
0x1ba: {  	_ =	swait.ge [sflag:s5], $0x4000  }
0x1bb: {  	[sflag:s5] =	ssyncset.done $0x0  }
0x1bc: {  	s31 =	rddreg [dreg:$0x3];
	[sflag:s5] =	ssyncadd.s32 $0xFFFFC000  }
0x1bd: {  	[hbm4b:s31+s2] =	stream.linear.scatter [tilespmem:s7], [sflag:$0x2], $0x4000, $0x38;
	[tilespmem:$0x8C00] =	vst v63  }
0x1be: {  	_ =	swait.ge [sflag:s3], $0x4000  }
0x1bf: {  	[sflag:s3] =	ssyncset.done $0x0  }
0x1c0: {  	s1 =	rddreg [dreg:$0x1b];
	[sflag:s3] =	ssyncadd.s32 $0xFFFFC000  }
0x1c1: {  	[tilespmem:s7], [sflag:$0x1] =	stream.indirect.gather [hbm4b:s6+s8], $0x80, s1, s8, $0xb8;
	[tilespmem:$0x8C00] =	vst v63  }
0x1c2: {  	_ =	swait.ge [sflag:s5], $0x4000  }
0x1c3: {  	[sflag:s5] =	ssyncset.done $0x0  }
0x1c4: {  	s31 =	rddreg [dreg:$0x4];
	[sflag:s5] =	ssyncadd.s32 $0xFFFFC000  }
0x1c5: {  	[hbm4b:s31+s2] =	stream.linear.scatter [tilespmem:s4], [sflag:$0x2], $0x4000, $0x38;
	[tilespmem:$0x8C00] =	vst v63  }
0x1c6: {  	_ =	swait.ge [sflag:s3], $0x4000  }
0x1c7: {  	[sflag:s3] =	ssyncset.done $0x0  }
0x1c8: {  	[sflag:s3] =	ssyncadd.s32 $0xFFFFC000  }
0x1c9: {  	[tilespmem:s4], [sflag:$0x1] =	stream.indirect.gather [hbm4b:s6+s8], $0x80, s30, s8, $0xb8;
	[tilespmem:$0x8C00] =	vst v63  }
0x1ca: {  	_ =	swait.ge [sflag:s5], $0x4000  }
0x1cb: {  	[sflag:s5] =	ssyncset.done $0x0  }
0x1cc: {  	s1 =	rddreg [dreg:$0x5];
	[sflag:s5] =	ssyncadd.s32 $0xFFFFC000  }
0x1cd: {  	[hbm4b:s1+s2] =	stream.linear.scatter [tilespmem:s7], [sflag:$0x2], $0x4000, $0x38;
	[tilespmem:$0x8C00] =	vst v63  }
0x1ce: {  	_ =	swait.ge [sflag:s3], $0x4000  }
0x1cf: {  	[sflag:s3] =	ssyncset.done $0x0  }
0x1d0: {  	[sflag:s3] =	ssyncadd.s32 $0xFFFFC000  }
0x1d1: {  	[tilespmem:s7], [sflag:$0x1] =	stream.indirect.gather [hbm4b:s6+s8], $0x80, s29, s8, $0xb8;
	[tilespmem:$0x8C00] =	vst v63  }
0x1d2: {  	_ =	swait.ge [sflag:s5], $0x4000  }
0x1d3: {  	[sflag:s5] =	ssyncset.done $0x0  }
0x1d4: {  	s30 =	rddreg [dreg:$0x6];
	[sflag:s5] =	ssyncadd.s32 $0xFFFFC000  }
0x1d5: {  	[hbm4b:s30+s2] =	stream.linear.scatter [tilespmem:s4], [sflag:$0x2], $0x4000, $0x38;
	[tilespmem:$0x8C00] =	vst v63  }
0x1d6: {  	_ =	swait.ge [sflag:s3], $0x4000  }
0x1d7: {  	[sflag:s3] =	ssyncset.done $0x0  }
0x1d8: {  	[sflag:s3] =	ssyncadd.s32 $0xFFFFC000  }
0x1d9: {  	[tilespmem:s4], [sflag:$0x1] =	stream.indirect.gather [hbm4b:s6+s8], $0x80, s28, s8, $0xb8;
	[tilespmem:$0x8C00] =	vst v63  }
0x1da: {  	_ =	swait.ge [sflag:s5], $0x4000  }
0x1db: {  	[sflag:s5] =	ssyncset.done $0x0  }
0x1dc: {  	s31 =	rddreg [dreg:$0x7];
	[sflag:s5] =	ssyncadd.s32 $0xFFFFC000  }
0x1dd: {  	[hbm4b:s31+s2] =	stream.linear.scatter [tilespmem:s7], [sflag:$0x2], $0x4000, $0x38;
	[tilespmem:$0x8C00] =	vst v63  }
0x1de: {  	_ =	swait.ge [sflag:s3], $0x4000  }
0x1df: {  	[sflag:s3] =	ssyncset.done $0x0  }
0x1e0: {  	[sflag:s3] =	ssyncadd.s32 $0xFFFFC000  }
0x1e1: {  	[tilespmem:s7], [sflag:$0x1] =	stream.indirect.gather [hbm4b:s6+s8], $0x80, s26, s8, $0xb8;
	[tilespmem:$0x8C00] =	vst v63  }
0x1e2: {  	_ =	swait.ge [sflag:s5], $0x4000  }
0x1e3: {  	[sflag:s5] =	ssyncset.done $0x0  }
0x1e4: {  	s1 =	rddreg [dreg:$0x8];
	[sflag:s5] =	ssyncadd.s32 $0xFFFFC000  }
0x1e5: {  	[hbm4b:s1+s2] =	stream.linear.scatter [tilespmem:s4], [sflag:$0x2], $0x4000, $0x38;
	[tilespmem:$0x8C00] =	vst v63  }
0x1e6: {  	_ =	swait.ge [sflag:s3], $0x4000  }
0x1e7: {  	[sflag:s3] =	ssyncset.done $0x0  }
0x1e8: {  	[sflag:s3] =	ssyncadd.s32 $0xFFFFC000  }
0x1e9: {  	[tilespmem:s4], [sflag:$0x1] =	stream.indirect.gather [hbm4b:s6+s8], $0x80, s25, s8, $0xb8;
	[tilespmem:$0x8C00] =	vst v63  }
0x1ea: {  	_ =	swait.ge [sflag:s5], $0x4000  }
0x1eb: {  	[sflag:s5] =	ssyncset.done $0x0  }
0x1ec: {  	s25 =	rddreg [dreg:$0x9];
	[sflag:s5] =	ssyncadd.s32 $0xFFFFC000  }
0x1ed: {  	[hbm4b:s25+s2] =	stream.linear.scatter [tilespmem:s7], [sflag:$0x2], $0x4000, $0x38;
	[tilespmem:$0x8C00] =	vst v63  }
0x1ee: {  	_ =	swait.ge [sflag:s3], $0x4000  }
0x1ef: {  	[sflag:s3] =	ssyncset.done $0x0  }
0x1f0: {  	[sflag:s3] =	ssyncadd.s32 $0xFFFFC000  }
0x1f1: {  	[tilespmem:s7], [sflag:$0x1] =	stream.indirect.gather [hbm4b:s6+s8], $0x80, s24, s8, $0xb8;
	[tilespmem:$0x8C00] =	vst v63  }
0x1f2: {  	_ =	swait.ge [sflag:s5], $0x4000  }
0x1f3: {  	[sflag:s5] =	ssyncset.done $0x0  }
0x1f4: {  	s26 =	rddreg [dreg:$0xa];
	[sflag:s5] =	ssyncadd.s32 $0xFFFFC000  }
0x1f5: {  	[hbm4b:s26+s2] =	stream.linear.scatter [tilespmem:s4], [sflag:$0x2], $0x4000, $0x38;
	[tilespmem:$0x8C00] =	vst v63  }
0x1f6: {  	_ =	swait.ge [sflag:s3], $0x4000  }
0x1f7: {  	[sflag:s3] =	ssyncset.done $0x0  }
0x1f8: {  	[sflag:s3] =	ssyncadd.s32 $0xFFFFC000  }
0x1f9: {  	[tilespmem:s4], [sflag:$0x1] =	stream.indirect.gather [hbm4b:s6+s8], $0x80, s23, s8, $0xb8;
	[tilespmem:$0x8C00] =	vst v63  }
0x1fa: {  	_ =	swait.ge [sflag:s5], $0x4000  }
0x1fb: {  	[sflag:s5] =	ssyncset.done $0x0  }
0x1fc: {  	s28 =	rddreg [dreg:$0xb];
	[sflag:s5] =	ssyncadd.s32 $0xFFFFC000  }
0x1fd: {  	[hbm4b:s28+s2] =	stream.linear.scatter [tilespmem:s7], [sflag:$0x2], $0x4000, $0x38;
	[tilespmem:$0x8C00] =	vst v63  }
0x1fe: {  	_ =	swait.ge [sflag:s3], $0x4000  }
0x1ff: {  	[sflag:s3] =	ssyncset.done $0x0  }
0x200: {  	[sflag:s3] =	ssyncadd.s32 $0xFFFFC000  }
0x201: {  	[tilespmem:s7], [sflag:$0x1] =	stream.indirect.gather [hbm4b:s6+s8], $0x80, s22, s8, $0xb8;
	[tilespmem:$0x8C00] =	vst v63  }
0x202: {  	_ =	swait.ge [sflag:s5], $0x4000  }
0x203: {  	[sflag:s5] =	ssyncset.done $0x0  }
0x204: {  	s29 =	rddreg [dreg:$0xc];
	[sflag:s5] =	ssyncadd.s32 $0xFFFFC000  }
0x205: {  	[hbm4b:s29+s2] =	stream.linear.scatter [tilespmem:s4], [sflag:$0x2], $0x4000, $0x38;
	[tilespmem:$0x8C00] =	vst v63  }
0x206: {  	_ =	swait.ge [sflag:s3], $0x4000  }
0x207: {  	[sflag:s3] =	ssyncset.done $0x0  }
0x208: {  	[sflag:s3] =	ssyncadd.s32 $0xFFFFC000  }
0x209: {  	[tilespmem:s4], [sflag:$0x1] =	stream.indirect.gather [hbm4b:s6+s8], $0x80, s21, s8, $0xb8;
	[tilespmem:$0x8C00] =	vst v63  }
0x20a: {  	_ =	swait.ge [sflag:s5], $0x4000  }
0x20b: {  	[sflag:s5] =	ssyncset.done $0x0  }
0x20c: {  	s30 =	rddreg [dreg:$0xd];
	[sflag:s5] =	ssyncadd.s32 $0xFFFFC000  }
0x20d: {  	[hbm4b:s30+s2] =	stream.linear.scatter [tilespmem:s7], [sflag:$0x2], $0x4000, $0x38;
	[tilespmem:$0x8C00] =	vst v63  }
0x20e: {  	_ =	swait.ge [sflag:s3], $0x4000  }
0x20f: {  	[sflag:s3] =	ssyncset.done $0x0  }
0x210: {  	[sflag:s3] =	ssyncadd.s32 $0xFFFFC000  }
0x211: {  	[tilespmem:s7], [sflag:$0x1] =	stream.indirect.gather [hbm4b:s6+s8], $0x80, s20, s8, $0xb8;
	[tilespmem:$0x8C00] =	vst v63  }
0x212: {  	_ =	swait.ge [sflag:s5], $0x4000  }
0x213: {  	[sflag:s5] =	ssyncset.done $0x0  }
0x214: {  	s31 =	rddreg [dreg:$0xe];
	[sflag:s5] =	ssyncadd.s32 $0xFFFFC000  }
0x215: {  	[hbm4b:s31+s2] =	stream.linear.scatter [tilespmem:s4], [sflag:$0x2], $0x4000, $0x38;
	[tilespmem:$0x8C00] =	vst v63  }
0x216: {  	_ =	swait.ge [sflag:s3], $0x4000  }
0x217: {  	[sflag:s3] =	ssyncset.done $0x0  }
0x218: {  	[sflag:s3] =	ssyncadd.s32 $0xFFFFC000  }
0x219: {  	[tilespmem:s4], [sflag:$0x1] =	stream.indirect.gather [hbm4b:s6+s8], $0x80, s19, s8, $0xb8;
	[tilespmem:$0x8C00] =	vst v63  }
0x21a: {  	_ =	swait.ge [sflag:s5], $0x4000  }
0x21b: {  	[sflag:s5] =	ssyncset.done $0x0  }
0x21c: {  	s1 =	rddreg [dreg:$0xf];
	[sflag:s5] =	ssyncadd.s32 $0xFFFFC000  }
0x21d: {  	[hbm4b:s1+s2] =	stream.linear.scatter [tilespmem:s7], [sflag:$0x2], $0x4000, $0x38;
	[tilespmem:$0x8C00] =	vst v63  }
0x21e: {  	_ =	swait.ge [sflag:s3], $0x4000  }
0x21f: {  	[sflag:s3] =	ssyncset.done $0x0  }
0x220: {  	[sflag:s3] =	ssyncadd.s32 $0xFFFFC000  }
0x221: {  	[tilespmem:s7], [sflag:$0x1] =	stream.indirect.gather [hbm4b:s6+s8], $0x80, s18, s8, $0xb8;
	[tilespmem:$0x8C00] =	vst v63  }
0x222: {  	_ =	swait.ge [sflag:s5], $0x4000  }
0x223: {  	[sflag:s5] =	ssyncset.done $0x0  }
0x224: {  	s19 =	rddreg [dreg:$0x10];
	[sflag:s5] =	ssyncadd.s32 $0xFFFFC000  }
0x225: {  	[hbm4b:s19+s2] =	stream.linear.scatter [tilespmem:s4], [sflag:$0x2], $0x4000, $0x38;
	[tilespmem:$0x8C00] =	vst v63  }
0x226: {  	_ =	swait.ge [sflag:s3], $0x4000  }
0x227: {  	[sflag:s3] =	ssyncset.done $0x0  }
0x228: {  	[sflag:s3] =	ssyncadd.s32 $0xFFFFC000  }
0x229: {  	[tilespmem:s4], [sflag:$0x1] =	stream.indirect.gather [hbm4b:s6+s8], $0x80, s17, s8, $0xb8;
	[tilespmem:$0x8C00] =	vst v63  }
0x22a: {  	_ =	swait.ge [sflag:s5], $0x4000  }
0x22b: {  	[sflag:s5] =	ssyncset.done $0x0  }
0x22c: {  	s20 =	rddreg [dreg:$0x11];
	[sflag:s5] =	ssyncadd.s32 $0xFFFFC000  }
0x22d: {  	[hbm4b:s20+s2] =	stream.linear.scatter [tilespmem:s7], [sflag:$0x2], $0x4000, $0x38;
	[tilespmem:$0x8C00] =	vst v63  }
0x22e: {  	_ =	swait.ge [sflag:s3], $0x4000  }
0x22f: {  	[sflag:s3] =	ssyncset.done $0x0  }
0x230: {  	[sflag:s3] =	ssyncadd.s32 $0xFFFFC000  }
0x231: {  	[tilespmem:s7], [sflag:$0x1] =	stream.indirect.gather [hbm4b:s6+s8], $0x80, s16, s8, $0xb8;
	[tilespmem:$0x8C00] =	vst v63  }
0x232: {  	_ =	swait.ge [sflag:s5], $0x4000  }
0x233: {  	[sflag:s5] =	ssyncset.done $0x0  }
0x234: {  	s21 =	rddreg [dreg:$0x12];
	[sflag:s5] =	ssyncadd.s32 $0xFFFFC000  }
0x235: {  	[hbm4b:s21+s2] =	stream.linear.scatter [tilespmem:s4], [sflag:$0x2], $0x4000, $0x38;
	[tilespmem:$0x8C00] =	vst v63  }
0x236: {  	_ =	swait.ge [sflag:s3], $0x4000  }
0x237: {  	[sflag:s3] =	ssyncset.done $0x0  }
0x238: {  	[sflag:s3] =	ssyncadd.s32 $0xFFFFC000  }
0x239: {  	[tilespmem:s4], [sflag:$0x1] =	stream.indirect.gather [hbm4b:s6+s8], $0x80, s15, s8, $0xb8;
	[tilespmem:$0x8C00] =	vst v63  }
0x23a: {  	_ =	swait.ge [sflag:s5], $0x4000  }
0x23b: {  	[sflag:s5] =	ssyncset.done $0x0  }
0x23c: {  	s22 =	rddreg [dreg:$0x13];
	[sflag:s5] =	ssyncadd.s32 $0xFFFFC000  }
0x23d: {  	[hbm4b:s22+s2] =	stream.linear.scatter [tilespmem:s7], [sflag:$0x2], $0x4000, $0x38;
	[tilespmem:$0x8C00] =	vst v63  }
0x23e: {  	_ =	swait.ge [sflag:s3], $0x4000  }
0x23f: {  	[sflag:s3] =	ssyncset.done $0x0  }
0x240: {  	[sflag:s3] =	ssyncadd.s32 $0xFFFFC000  }
0x241: {  	[tilespmem:s7], [sflag:$0x1] =	stream.indirect.gather [hbm4b:s6+s8], $0x80, s14, s8, $0xb8;
	[tilespmem:$0x8C00] =	vst v63  }
0x242: {  	_ =	swait.ge [sflag:s5], $0x4000  }
0x243: {  	[sflag:s5] =	ssyncset.done $0x0  }
0x244: {  	s23 =	rddreg [dreg:$0x14];
	[sflag:s5] =	ssyncadd.s32 $0xFFFFC000  }
0x245: {  	[hbm4b:s23+s2] =	stream.linear.scatter [tilespmem:s4], [sflag:$0x2], $0x4000, $0x38;
	[tilespmem:$0x8C00] =	vst v63  }
0x246: {  	_ =	swait.ge [sflag:s3], $0x4000  }
0x247: {  	[sflag:s3] =	ssyncset.done $0x0  }
0x248: {  	[sflag:s3] =	ssyncadd.s32 $0xFFFFC000  }
0x249: {  	[tilespmem:s4], [sflag:$0x1] =	stream.indirect.gather [hbm4b:s6+s8], $0x80, s13, s8, $0xb8;
	[tilespmem:$0x8C00] =	vst v63  }
0x24a: {  	_ =	swait.ge [sflag:s5], $0x4000  }
0x24b: {  	[sflag:s5] =	ssyncset.done $0x0  }
0x24c: {  	s24 =	rddreg [dreg:$0x15];
	[sflag:s5] =	ssyncadd.s32 $0xFFFFC000  }
0x24d: {  	[hbm4b:s24+s2] =	stream.linear.scatter [tilespmem:s7], [sflag:$0x2], $0x4000, $0x38;
	[tilespmem:$0x8C00] =	vst v63  }
0x24e: {  	_ =	swait.ge [sflag:s3], $0x4000  }
0x24f: {  	[sflag:s3] =	ssyncset.done $0x0  }
0x250: {  	[sflag:s3] =	ssyncadd.s32 $0xFFFFC000  }
0x251: {  	[tilespmem:s7], [sflag:$0x1] =	stream.indirect.gather [hbm4b:s6+s8], $0x80, s12, s8, $0xb8;
	[tilespmem:$0x8C00] =	vst v63  }
0x252: {  	_ =	swait.ge [sflag:s5], $0x4000  }
0x253: {  	[sflag:s5] =	ssyncset.done $0x0  }
0x254: {  	s25 =	rddreg [dreg:$0x16];
	[sflag:s5] =	ssyncadd.s32 $0xFFFFC000  }
0x255: {  	[hbm4b:s25+s2] =	stream.linear.scatter [tilespmem:s4], [sflag:$0x2], $0x4000, $0x38;
	[tilespmem:$0x8C00] =	vst v63  }
0x256: {  	_ =	swait.ge [sflag:s3], $0x4000  }
0x257: {  	[sflag:s3] =	ssyncset.done $0x0  }
0x258: {  	[sflag:s3] =	ssyncadd.s32 $0xFFFFC000  }
0x259: {  	[tilespmem:s4], [sflag:$0x1] =	stream.indirect.gather [hbm4b:s6+s8], $0x80, s11, s8, $0xb8;
	[tilespmem:$0x8C00] =	vst v63  }
0x25a: {  	_ =	swait.ge [sflag:s5], $0x4000  }
0x25b: {  	[sflag:s5] =	ssyncset.done $0x0  }
0x25c: {  	s26 =	rddreg [dreg:$0x17];
	[sflag:s5] =	ssyncadd.s32 $0xFFFFC000  }
0x25d: {  	[hbm4b:s26+s2] =	stream.linear.scatter [tilespmem:s7], [sflag:$0x2], $0x4000, $0x38;
	[tilespmem:$0x8C00] =	vst v63  }
0x25e: {  	_ =	swait.ge [sflag:s3], $0x4000  }
0x25f: {  	[sflag:s3] =	ssyncset.done $0x0  }
0x260: {  	[sflag:s3] =	ssyncadd.s32 $0xFFFFC000  }
0x261: {  	[tilespmem:s7], [sflag:$0x1] =	stream.indirect.gather [hbm4b:s6+s8], $0x80, s10, s8, $0xb8;
	[tilespmem:$0x8C00] =	vst v63  }
0x262: {  	_ =	swait.ge [sflag:s5], $0x4000  }
0x263: {  	[sflag:s5] =	ssyncset.done $0x0  }
0x264: {  	s28 =	rddreg [dreg:$0x18];
	[sflag:s5] =	ssyncadd.s32 $0xFFFFC000  }
0x265: {  	[hbm4b:s28+s2] =	stream.linear.scatter [tilespmem:s4], [sflag:$0x2], $0x4000, $0x38;
	[tilespmem:$0x8C00] =	vst v63  }
0x266: {  	_ =	swait.ge [sflag:s3], $0x4000  }
0x267: {  	[sflag:s3] =	ssyncset.done $0x0  }
0x268: {  	[sflag:s3] =	ssyncadd.s32 $0xFFFFC000  }
0x269: {  	[tilespmem:s4], [sflag:$0x1] =	stream.indirect.gather [hbm4b:s6+s8], $0x80, s9, s8, $0xb8;
	[tilespmem:$0x8C00] =	vst v63  }
0x26a: {  	_ =	swait.ge [sflag:s5], $0x4000  }
0x26b: {  	[sflag:s5] =	ssyncset.done $0x0  }
0x26c: {  	s29 =	rddreg [dreg:$0x19];
	[sflag:s5] =	ssyncadd.s32 $0xFFFFC000  }
0x26d: {  	[hbm4b:s29+s2] =	stream.linear.scatter [tilespmem:s7], [sflag:$0x2], $0x4000, $0x38;
	[tilespmem:$0x8C00] =	vst v63  }
0x26e: {  	_ =	swait.ge [sflag:s5], $0x4000  }
0x26f: {  	[sflag:s5] =	ssyncset.done $0x0  }
0x270: {  	s30 =	rddreg [dreg:$0x1a];
	[sflag:s5] =	ssyncadd.s32 $0xFFFFC000  }
0x271: {  	[hbm4b:s30+s2] =	stream.linear.scatter [tilespmem:s4], [sflag:$0x2], $0x4000, $0x38;
	[tilespmem:$0x8C00] =	vst v63  }
0x272: {  	_ =	swait.ge [sflag:s3], $0x4000  }
0x273: {  	[sflag:s3] =	ssyncset.done $0x0  }
0x274: {  	[sflag:s3] =	ssyncadd.s32 $0xFFFFC000  }
0x275: {  	_ =	swait.ge [sflag:s3], $0x4000  }
0x276: {  	[sflag:s3] =	ssyncset.done $0x0  }
0x277: {  	[sflag:s3] =	ssyncadd.s32 $0xFFFFC000  }
0x278: {  	_ =	sfence.sel $0x180000  }
0x279: {  	[bflag:$0x0] =	sbarrier.arrive $0xFFFF  }
0x27a: {  	_ =	strace $0x90000047  }
0x27b: {  	s31 =	stileid.u32;
	[bflag:$0x2] =	sbarrier.arrive $0xFFFF  }
0x27c: {  	p0 =	sne.s32 s31, $0x0;
	s0 =	rddreg [dreg:$0x1]  }
0x27d: {  	s0 =	sadd.s32 @!p0 $0x100000, s0  }
0x27e: {  	[sflag:s0] =	ssyncadd.tile.s32 @!p0 $0x1;
	_ =	shalt  }
.Lfunc_end2:
_tile_overlayer_lowered:
.L_overlay_start_2:
0x27f: {  	(tag) =	ssettag $0x2  }
0x280: {  	s0 =	rddreg [dreg:$0x0];
	s2 =	stileid.u32  }
0x281: {  	s1 =	rddreg [dreg:$0x1];
	p0 =	sne.s32 s2, $0x0  }
0x282: {  	s3 =	rddreg [dreg:$0x2];
	[bflag:$0x3] =	sbarrier.arrive $0xFFFF;
	s2 =	simm.s32 @!p0 $0x1C03  }
0x283: {  	[timem:s3], [sflag:s2] =	dma.local @!p0 [hbm:s0], s1  }
0x284: {  	s0 =	simm.s32 @!p0 $0x3  }
0x285: {  	_ =	swait.ge @!p0 [sflag:s0], s1  }
0x286: {  	s1 =	ssub.s32 @!p0 $0x0, s1;
	[sflag:s0] =	ssyncset.done @!p0 $0x0  }
0x287: {  	[sflag:s0] =	ssyncadd.s32 @!p0 s1  }
0x288: {  	[bflag:$0x3] =	sbarrier.arrive $0xFFFF  }
0x289: {  	_ =	shalt  }

</sc_bundles>
